<compile_context>
chip_gen: v7x
topology: tpu7x:2x2x1
jax: 0.10.2.dev20260603
libtpu: 0.0.44.dev20260713+nightly
codegen_flags: <defaults>
</compile_context>

<pallas_src>
import functools

import jax
import jax.numpy as jnp
from jax import lax
from jax.experimental import pallas as pl
from jax.experimental.pallas import tpu as pltpu
from jax.experimental.pallas import tpu_sc as plsc

def _bf16_rne(x):
    b = jax.lax.bitcast_convert_type(x, jnp.int32)
    r = b + jnp.int32(0x7FFF) + ((b >> 16) & 1)
    r = r & jnp.int32(-65536)
    return jax.lax.bitcast_convert_type(r, jnp.float32)


def _edgeconv_body(N, F, K, R, ev_ref, cols_ref, sqr_ref, fh_ref, fl_ref,
                   Wd_ref, W2_ref, b_ref, out_ref, d2_s, msum_s):
    ev = ev_ref[0]
    feats_r = ev[:, :F]
    xr = _bf16_rne(ev[:, 0:1])
    yr = _bf16_rne(ev[:, 1:2])
    sqr = sqr_ref[0]
    xc = _bf16_rne(cols_ref[0, 0:1, :])
    yc = _bf16_rne(cols_ref[0, 1:2, :])
    sqc = cols_ref[0, 2:3, :]
    dot = xr * xc + yr * yc
    d2 = (sqr + sqc) - 2.0 * dot
    col = jax.lax.broadcasted_iota(jnp.int32, (R, N), 1)
    bits = jax.lax.bitcast_convert_type(d2, jnp.int32)
    pki = (bits & jnp.int32(-2048)) | col
    fk = jax.lax.bitcast_convert_type(pki, jnp.float32)
    msum_s[...] = fk
    H = N // 2
    lo = fk[:, :H]
    hi = fk[:, H:]
    d2_s[:, :H] = jnp.minimum(lo, hi)
    d2_s[:, H:] = jnp.maximum(lo, hi)

    m_first = None
    m_last = None
    for t in range(K + 1):
        av = d2_s[:, :H]
        m = jnp.min(av, axis=1, keepdims=True)
        if t == 0:
            m_first = m
        m_last = m
        if t < K:
            bv = d2_s[:, H:]
            sel = av == m
            d2_s[:, :H] = jnp.where(sel, bv, av)
            if t < K - 1:
                d2_s[:, H:] = jnp.where(sel, jnp.float32(jnp.inf), bv)

    fk0 = msum_s[...]
    sel = jnp.logical_and(fk0 <= m_last, fk0 != m_first)
    mask = sel.astype(jnp.float32)

    mask_bf = mask.astype(jnp.bfloat16)
    fh = fh_ref[0].astype(jnp.bfloat16)
    fl = fl_ref[0].astype(jnp.bfloat16)
    mean = ((jax.lax.dot_general(mask_bf, fh, (((1,), (0,)), ((), ())),
                                 preferred_element_type=jnp.float32)
             + jax.lax.dot_general(mask_bf, fl, (((1,), (0,)), ((), ())),
                                   preferred_element_type=jnp.float32))
            * (1.0 / K))
    avg = (jax.lax.dot_general(feats_r, Wd_ref[...], (((1,), (0,)), ((), ())),
                               precision=jax.lax.Precision.HIGHEST,
                               preferred_element_type=jnp.float32)
           + jax.lax.dot_general(mean, W2_ref[...], (((1,), (0,)), ((), ())),
                                 precision=jax.lax.Precision.HIGHEST,
                                 preferred_element_type=jnp.float32)
           + b_ref[...])
    val = jnp.concatenate([avg, feats_r], axis=1)
    val = jnp.where(val >= 0.0, val, 0.2 * val)
    ones = jnp.ones((R, 1), jnp.float32)
    out_ref[0] = jnp.concatenate([val, ones], axis=1)


def _make_kernel(N, F, K, R, out_w, interpret=False):

    def run(events, W, b):
        B, n, fp1 = events.shape
        assert n == N and fp1 == F + 1
        x = events[:, :, 0]
        y = events[:, :, 1]
        sq = x * x + y * y
        cols = jnp.stack([x, y, sq], axis=1)
        sqr = sq[:, :, None]
        feats = events[:, :, :F]
        fh = _bf16_rne(feats)
        fl = _bf16_rne(feats - fh)
        Wd = W[:F] - W[F:]
        W2 = W[F:]
        bb = b.reshape(1, -1)
        grid = (B, N // R)
        body = functools.partial(_edgeconv_body, N, F, K, R)
        return pl.pallas_call(
            body,
            grid=grid,
            in_specs=[
                pl.BlockSpec((1, R, F + 1), lambda bi, ri: (bi, ri, 0)),
                pl.BlockSpec((1, 3, N), lambda bi, ri: (bi, 0, 0)),
                pl.BlockSpec((1, R, 1), lambda bi, ri: (bi, ri, 0)),
                pl.BlockSpec((1, N, F), lambda bi, ri: (bi, 0, 0)),
                pl.BlockSpec((1, N, F), lambda bi, ri: (bi, 0, 0)),
                pl.BlockSpec((F, W.shape[1]), lambda bi, ri: (0, 0)),
                pl.BlockSpec((F, W.shape[1]), lambda bi, ri: (0, 0)),
                pl.BlockSpec((1, W.shape[1]), lambda bi, ri: (0, 0)),
            ],
            out_specs=pl.BlockSpec((1, R, out_w), lambda bi, ri: (bi, ri, 0)),
            out_shape=jax.ShapeDtypeStruct((B, N, out_w), jnp.float32),
            scratch_shapes=[
                pltpu.VMEM((R, N), jnp.float32),
                pltpu.VMEM((R, N), jnp.float32),
            ],
            interpret=interpret,
        )(events, cols, sqr, fh, fl, Wd, W2, bb)

    return run


_IMAX = 0x7FFFFFFF


def _make_sc_knn_mean(E, N, F, K):
    NW = 32
    L = 16
    CH = N // L
    RPT = E * N // NW
    TPE = N // RPT
    mesh = plsc.VectorSubcoreMesh(core_axis_name="c", subcore_axis_name="s")

    @functools.partial(
        pl.kernel,
        out_type=jax.ShapeDtypeStruct((E, N * F), jnp.float32),
        mesh=mesh,
        compiler_params=pltpu.CompilerParams(needs_layout_passes=False),
        scratch_types=[
            pltpu.VMEM((N,), jnp.float32),
            pltpu.VMEM((N,), jnp.float32),
            pltpu.VMEM((N,), jnp.float32),
            pltpu.VMEM((N * F,), jnp.float32),
            pltpu.VMEM((RPT * F,), jnp.float32),
            pltpu.SMEM((RPT,), jnp.float32),
            pltpu.SMEM((RPT,), jnp.float32),
            pltpu.SMEM((RPT,), jnp.float32),
        ],
    )
    def knn(xb_h, yb_h, sq_h, feats_h, mean_h, xb_v, yb_v, sq_v, feats_v,
            out_v, x_sm, y_sm, sq_sm):
        wid = lax.axis_index("s") * 2 + lax.axis_index("c")
        e = wid // TPE
        r0 = (wid % TPE) * RPT
        pltpu.sync_copy(xb_h.at[e], xb_v)
        pltpu.sync_copy(yb_h.at[e], yb_v)
        pltpu.sync_copy(sq_h.at[e], sq_v)
        pltpu.sync_copy(feats_h.at[e], feats_v)
        lane = lax.iota(jnp.int32, L)

        def fill_body(q, carry):
            rb = q * L
            rx = xb_v[pl.ds(r0 + rb, L)]
            ry = yb_v[pl.ds(r0 + rb, L)]
            rq = sq_v[pl.ds(r0 + rb, L)]
            for i in range(L):
                x_sm[rb + i] = rx[i]
                y_sm[rb + i] = ry[i]
                sq_sm[rb + i] = rq[i]
            return carry

        lax.fori_loop(0, RPT // L, fill_body, 0)
        imax_v = jnp.full((L,), _IMAX, jnp.int32)
        SUP = 8
        NSUP = CH // SUP

        def row_body(r, carry):
            xi = x_sm[r]
            yi = y_sm[r]
            sqi = sq_sm[r]

            def sup_body(s, st):
                base = s * (SUP * L)
                pks = []
                mm = None
                for u in range(SUP):
                    b2 = base + u * L
                    kx = xb_v[pl.ds(b2, L)]
                    ky = yb_v[pl.ds(b2, L)]
                    ksq = sq_v[pl.ds(b2, L)]
                    dot = xi * kx + yi * ky
                    d2 = (sqi + ksq) - 2.0 * dot
                    bits = lax.bitcast_convert_type(d2, jnp.int32)
                    skey = jnp.where(bits < 0, bits ^ jnp.int32(_IMAX), bits)
                    pk = (skey & jnp.int32(-2048)) | (b2 + lane)
                    pks.append(pk)
                    mm = pk if mm is None else jnp.minimum(mm, pk)
                m0 = jnp.min(mm)

                def process(st2):
                    for u in range(SUP):
                        pk_u = pks[u]
                        best_u, g_u, thr_u = st2

                        def merge(_):
                            cdesc = plsc.sort_key_val(
                                pk_u, pk_u, descending=True)[0]
                            ls = plsc.sort_key_val(
                                jnp.minimum(best_u, cdesc), lane)[0]
                            l0 = ls[0]
                            new_g = jnp.minimum(g_u, l0)
                            repl = jnp.maximum(g_u, l0)
                            best2 = plsc.sort_key_val(
                                jnp.where(lane == 0, repl, ls), lane)[0]
                            return best2, new_g, best2[L - 1]

                        mu = jnp.min(pk_u)
                        st2 = lax.cond(mu < thr_u, merge, lambda _: st2, 0)
                    return st2

                return lax.cond(m0 < st[2], process, lambda s2: s2, st)

            init = (imax_v, jnp.int32(_IMAX), jnp.int32(_IMAX))
            best, _, _ = lax.fori_loop(0, NSUP, sup_body, init)
            bidx = best & jnp.int32(2047)

            acc = jnp.zeros((L,), jnp.float32)
            for t in range(K):
                acc = acc + feats_v[pl.ds(bidx[t] * F, F)]
            out_v[pl.ds(r * F, F)] = acc * (1.0 / K)
            return carry

        lax.fori_loop(0, RPT, row_body, 0)
        pltpu.sync_copy(out_v, mean_h.at[e, pl.ds(r0 * F, RPT * F)])

    return knn


def _post_body(F, ev_ref, mean_ref, Wd_ref, W2_ref, b_ref, out_ref):
    ev = ev_ref[0]
    feats_r = ev[:, :F]
    avg = (jax.lax.dot_general(feats_r, Wd_ref[...], (((1,), (0,)), ((), ())),
                               precision=jax.lax.Precision.HIGHEST,
                               preferred_element_type=jnp.float32)
           + jax.lax.dot_general(mean_ref[0], W2_ref[...],
                                 (((1,), (0,)), ((), ())),
                                 precision=jax.lax.Precision.HIGHEST,
                                 preferred_element_type=jnp.float32)
           + b_ref[...])
    val = jnp.concatenate([avg, feats_r], axis=1)
    val = jnp.where(val >= 0.0, val, 0.2 * val)
    R = val.shape[0]
    out_ref[0] = jnp.concatenate([val, jnp.ones((R, 1), jnp.float32)], axis=1)


def _make_post(N, F, R, out_w):
    def run(events_sc, means, W, b):
        E = events_sc.shape[0]
        Wd = W[:F] - W[F:]
        W2 = W[F:]
        bb = b.reshape(1, -1)
        body = functools.partial(_post_body, F)
        return pl.pallas_call(
            body,
            grid=(E, N // R),
            in_specs=[
                pl.BlockSpec((1, R, F + 1), lambda bi, ri: (bi, ri, 0)),
                pl.BlockSpec((1, R, F), lambda bi, ri: (bi, ri, 0)),
                pl.BlockSpec((F, W.shape[1]), lambda bi, ri: (0, 0)),
                pl.BlockSpec((F, W.shape[1]), lambda bi, ri: (0, 0)),
                pl.BlockSpec((1, W.shape[1]), lambda bi, ri: (0, 0)),
            ],
            out_specs=pl.BlockSpec((1, R, out_w), lambda bi, ri: (bi, ri, 0)),
            out_shape=jax.ShapeDtypeStruct((E, N, out_w), jnp.float32),
        )(events_sc, means, Wd, W2, bb)

    return run


_E_SC = 1


def kernel(events, W, b):
    B, N, fp1 = events.shape
    F = fp1 - 1
    K = 16
    out_w = W.shape[1] + F + 1
    ev_sc = events[:_E_SC]
    x = ev_sc[:, :, 0]
    y = ev_sc[:, :, 1]
    sq = x * x + y * y
    xb = _bf16_rne(x)
    yb = _bf16_rne(y)
    feats_sc = ev_sc[:, :, :F]
    means = _make_sc_knn_mean(_E_SC, N, F, K)(
        xb, yb, sq, feats_sc.reshape(_E_SC, N * F))
    out_sc = _make_post(N, F, 256, out_w)(ev_sc, means.reshape(_E_SC, N, F),
                                          W, b)
    out_tc = _make_kernel(N, F, K, 1024, out_w)(events[_E_SC:], W, b)
    return jnp.concatenate([out_sc, out_tc], axis=0)

# --- scband reference (transcript-rebuilt; emitter-appended) ---
"""Pipeline reference for scband-edge-conv-layer-48713519071298 (READ-ONLY COPY).

The authoritative reference and input builder live on the scoring server;
editing this copy changes nothing except your own understanding.
"""

import jax, jax.numpy as jnp
import numpy as np

BATCH = 16
MAXP = 2048
N_FEAT = 16          # n_particles_features (input has N_FEAT + 1 mask column)
K_NEIGHBORS = 16
FINAL_IDX = 2        # final_index_coord: first 2 columns are coordinates
MLP_OUT = 64


def setup_inputs(seed: int = 0) -> dict:
    key = jax.random.key(seed)
    k1, k2 = jax.random.split(key, 2)
    feats = jax.random.normal(k1, (BATCH, MAXP, N_FEAT), dtype=jnp.float32)
    # last column is the validity mask; all particles are real (mask == 1)
    mask = jnp.ones((BATCH, MAXP, 1), dtype=jnp.float32)
    events = jnp.concatenate([feats, mask], axis=-1)
    # the "single MLP": Dense(2*N_FEAT -> MLP_OUT)
    W = jax.random.normal(k2, (2 * N_FEAT, MLP_OUT), dtype=jnp.float32) * (1.0 / np.sqrt(2 * N_FEAT))
    b = jnp.zeros((MLP_OUT,), dtype=jnp.float32)
    return {"events": events, "W": W, "b": b}


def _edge_conv_event(particles, W, b):
    # _get_real_particles: mask column is all ones, so all MAXP particles are real
    coords = particles[:, :FINAL_IDX]
    # _find_neighbors: squared euclidean distances give identical top-k ordering
    # to tf.norm distances (only the indices are used downstream)
    sq = jnp.sum(coords * coords, axis=1)
    d2 = sq[:, None] + sq[None, :] - 2.0 * (coords @ coords.T)
    _, idx = jax.lax.top_k(-d2, K_NEIGHBORS + 1)
    neigh = idx[:, 1:]  # drop self
    feats = particles[:, :-1]
    # _create_edge_features
    central = jnp.repeat(feats, K_NEIGHBORS, axis=0)               # [N*k, F]
    neigh_feats = jnp.take(feats, neigh.reshape(-1), axis=0)       # [N*k, F]
    edges = jnp.concatenate([central, neigh_feats - central], axis=1)  # [N*k, 2F]
    # mlp (single Dense)
    mlp_out = edges @ W + b                                        # [N*k, MLP_OUT]
    # _feature_wise_average
    avg = jnp.mean(mlp_out.reshape(MAXP, K_NEIGHBORS, MLP_OUT), axis=1)
    # _aggregate_features
    new_feats = jnp.concatenate([avg, feats], axis=-1)             # [N, MLP_OUT+F]
    new_feats = jax.nn.leaky_relu(new_feats, negative_slope=0.2)   # keras default alpha=0.2
    # _fix_number_of_particles: all particles real -> just append mask column
    mask_col = jnp.ones((MAXP, 1), dtype=jnp.float32)
    return jnp.concatenate([new_feats, mask_col], axis=1)          # [N, MLP_OUT+F+1]


def reference(events, W, b):
    # tf.map_fn over events -> sequential map over the batch
    return jax.lax.map(lambda p: _edge_conv_event(p, W, b), events)

if __name__ == "__main__":
    import jax
    _d = setup_inputs()
    print(jax.jit(kernel)(*tuple(_d.values())))

</pallas_src>

<mosaic_0001>
#map = affine_map<(d0, d1) -> (0, 0)>
module attributes {stable_mosaic.version = 14 : i64} {
  func.func @knn(%arg0: i32, %arg1: i32, %arg2: memref<1x2048xf32, #tpu.memory_space<hbm>>, %arg3: memref<1x2048xf32, #tpu.memory_space<hbm>>, %arg4: memref<1x2048xf32, #tpu.memory_space<hbm>>, %arg5: memref<1x32768xf32, #tpu.memory_space<hbm>>, %arg6: memref<1x32768xf32, #tpu.memory_space<hbm>>, %arg7: memref<2048xf32, #tpu.memory_space<vmem>>, %arg8: memref<2048xf32, #tpu.memory_space<vmem>>, %arg9: memref<2048xf32, #tpu.memory_space<vmem>>, %arg10: memref<32768xf32, #tpu.memory_space<vmem>>, %arg11: memref<1024xf32, #tpu.memory_space<vmem>>, %arg12: memref<64xf32, #tpu.memory_space<smem>>, %arg13: memref<64xf32, #tpu.memory_space<smem>>, %arg14: memref<64xf32, #tpu.memory_space<smem>>) attributes {dimension_semantics = [#tpu.dimension_semantics<core_parallel>, #tpu.dimension_semantics<subcore_parallel>], iteration_bounds = array<i64: 2, 16>, scalar_prefetch = 0 : i64, scratch_operands = 8 : i64, tpu.core_type = #tpu.core_type<sc_vector_subcore>, window_params = [{transform_indices = #map}, {transform_indices = #map}, {transform_indices = #map}, {transform_indices = #map}, {transform_indices = #map}]} {
    %mul3A = arith.constant 2 : i32
    %mul3A_0 = arith.muli %arg1, %mul3A : i32
    %add3A = arith.addi %mul3A_0, %arg0 : i32
    %jit3A = arith.constant 32 : i32
    %div3A = arith.divsi %add3A, %jit3A : i32
    %sign3A = arith.constant 0 : i32
    %sign3A_1 = arith.cmpi sgt, %add3A, %sign3A : i32
    %sign3A_2 = arith.extui %sign3A_1 : i1 to i32
    %sign3A_3 = arith.constant 0 : i32
    %sign3A_4 = arith.cmpi slt, %add3A, %sign3A_3 : i32
    %sign3A_5 = arith.extui %sign3A_4 : i1 to i32
    %sign3A_6 = arith.subi %sign3A_2, %sign3A_5 : i32
    %sign3A_7 = arith.constant 0 : i32
    %sign3A_8 = arith.cmpi sgt, %jit3A, %sign3A_7 : i32
    %sign3A_9 = arith.extui %sign3A_8 : i1 to i32
    %sign3A_10 = arith.constant 0 : i32
    %sign3A_11 = arith.cmpi slt, %jit3A, %sign3A_10 : i32
    %sign3A_12 = arith.extui %sign3A_11 : i1 to i32
    %sign3A_13 = arith.subi %sign3A_9, %sign3A_12 : i32
    %ne3A = arith.cmpi ne, %sign3A_6, %sign3A_13 : i32
    %rem3A = arith.remsi %add3A, %jit3A : i32
    %ne3A_14 = arith.constant 0 : i32
    %ne3A_15 = arith.cmpi ne, %rem3A, %ne3A_14 : i32
    %and3A = arith.andi %ne3A, %ne3A_15 : i1
    %sub3A = arith.constant 1 : i32
    %sub3A_16 = arith.subi %div3A, %sub3A : i32
    %select_n3A = arith.select %and3A, %sub3A_16, %div3A : i32
    %jit3A_17 = arith.constant 32 : i32
    %eq3A = arith.constant 0 : i32
    %eq3A_18 = arith.cmpi eq, %jit3A_17, %eq3A : i32
    %jit3A_19 = arith.constant 1 : i32
    %select_n3A_20 = arith.select %eq3A_18, %jit3A_19, %jit3A_17 : i32
    %rem3A_21 = arith.remsi %add3A, %select_n3A_20 : i32
    %ne3A_22 = arith.constant 0 : i32
    %ne3A_23 = arith.cmpi ne, %rem3A_21, %ne3A_22 : i32
    %lt3A = arith.constant 0 : i32
    %lt3A_24 = arith.cmpi slt, %rem3A_21, %lt3A : i32
    %lt3A_25 = arith.constant 0 : i32
    %lt3A_26 = arith.cmpi slt, %select_n3A_20, %lt3A_25 : i32
    %ne3A_27 = arith.xori %lt3A_24, %lt3A_26 : i1
    %and3A_28 = arith.andi %ne3A_27, %ne3A_23 : i1
    %add3A_29 = arith.addi %rem3A_21, %select_n3A_20 : i32
    %select_n3A_30 = arith.select %and3A_28, %add3A_29, %rem3A_21 : i32
    %mul3A_31 = arith.constant 64 : i32
    %mul3A_32 = arith.muli %select_n3A_30, %mul3A_31 : i32
    "tpu.region"() ({
      %run_scoped3A = tpu.sem_alloc : memref<!tpu.dma_semaphore, #tpu.memory_space<semaphore_mem>>
      %dma_start3A = arith.constant 0 : i32
      %dma_start3A_47 = tpu.memref_slice %arg2[%select_n3A, %dma_start3A] : memref<1x2048xf32, #tpu.memory_space<hbm>> -> memref<1x2048xf32, #tpu.memory_space<hbm>>
      %dma_start3A_48 = tpu.memref_squeeze %dma_start3A_47 : memref<1x2048xf32, #tpu.memory_space<hbm>> -> memref<2048xf32, #tpu.memory_space<hbm>>
      %dma_start3A_49 = arith.constant 0 : i32
      %dma_start3A_50 = tpu.memref_slice %arg2[%select_n3A, %dma_start3A_49] : memref<1x2048xf32, #tpu.memory_space<hbm>> -> memref<1x2048xf32, #tpu.memory_space<hbm>>
      %dma_start3A_51 = tpu.memref_squeeze %dma_start3A_50 : memref<1x2048xf32, #tpu.memory_space<hbm>> -> memref<2048xf32, #tpu.memory_space<hbm>>
      tpu.enqueue_dma source(%dma_start3A_51 : memref<2048xf32, #tpu.memory_space<hbm>>) target(%arg7 : memref<2048xf32, #tpu.memory_space<vmem>>) target_semaphore(%run_scoped3A : memref<!tpu.dma_semaphore, #tpu.memory_space<semaphore_mem>>)
      %dma_wait3A = arith.constant 0 : i32
      %dma_wait3A_52 = tpu.memref_slice %arg2[%select_n3A, %dma_wait3A] : memref<1x2048xf32, #tpu.memory_space<hbm>> -> memref<1x2048xf32, #tpu.memory_space<hbm>>
      %dma_wait3A_53 = tpu.memref_squeeze %dma_wait3A_52 : memref<1x2048xf32, #tpu.memory_space<hbm>> -> memref<2048xf32, #tpu.memory_space<hbm>>
      %dma_wait3A_54 = arith.constant 0 : i32
      %dma_wait3A_55 = tpu.memref_slice %arg2[%select_n3A, %dma_wait3A_54] : memref<1x2048xf32, #tpu.memory_space<hbm>> -> memref<1x2048xf32, #tpu.memory_space<hbm>>
      %dma_wait3A_56 = tpu.memref_squeeze %dma_wait3A_55 : memref<1x2048xf32, #tpu.memory_space<hbm>> -> memref<2048xf32, #tpu.memory_space<hbm>>
      tpu.wait_dma2 semaphore(%run_scoped3A : memref<!tpu.dma_semaphore, #tpu.memory_space<semaphore_mem>>) src(%dma_wait3A_56 : memref<2048xf32, #tpu.memory_space<hbm>>) dst(%arg7 : memref<2048xf32, #tpu.memory_space<vmem>>)
      tpu.yield
    }) : () -> ()
    "tpu.region"() ({
      %run_scoped3A = tpu.sem_alloc : memref<!tpu.dma_semaphore, #tpu.memory_space<semaphore_mem>>
      %dma_start3A = arith.constant 0 : i32
      %dma_start3A_47 = tpu.memref_slice %arg3[%select_n3A, %dma_start3A] : memref<1x2048xf32, #tpu.memory_space<hbm>> -> memref<1x2048xf32, #tpu.memory_space<hbm>>
      %dma_start3A_48 = tpu.memref_squeeze %dma_start3A_47 : memref<1x2048xf32, #tpu.memory_space<hbm>> -> memref<2048xf32, #tpu.memory_space<hbm>>
      %dma_start3A_49 = arith.constant 0 : i32
      %dma_start3A_50 = tpu.memref_slice %arg3[%select_n3A, %dma_start3A_49] : memref<1x2048xf32, #tpu.memory_space<hbm>> -> memref<1x2048xf32, #tpu.memory_space<hbm>>
      %dma_start3A_51 = tpu.memref_squeeze %dma_start3A_50 : memref<1x2048xf32, #tpu.memory_space<hbm>> -> memref<2048xf32, #tpu.memory_space<hbm>>
      tpu.enqueue_dma source(%dma_start3A_51 : memref<2048xf32, #tpu.memory_space<hbm>>) target(%arg8 : memref<2048xf32, #tpu.memory_space<vmem>>) target_semaphore(%run_scoped3A : memref<!tpu.dma_semaphore, #tpu.memory_space<semaphore_mem>>)
      %dma_wait3A = arith.constant 0 : i32
      %dma_wait3A_52 = tpu.memref_slice %arg3[%select_n3A, %dma_wait3A] : memref<1x2048xf32, #tpu.memory_space<hbm>> -> memref<1x2048xf32, #tpu.memory_space<hbm>>
      %dma_wait3A_53 = tpu.memref_squeeze %dma_wait3A_52 : memref<1x2048xf32, #tpu.memory_space<hbm>> -> memref<2048xf32, #tpu.memory_space<hbm>>
      %dma_wait3A_54 = arith.constant 0 : i32
      %dma_wait3A_55 = tpu.memref_slice %arg3[%select_n3A, %dma_wait3A_54] : memref<1x2048xf32, #tpu.memory_space<hbm>> -> memref<1x2048xf32, #tpu.memory_space<hbm>>
      %dma_wait3A_56 = tpu.memref_squeeze %dma_wait3A_55 : memref<1x2048xf32, #tpu.memory_space<hbm>> -> memref<2048xf32, #tpu.memory_space<hbm>>
      tpu.wait_dma2 semaphore(%run_scoped3A : memref<!tpu.dma_semaphore, #tpu.memory_space<semaphore_mem>>) src(%dma_wait3A_56 : memref<2048xf32, #tpu.memory_space<hbm>>) dst(%arg8 : memref<2048xf32, #tpu.memory_space<vmem>>)
      tpu.yield
    }) : () -> ()
    "tpu.region"() ({
      %run_scoped3A = tpu.sem_alloc : memref<!tpu.dma_semaphore, #tpu.memory_space<semaphore_mem>>
      %dma_start3A = arith.constant 0 : i32
      %dma_start3A_47 = tpu.memref_slice %arg4[%select_n3A, %dma_start3A] : memref<1x2048xf32, #tpu.memory_space<hbm>> -> memref<1x2048xf32, #tpu.memory_space<hbm>>
      %dma_start3A_48 = tpu.memref_squeeze %dma_start3A_47 : memref<1x2048xf32, #tpu.memory_space<hbm>> -> memref<2048xf32, #tpu.memory_space<hbm>>
      %dma_start3A_49 = arith.constant 0 : i32
      %dma_start3A_50 = tpu.memref_slice %arg4[%select_n3A, %dma_start3A_49] : memref<1x2048xf32, #tpu.memory_space<hbm>> -> memref<1x2048xf32, #tpu.memory_space<hbm>>
      %dma_start3A_51 = tpu.memref_squeeze %dma_start3A_50 : memref<1x2048xf32, #tpu.memory_space<hbm>> -> memref<2048xf32, #tpu.memory_space<hbm>>
      tpu.enqueue_dma source(%dma_start3A_51 : memref<2048xf32, #tpu.memory_space<hbm>>) target(%arg9 : memref<2048xf32, #tpu.memory_space<vmem>>) target_semaphore(%run_scoped3A : memref<!tpu.dma_semaphore, #tpu.memory_space<semaphore_mem>>)
      %dma_wait3A = arith.constant 0 : i32
      %dma_wait3A_52 = tpu.memref_slice %arg4[%select_n3A, %dma_wait3A] : memref<1x2048xf32, #tpu.memory_space<hbm>> -> memref<1x2048xf32, #tpu.memory_space<hbm>>
      %dma_wait3A_53 = tpu.memref_squeeze %dma_wait3A_52 : memref<1x2048xf32, #tpu.memory_space<hbm>> -> memref<2048xf32, #tpu.memory_space<hbm>>
      %dma_wait3A_54 = arith.constant 0 : i32
      %dma_wait3A_55 = tpu.memref_slice %arg4[%select_n3A, %dma_wait3A_54] : memref<1x2048xf32, #tpu.memory_space<hbm>> -> memref<1x2048xf32, #tpu.memory_space<hbm>>
      %dma_wait3A_56 = tpu.memref_squeeze %dma_wait3A_55 : memref<1x2048xf32, #tpu.memory_space<hbm>> -> memref<2048xf32, #tpu.memory_space<hbm>>
      tpu.wait_dma2 semaphore(%run_scoped3A : memref<!tpu.dma_semaphore, #tpu.memory_space<semaphore_mem>>) src(%dma_wait3A_56 : memref<2048xf32, #tpu.memory_space<hbm>>) dst(%arg9 : memref<2048xf32, #tpu.memory_space<vmem>>)
      tpu.yield
    }) : () -> ()
    "tpu.region"() ({
      %run_scoped3A = tpu.sem_alloc : memref<!tpu.dma_semaphore, #tpu.memory_space<semaphore_mem>>
      %dma_start3A = arith.constant 0 : i32
      %dma_start3A_47 = tpu.memref_slice %arg5[%select_n3A, %dma_start3A] : memref<1x32768xf32, #tpu.memory_space<hbm>> -> memref<1x32768xf32, #tpu.memory_space<hbm>>
      %dma_start3A_48 = tpu.memref_squeeze %dma_start3A_47 : memref<1x32768xf32, #tpu.memory_space<hbm>> -> memref<32768xf32, #tpu.memory_space<hbm>>
      %dma_start3A_49 = arith.constant 0 : i32
      %dma_start3A_50 = tpu.memref_slice %arg5[%select_n3A, %dma_start3A_49] : memref<1x32768xf32, #tpu.memory_space<hbm>> -> memref<1x32768xf32, #tpu.memory_space<hbm>>
      %dma_start3A_51 = tpu.memref_squeeze %dma_start3A_50 : memref<1x32768xf32, #tpu.memory_space<hbm>> -> memref<32768xf32, #tpu.memory_space<hbm>>
      tpu.enqueue_dma source(%dma_start3A_51 : memref<32768xf32, #tpu.memory_space<hbm>>) target(%arg10 : memref<32768xf32, #tpu.memory_space<vmem>>) target_semaphore(%run_scoped3A : memref<!tpu.dma_semaphore, #tpu.memory_space<semaphore_mem>>)
      %dma_wait3A = arith.constant 0 : i32
      %dma_wait3A_52 = tpu.memref_slice %arg5[%select_n3A, %dma_wait3A] : memref<1x32768xf32, #tpu.memory_space<hbm>> -> memref<1x32768xf32, #tpu.memory_space<hbm>>
      %dma_wait3A_53 = tpu.memref_squeeze %dma_wait3A_52 : memref<1x32768xf32, #tpu.memory_space<hbm>> -> memref<32768xf32, #tpu.memory_space<hbm>>
      %dma_wait3A_54 = arith.constant 0 : i32
      %dma_wait3A_55 = tpu.memref_slice %arg5[%select_n3A, %dma_wait3A_54] : memref<1x32768xf32, #tpu.memory_space<hbm>> -> memref<1x32768xf32, #tpu.memory_space<hbm>>
      %dma_wait3A_56 = tpu.memref_squeeze %dma_wait3A_55 : memref<1x32768xf32, #tpu.memory_space<hbm>> -> memref<32768xf32, #tpu.memory_space<hbm>>
      tpu.wait_dma2 semaphore(%run_scoped3A : memref<!tpu.dma_semaphore, #tpu.memory_space<semaphore_mem>>) src(%dma_wait3A_56 : memref<32768xf32, #tpu.memory_space<hbm>>) dst(%arg10 : memref<32768xf32, #tpu.memory_space<vmem>>)
      tpu.yield
    }) : () -> ()
    %iota3A = tpu.iota {dimensions = array<i32: 0>} : vector<16xi32>
    %scan3A = arith.constant 0 : i32
    %scan3A_33 = arith.constant 0 : i32
    %scan3A_34 = arith.constant 4 : i32
    %scan3A_35 = arith.addi %scan3A_33, %scan3A_34 : i32
    %scan3A_36 = arith.constant 1 : i32
    scf.for %scan3A_47 = %scan3A_33 to %scan3A_35 step %scan3A_36  : i32 {
      %mul3A_48 = arith.constant 16 : i32
      %mul3A_49 = arith.muli %scan3A_47, %mul3A_48 : i32
      %add3A_50 = arith.addi %mul3A_32, %mul3A_49 : i32
      %get3A = arith.index_cast %add3A_50 : i32 to index
      %get3A_51 = tpu.vector_load %arg7[%get3A] {strides = array<i32>} : memref<2048xf32, #tpu.memory_space<vmem>>, vector<16xf32>,
      %add3A_52 = arith.addi %mul3A_32, %mul3A_49 : i32
      %get3A_53 = arith.index_cast %add3A_52 : i32 to index
      %get3A_54 = tpu.vector_load %arg8[%get3A_53] {strides = array<i32>} : memref<2048xf32, #tpu.memory_space<vmem>>, vector<16xf32>,
      %add3A_55 = arith.addi %mul3A_32, %mul3A_49 : i32
      %get3A_56 = arith.index_cast %add3A_55 : i32 to index
      %get3A_57 = tpu.vector_load %arg9[%get3A_56] {strides = array<i32>} : memref<2048xf32, #tpu.memory_space<vmem>>, vector<16xf32>,
      %slice3A = vector.extract_strided_slice %get3A_51 {offsets = [0], sizes = [1], strides = [1]} : vector<16xf32> to vector<1xf32>
      %squeeze3A = vector.extract %slice3A[0] : f32 from vector<1xf32>
      %add3A_58 = arith.constant 0 : i32
      %add3A_59 = arith.addi %mul3A_49, %add3A_58 : i32
      %swap3A = arith.index_cast %add3A_59 : i32 to index
      %swap3A_60 = memref.load %arg12[%swap3A] : memref<64xf32, #tpu.memory_space<smem>>
      memref.store %squeeze3A, %arg12[%swap3A] : memref<64xf32, #tpu.memory_space<smem>>
      %slice3A_61 = vector.extract_strided_slice %get3A_54 {offsets = [0], sizes = [1], strides = [1]} : vector<16xf32> to vector<1xf32>
      %squeeze3A_62 = vector.extract %slice3A_61[0] : f32 from vector<1xf32>
      %add3A_63 = arith.constant 0 : i32
      %add3A_64 = arith.addi %mul3A_49, %add3A_63 : i32
      %swap3A_65 = arith.index_cast %add3A_64 : i32 to index
      %swap3A_66 = memref.load %arg13[%swap3A_65] : memref<64xf32, #tpu.memory_space<smem>>
      memref.store %squeeze3A_62, %arg13[%swap3A_65] : memref<64xf32, #tpu.memory_space<smem>>
      %slice3A_67 = vector.extract_strided_slice %get3A_57 {offsets = [0], sizes = [1], strides = [1]} : vector<16xf32> to vector<1xf32>
      %squeeze3A_68 = vector.extract %slice3A_67[0] : f32 from vector<1xf32>
      %add3A_69 = arith.constant 0 : i32
      %add3A_70 = arith.addi %mul3A_49, %add3A_69 : i32
      %swap3A_71 = arith.index_cast %add3A_70 : i32 to index
      %swap3A_72 = memref.load %arg14[%swap3A_71] : memref<64xf32, #tpu.memory_space<smem>>
      memref.store %squeeze3A_68, %arg14[%swap3A_71] : memref<64xf32, #tpu.memory_space<smem>>
      %slice3A_73 = vector.extract_strided_slice %get3A_51 {offsets = [1], sizes = [1], strides = [1]} : vector<16xf32> to vector<1xf32>
      %squeeze3A_74 = vector.extract %slice3A_73[0] : f32 from vector<1xf32>
      %add3A_75 = arith.constant 1 : i32
      %add3A_76 = arith.addi %mul3A_49, %add3A_75 : i32
      %swap3A_77 = arith.index_cast %add3A_76 : i32 to index
      %swap3A_78 = memref.load %arg12[%swap3A_77] : memref<64xf32, #tpu.memory_space<smem>>
      memref.store %squeeze3A_74, %arg12[%swap3A_77] : memref<64xf32, #tpu.memory_space<smem>>
      %slice3A_79 = vector.extract_strided_slice %get3A_54 {offsets = [1], sizes = [1], strides = [1]} : vector<16xf32> to vector<1xf32>
      %squeeze3A_80 = vector.extract %slice3A_79[0] : f32 from vector<1xf32>
      %add3A_81 = arith.constant 1 : i32
      %add3A_82 = arith.addi %mul3A_49, %add3A_81 : i32
      %swap3A_83 = arith.index_cast %add3A_82 : i32 to index
      %swap3A_84 = memref.load %arg13[%swap3A_83] : memref<64xf32, #tpu.memory_space<smem>>
      memref.store %squeeze3A_80, %arg13[%swap3A_83] : memref<64xf32, #tpu.memory_space<smem>>
      %slice3A_85 = vector.extract_strided_slice %get3A_57 {offsets = [1], sizes = [1], strides = [1]} : vector<16xf32> to vector<1xf32>
      %squeeze3A_86 = vector.extract %slice3A_85[0] : f32 from vector<1xf32>
      %add3A_87 = arith.constant 1 : i32
      %add3A_88 = arith.addi %mul3A_49, %add3A_87 : i32
      %swap3A_89 = arith.index_cast %add3A_88 : i32 to index
      %swap3A_90 = memref.load %arg14[%swap3A_89] : memref<64xf32, #tpu.memory_space<smem>>
      memref.store %squeeze3A_86, %arg14[%swap3A_89] : memref<64xf32, #tpu.memory_space<smem>>
      %slice3A_91 = vector.extract_strided_slice %get3A_51 {offsets = [2], sizes = [1], strides = [1]} : vector<16xf32> to vector<1xf32>
      %squeeze3A_92 = vector.extract %slice3A_91[0] : f32 from vector<1xf32>
      %add3A_93 = arith.constant 2 : i32
      %add3A_94 = arith.addi %mul3A_49, %add3A_93 : i32
      %swap3A_95 = arith.index_cast %add3A_94 : i32 to index
      %swap3A_96 = memref.load %arg12[%swap3A_95] : memref<64xf32, #tpu.memory_space<smem>>
      memref.store %squeeze3A_92, %arg12[%swap3A_95] : memref<64xf32, #tpu.memory_space<smem>>
      %slice3A_97 = vector.extract_strided_slice %get3A_54 {offsets = [2], sizes = [1], strides = [1]} : vector<16xf32> to vector<1xf32>
      %squeeze3A_98 = vector.extract %slice3A_97[0] : f32 from vector<1xf32>
      %add3A_99 = arith.constant 2 : i32
      %add3A_100 = arith.addi %mul3A_49, %add3A_99 : i32
      %swap3A_101 = arith.index_cast %add3A_100 : i32 to index
      %swap3A_102 = memref.load %arg13[%swap3A_101] : memref<64xf32, #tpu.memory_space<smem>>
      memref.store %squeeze3A_98, %arg13[%swap3A_101] : memref<64xf32, #tpu.memory_space<smem>>
      %slice3A_103 = vector.extract_strided_slice %get3A_57 {offsets = [2], sizes = [1], strides = [1]} : vector<16xf32> to vector<1xf32>
      %squeeze3A_104 = vector.extract %slice3A_103[0] : f32 from vector<1xf32>
      %add3A_105 = arith.constant 2 : i32
      %add3A_106 = arith.addi %mul3A_49, %add3A_105 : i32
      %swap3A_107 = arith.index_cast %add3A_106 : i32 to index
      %swap3A_108 = memref.load %arg14[%swap3A_107] : memref<64xf32, #tpu.memory_space<smem>>
      memref.store %squeeze3A_104, %arg14[%swap3A_107] : memref<64xf32, #tpu.memory_space<smem>>
      %slice3A_109 = vector.extract_strided_slice %get3A_51 {offsets = [3], sizes = [1], strides = [1]} : vector<16xf32> to vector<1xf32>
      %squeeze3A_110 = vector.extract %slice3A_109[0] : f32 from vector<1xf32>
      %add3A_111 = arith.constant 3 : i32
      %add3A_112 = arith.addi %mul3A_49, %add3A_111 : i32
      %swap3A_113 = arith.index_cast %add3A_112 : i32 to index
      %swap3A_114 = memref.load %arg12[%swap3A_113] : memref<64xf32, #tpu.memory_space<smem>>
      memref.store %squeeze3A_110, %arg12[%swap3A_113] : memref<64xf32, #tpu.memory_space<smem>>
      %slice3A_115 = vector.extract_strided_slice %get3A_54 {offsets = [3], sizes = [1], strides = [1]} : vector<16xf32> to vector<1xf32>
      %squeeze3A_116 = vector.extract %slice3A_115[0] : f32 from vector<1xf32>
      %add3A_117 = arith.constant 3 : i32
      %add3A_118 = arith.addi %mul3A_49, %add3A_117 : i32
      %swap3A_119 = arith.index_cast %add3A_118 : i32 to index
      %swap3A_120 = memref.load %arg13[%swap3A_119] : memref<64xf32, #tpu.memory_space<smem>>
      memref.store %squeeze3A_116, %arg13[%swap3A_119] : memref<64xf32, #tpu.memory_space<smem>>
      %slice3A_121 = vector.extract_strided_slice %get3A_57 {offsets = [3], sizes = [1], strides = [1]} : vector<16xf32> to vector<1xf32>
      %squeeze3A_122 = vector.extract %slice3A_121[0] : f32 from vector<1xf32>
      %add3A_123 = arith.constant 3 : i32
      %add3A_124 = arith.addi %mul3A_49, %add3A_123 : i32
      %swap3A_125 = arith.index_cast %add3A_124 : i32 to index
      %swap3A_126 = memref.load %arg14[%swap3A_125] : memref<64xf32, #tpu.memory_space<smem>>
      memref.store %squeeze3A_122, %arg14[%swap3A_125] : memref<64xf32, #tpu.memory_space<smem>>
      %slice3A_127 = vector.extract_strided_slice %get3A_51 {offsets = [4], sizes = [1], strides = [1]} : vector<16xf32> to vector<1xf32>
      %squeeze3A_128 = vector.extract %slice3A_127[0] : f32 from vector<1xf32>
      %add3A_129 = arith.constant 4 : i32
      %add3A_130 = arith.addi %mul3A_49, %add3A_129 : i32
      %swap3A_131 = arith.index_cast %add3A_130 : i32 to index
      %swap3A_132 = memref.load %arg12[%swap3A_131] : memref<64xf32, #tpu.memory_space<smem>>
      memref.store %squeeze3A_128, %arg12[%swap3A_131] : memref<64xf32, #tpu.memory_space<smem>>
      %slice3A_133 = vector.extract_strided_slice %get3A_54 {offsets = [4], sizes = [1], strides = [1]} : vector<16xf32> to vector<1xf32>
      %squeeze3A_134 = vector.extract %slice3A_133[0] : f32 from vector<1xf32>
      %add3A_135 = arith.constant 4 : i32
      %add3A_136 = arith.addi %mul3A_49, %add3A_135 : i32
      %swap3A_137 = arith.index_cast %add3A_136 : i32 to index
      %swap3A_138 = memref.load %arg13[%swap3A_137] : memref<64xf32, #tpu.memory_space<smem>>
      memref.store %squeeze3A_134, %arg13[%swap3A_137] : memref<64xf32, #tpu.memory_space<smem>>
      %slice3A_139 = vector.extract_strided_slice %get3A_57 {offsets = [4], sizes = [1], strides = [1]} : vector<16xf32> to vector<1xf32>
      %squeeze3A_140 = vector.extract %slice3A_139[0] : f32 from vector<1xf32>
      %add3A_141 = arith.constant 4 : i32
      %add3A_142 = arith.addi %mul3A_49, %add3A_141 : i32
      %swap3A_143 = arith.index_cast %add3A_142 : i32 to index
      %swap3A_144 = memref.load %arg14[%swap3A_143] : memref<64xf32, #tpu.memory_space<smem>>
      memref.store %squeeze3A_140, %arg14[%swap3A_143] : memref<64xf32, #tpu.memory_space<smem>>
      %slice3A_145 = vector.extract_strided_slice %get3A_51 {offsets = [5], sizes = [1], strides = [1]} : vector<16xf32> to vector<1xf32>
      %squeeze3A_146 = vector.extract %slice3A_145[0] : f32 from vector<1xf32>
      %add3A_147 = arith.constant 5 : i32
      %add3A_148 = arith.addi %mul3A_49, %add3A_147 : i32
      %swap3A_149 = arith.index_cast %add3A_148 : i32 to index
      %swap3A_150 = memref.load %arg12[%swap3A_149] : memref<64xf32, #tpu.memory_space<smem>>
      memref.store %squeeze3A_146, %arg12[%swap3A_149] : memref<64xf32, #tpu.memory_space<smem>>
      %slice3A_151 = vector.extract_strided_slice %get3A_54 {offsets = [5], sizes = [1], strides = [1]} : vector<16xf32> to vector<1xf32>
      %squeeze3A_152 = vector.extract %slice3A_151[0] : f32 from vector<1xf32>
      %add3A_153 = arith.constant 5 : i32
      %add3A_154 = arith.addi %mul3A_49, %add3A_153 : i32
      %swap3A_155 = arith.index_cast %add3A_154 : i32 to index
      %swap3A_156 = memref.load %arg13[%swap3A_155] : memref<64xf32, #tpu.memory_space<smem>>
      memref.store %squeeze3A_152, %arg13[%swap3A_155] : memref<64xf32, #tpu.memory_space<smem>>
      %slice3A_157 = vector.extract_strided_slice %get3A_57 {offsets = [5], sizes = [1], strides = [1]} : vector<16xf32> to vector<1xf32>
      %squeeze3A_158 = vector.extract %slice3A_157[0] : f32 from vector<1xf32>
      %add3A_159 = arith.constant 5 : i32
      %add3A_160 = arith.addi %mul3A_49, %add3A_159 : i32
      %swap3A_161 = arith.index_cast %add3A_160 : i32 to index
      %swap3A_162 = memref.load %arg14[%swap3A_161] : memref<64xf32, #tpu.memory_space<smem>>
      memref.store %squeeze3A_158, %arg14[%swap3A_161] : memref<64xf32, #tpu.memory_space<smem>>
      %slice3A_163 = vector.extract_strided_slice %get3A_51 {offsets = [6], sizes = [1], strides = [1]} : vector<16xf32> to vector<1xf32>
      %squeeze3A_164 = vector.extract %slice3A_163[0] : f32 from vector<1xf32>
      %add3A_165 = arith.constant 6 : i32
      %add3A_166 = arith.addi %mul3A_49, %add3A_165 : i32
      %swap3A_167 = arith.index_cast %add3A_166 : i32 to index
      %swap3A_168 = memref.load %arg12[%swap3A_167] : memref<64xf32, #tpu.memory_space<smem>>
      memref.store %squeeze3A_164, %arg12[%swap3A_167] : memref<64xf32, #tpu.memory_space<smem>>
      %slice3A_169 = vector.extract_strided_slice %get3A_54 {offsets = [6], sizes = [1], strides = [1]} : vector<16xf32> to vector<1xf32>
      %squeeze3A_170 = vector.extract %slice3A_169[0] : f32 from vector<1xf32>
      %add3A_171 = arith.constant 6 : i32
      %add3A_172 = arith.addi %mul3A_49, %add3A_171 : i32
      %swap3A_173 = arith.index_cast %add3A_172 : i32 to index
      %swap3A_174 = memref.load %arg13[%swap3A_173] : memref<64xf32, #tpu.memory_space<smem>>
      memref.store %squeeze3A_170, %arg13[%swap3A_173] : memref<64xf32, #tpu.memory_space<smem>>
      %slice3A_175 = vector.extract_strided_slice %get3A_57 {offsets = [6], sizes = [1], strides = [1]} : vector<16xf32> to vector<1xf32>
      %squeeze3A_176 = vector.extract %slice3A_175[0] : f32 from vector<1xf32>
      %add3A_177 = arith.constant 6 : i32
      %add3A_178 = arith.addi %mul3A_49, %add3A_177 : i32
      %swap3A_179 = arith.index_cast %add3A_178 : i32 to index
      %swap3A_180 = memref.load %arg14[%swap3A_179] : memref<64xf32, #tpu.memory_space<smem>>
      memref.store %squeeze3A_176, %arg14[%swap3A_179] : memref<64xf32, #tpu.memory_space<smem>>
      %slice3A_181 = vector.extract_strided_slice %get3A_51 {offsets = [7], sizes = [1], strides = [1]} : vector<16xf32> to vector<1xf32>
      %squeeze3A_182 = vector.extract %slice3A_181[0] : f32 from vector<1xf32>
      %add3A_183 = arith.constant 7 : i32
      %add3A_184 = arith.addi %mul3A_49, %add3A_183 : i32
      %swap3A_185 = arith.index_cast %add3A_184 : i32 to index
      %swap3A_186 = memref.load %arg12[%swap3A_185] : memref<64xf32, #tpu.memory_space<smem>>
      memref.store %squeeze3A_182, %arg12[%swap3A_185] : memref<64xf32, #tpu.memory_space<smem>>
      %slice3A_187 = vector.extract_strided_slice %get3A_54 {offsets = [7], sizes = [1], strides = [1]} : vector<16xf32> to vector<1xf32>
      %squeeze3A_188 = vector.extract %slice3A_187[0] : f32 from vector<1xf32>
      %add3A_189 = arith.constant 7 : i32
      %add3A_190 = arith.addi %mul3A_49, %add3A_189 : i32
      %swap3A_191 = arith.index_cast %add3A_190 : i32 to index
      %swap3A_192 = memref.load %arg13[%swap3A_191] : memref<64xf32, #tpu.memory_space<smem>>
      memref.store %squeeze3A_188, %arg13[%swap3A_191] : memref<64xf32, #tpu.memory_space<smem>>
      %slice3A_193 = vector.extract_strided_slice %get3A_57 {offsets = [7], sizes = [1], strides = [1]} : vector<16xf32> to vector<1xf32>
      %squeeze3A_194 = vector.extract %slice3A_193[0] : f32 from vector<1xf32>
      %add3A_195 = arith.constant 7 : i32
      %add3A_196 = arith.addi %mul3A_49, %add3A_195 : i32
      %swap3A_197 = arith.index_cast %add3A_196 : i32 to index
      %swap3A_198 = memref.load %arg14[%swap3A_197] : memref<64xf32, #tpu.memory_space<smem>>
      memref.store %squeeze3A_194, %arg14[%swap3A_197] : memref<64xf32, #tpu.memory_space<smem>>
      %slice3A_199 = vector.extract_strided_slice %get3A_51 {offsets = [8], sizes = [1], strides = [1]} : vector<16xf32> to vector<1xf32>
      %squeeze3A_200 = vector.extract %slice3A_199[0] : f32 from vector<1xf32>
      %add3A_201 = arith.constant 8 : i32
      %add3A_202 = arith.addi %mul3A_49, %add3A_201 : i32
      %swap3A_203 = arith.index_cast %add3A_202 : i32 to index
      %swap3A_204 = memref.load %arg12[%swap3A_203] : memref<64xf32, #tpu.memory_space<smem>>
      memref.store %squeeze3A_200, %arg12[%swap3A_203] : memref<64xf32, #tpu.memory_space<smem>>
      %slice3A_205 = vector.extract_strided_slice %get3A_54 {offsets = [8], sizes = [1], strides = [1]} : vector<16xf32> to vector<1xf32>
      %squeeze3A_206 = vector.extract %slice3A_205[0] : f32 from vector<1xf32>
      %add3A_207 = arith.constant 8 : i32
      %add3A_208 = arith.addi %mul3A_49, %add3A_207 : i32
      %swap3A_209 = arith.index_cast %add3A_208 : i32 to index
      %swap3A_210 = memref.load %arg13[%swap3A_209] : memref<64xf32, #tpu.memory_space<smem>>
      memref.store %squeeze3A_206, %arg13[%swap3A_209] : memref<64xf32, #tpu.memory_space<smem>>
      %slice3A_211 = vector.extract_strided_slice %get3A_57 {offsets = [8], sizes = [1], strides = [1]} : vector<16xf32> to vector<1xf32>
      %squeeze3A_212 = vector.extract %slice3A_211[0] : f32 from vector<1xf32>
      %add3A_213 = arith.constant 8 : i32
      %add3A_214 = arith.addi %mul3A_49, %add3A_213 : i32
      %swap3A_215 = arith.index_cast %add3A_214 : i32 to index
      %swap3A_216 = memref.load %arg14[%swap3A_215] : memref<64xf32, #tpu.memory_space<smem>>
      memref.store %squeeze3A_212, %arg14[%swap3A_215] : memref<64xf32, #tpu.memory_space<smem>>
      %slice3A_217 = vector.extract_strided_slice %get3A_51 {offsets = [9], sizes = [1], strides = [1]} : vector<16xf32> to vector<1xf32>
      %squeeze3A_218 = vector.extract %slice3A_217[0] : f32 from vector<1xf32>
      %add3A_219 = arith.constant 9 : i32
      %add3A_220 = arith.addi %mul3A_49, %add3A_219 : i32
      %swap3A_221 = arith.index_cast %add3A_220 : i32 to index
      %swap3A_222 = memref.load %arg12[%swap3A_221] : memref<64xf32, #tpu.memory_space<smem>>
      memref.store %squeeze3A_218, %arg12[%swap3A_221] : memref<64xf32, #tpu.memory_space<smem>>
      %slice3A_223 = vector.extract_strided_slice %get3A_54 {offsets = [9], sizes = [1], strides = [1]} : vector<16xf32> to vector<1xf32>
      %squeeze3A_224 = vector.extract %slice3A_223[0] : f32 from vector<1xf32>
      %add3A_225 = arith.constant 9 : i32
      %add3A_226 = arith.addi %mul3A_49, %add3A_225 : i32
      %swap3A_227 = arith.index_cast %add3A_226 : i32 to index
      %swap3A_228 = memref.load %arg13[%swap3A_227] : memref<64xf32, #tpu.memory_space<smem>>
      memref.store %squeeze3A_224, %arg13[%swap3A_227] : memref<64xf32, #tpu.memory_space<smem>>
      %slice3A_229 = vector.extract_strided_slice %get3A_57 {offsets = [9], sizes = [1], strides = [1]} : vector<16xf32> to vector<1xf32>
      %squeeze3A_230 = vector.extract %slice3A_229[0] : f32 from vector<1xf32>
      %add3A_231 = arith.constant 9 : i32
      %add3A_232 = arith.addi %mul3A_49, %add3A_231 : i32
      %swap3A_233 = arith.index_cast %add3A_232 : i32 to index
      %swap3A_234 = memref.load %arg14[%swap3A_233] : memref<64xf32, #tpu.memory_space<smem>>
      memref.store %squeeze3A_230, %arg14[%swap3A_233] : memref<64xf32, #tpu.memory_space<smem>>
      %slice3A_235 = vector.extract_strided_slice %get3A_51 {offsets = [10], sizes = [1], strides = [1]} : vector<16xf32> to vector<1xf32>
      %squeeze3A_236 = vector.extract %slice3A_235[0] : f32 from vector<1xf32>
      %add3A_237 = arith.constant 10 : i32
      %add3A_238 = arith.addi %mul3A_49, %add3A_237 : i32
      %swap3A_239 = arith.index_cast %add3A_238 : i32 to index
      %swap3A_240 = memref.load %arg12[%swap3A_239] : memref<64xf32, #tpu.memory_space<smem>>
      memref.store %squeeze3A_236, %arg12[%swap3A_239] : memref<64xf32, #tpu.memory_space<smem>>
      %slice3A_241 = vector.extract_strided_slice %get3A_54 {offsets = [10], sizes = [1], strides = [1]} : vector<16xf32> to vector<1xf32>
      %squeeze3A_242 = vector.extract %slice3A_241[0] : f32 from vector<1xf32>
      %add3A_243 = arith.constant 10 : i32
      %add3A_244 = arith.addi %mul3A_49, %add3A_243 : i32
      %swap3A_245 = arith.index_cast %add3A_244 : i32 to index
      %swap3A_246 = memref.load %arg13[%swap3A_245] : memref<64xf32, #tpu.memory_space<smem>>
      memref.store %squeeze3A_242, %arg13[%swap3A_245] : memref<64xf32, #tpu.memory_space<smem>>
      %slice3A_247 = vector.extract_strided_slice %get3A_57 {offsets = [10], sizes = [1], strides = [1]} : vector<16xf32> to vector<1xf32>
      %squeeze3A_248 = vector.extract %slice3A_247[0] : f32 from vector<1xf32>
      %add3A_249 = arith.constant 10 : i32
      %add3A_250 = arith.addi %mul3A_49, %add3A_249 : i32
      %swap3A_251 = arith.index_cast %add3A_250 : i32 to index
      %swap3A_252 = memref.load %arg14[%swap3A_251] : memref<64xf32, #tpu.memory_space<smem>>
      memref.store %squeeze3A_248, %arg14[%swap3A_251] : memref<64xf32, #tpu.memory_space<smem>>
      %slice3A_253 = vector.extract_strided_slice %get3A_51 {offsets = [11], sizes = [1], strides = [1]} : vector<16xf32> to vector<1xf32>
      %squeeze3A_254 = vector.extract %slice3A_253[0] : f32 from vector<1xf32>
      %add3A_255 = arith.constant 11 : i32
      %add3A_256 = arith.addi %mul3A_49, %add3A_255 : i32
      %swap3A_257 = arith.index_cast %add3A_256 : i32 to index
      %swap3A_258 = memref.load %arg12[%swap3A_257] : memref<64xf32, #tpu.memory_space<smem>>
      memref.store %squeeze3A_254, %arg12[%swap3A_257] : memref<64xf32, #tpu.memory_space<smem>>
      %slice3A_259 = vector.extract_strided_slice %get3A_54 {offsets = [11], sizes = [1], strides = [1]} : vector<16xf32> to vector<1xf32>
      %squeeze3A_260 = vector.extract %slice3A_259[0] : f32 from vector<1xf32>
      %add3A_261 = arith.constant 11 : i32
      %add3A_262 = arith.addi %mul3A_49, %add3A_261 : i32
      %swap3A_263 = arith.index_cast %add3A_262 : i32 to index
      %swap3A_264 = memref.load %arg13[%swap3A_263] : memref<64xf32, #tpu.memory_space<smem>>
      memref.store %squeeze3A_260, %arg13[%swap3A_263] : memref<64xf32, #tpu.memory_space<smem>>
      %slice3A_265 = vector.extract_strided_slice %get3A_57 {offsets = [11], sizes = [1], strides = [1]} : vector<16xf32> to vector<1xf32>
      %squeeze3A_266 = vector.extract %slice3A_265[0] : f32 from vector<1xf32>
      %add3A_267 = arith.constant 11 : i32
      %add3A_268 = arith.addi %mul3A_49, %add3A_267 : i32
      %swap3A_269 = arith.index_cast %add3A_268 : i32 to index
      %swap3A_270 = memref.load %arg14[%swap3A_269] : memref<64xf32, #tpu.memory_space<smem>>
      memref.store %squeeze3A_266, %arg14[%swap3A_269] : memref<64xf32, #tpu.memory_space<smem>>
      %slice3A_271 = vector.extract_strided_slice %get3A_51 {offsets = [12], sizes = [1], strides = [1]} : vector<16xf32> to vector<1xf32>
      %squeeze3A_272 = vector.extract %slice3A_271[0] : f32 from vector<1xf32>
      %add3A_273 = arith.constant 12 : i32
      %add3A_274 = arith.addi %mul3A_49, %add3A_273 : i32
      %swap3A_275 = arith.index_cast %add3A_274 : i32 to index
      %swap3A_276 = memref.load %arg12[%swap3A_275] : memref<64xf32, #tpu.memory_space<smem>>
      memref.store %squeeze3A_272, %arg12[%swap3A_275] : memref<64xf32, #tpu.memory_space<smem>>
      %slice3A_277 = vector.extract_strided_slice %get3A_54 {offsets = [12], sizes = [1], strides = [1]} : vector<16xf32> to vector<1xf32>
      %squeeze3A_278 = vector.extract %slice3A_277[0] : f32 from vector<1xf32>
      %add3A_279 = arith.constant 12 : i32
      %add3A_280 = arith.addi %mul3A_49, %add3A_279 : i32
      %swap3A_281 = arith.index_cast %add3A_280 : i32 to index
      %swap3A_282 = memref.load %arg13[%swap3A_281] : memref<64xf32, #tpu.memory_space<smem>>
      memref.store %squeeze3A_278, %arg13[%swap3A_281] : memref<64xf32, #tpu.memory_space<smem>>
      %slice3A_283 = vector.extract_strided_slice %get3A_57 {offsets = [12], sizes = [1], strides = [1]} : vector<16xf32> to vector<1xf32>
      %squeeze3A_284 = vector.extract %slice3A_283[0] : f32 from vector<1xf32>
      %add3A_285 = arith.constant 12 : i32
      %add3A_286 = arith.addi %mul3A_49, %add3A_285 : i32
      %swap3A_287 = arith.index_cast %add3A_286 : i32 to index
      %swap3A_288 = memref.load %arg14[%swap3A_287] : memref<64xf32, #tpu.memory_space<smem>>
      memref.store %squeeze3A_284, %arg14[%swap3A_287] : memref<64xf32, #tpu.memory_space<smem>>
      %slice3A_289 = vector.extract_strided_slice %get3A_51 {offsets = [13], sizes = [1], strides = [1]} : vector<16xf32> to vector<1xf32>
      %squeeze3A_290 = vector.extract %slice3A_289[0] : f32 from vector<1xf32>
      %add3A_291 = arith.constant 13 : i32
      %add3A_292 = arith.addi %mul3A_49, %add3A_291 : i32
      %swap3A_293 = arith.index_cast %add3A_292 : i32 to index
      %swap3A_294 = memref.load %arg12[%swap3A_293] : memref<64xf32, #tpu.memory_space<smem>>
      memref.store %squeeze3A_290, %arg12[%swap3A_293] : memref<64xf32, #tpu.memory_space<smem>>
      %slice3A_295 = vector.extract_strided_slice %get3A_54 {offsets = [13], sizes = [1], strides = [1]} : vector<16xf32> to vector<1xf32>
      %squeeze3A_296 = vector.extract %slice3A_295[0] : f32 from vector<1xf32>
      %add3A_297 = arith.constant 13 : i32
      %add3A_298 = arith.addi %mul3A_49, %add3A_297 : i32
      %swap3A_299 = arith.index_cast %add3A_298 : i32 to index
      %swap3A_300 = memref.load %arg13[%swap3A_299] : memref<64xf32, #tpu.memory_space<smem>>
      memref.store %squeeze3A_296, %arg13[%swap3A_299] : memref<64xf32, #tpu.memory_space<smem>>
      %slice3A_301 = vector.extract_strided_slice %get3A_57 {offsets = [13], sizes = [1], strides = [1]} : vector<16xf32> to vector<1xf32>
      %squeeze3A_302 = vector.extract %slice3A_301[0] : f32 from vector<1xf32>
      %add3A_303 = arith.constant 13 : i32
      %add3A_304 = arith.addi %mul3A_49, %add3A_303 : i32
      %swap3A_305 = arith.index_cast %add3A_304 : i32 to index
      %swap3A_306 = memref.load %arg14[%swap3A_305] : memref<64xf32, #tpu.memory_space<smem>>
      memref.store %squeeze3A_302, %arg14[%swap3A_305] : memref<64xf32, #tpu.memory_space<smem>>
      %slice3A_307 = vector.extract_strided_slice %get3A_51 {offsets = [14], sizes = [1], strides = [1]} : vector<16xf32> to vector<1xf32>
      %squeeze3A_308 = vector.extract %slice3A_307[0] : f32 from vector<1xf32>
      %add3A_309 = arith.constant 14 : i32
      %add3A_310 = arith.addi %mul3A_49, %add3A_309 : i32
      %swap3A_311 = arith.index_cast %add3A_310 : i32 to index
      %swap3A_312 = memref.load %arg12[%swap3A_311] : memref<64xf32, #tpu.memory_space<smem>>
      memref.store %squeeze3A_308, %arg12[%swap3A_311] : memref<64xf32, #tpu.memory_space<smem>>
      %slice3A_313 = vector.extract_strided_slice %get3A_54 {offsets = [14], sizes = [1], strides = [1]} : vector<16xf32> to vector<1xf32>
      %squeeze3A_314 = vector.extract %slice3A_313[0] : f32 from vector<1xf32>
      %add3A_315 = arith.constant 14 : i32
      %add3A_316 = arith.addi %mul3A_49, %add3A_315 : i32
      %swap3A_317 = arith.index_cast %add3A_316 : i32 to index
      %swap3A_318 = memref.load %arg13[%swap3A_317] : memref<64xf32, #tpu.memory_space<smem>>
      memref.store %squeeze3A_314, %arg13[%swap3A_317] : memref<64xf32, #tpu.memory_space<smem>>
      %slice3A_319 = vector.extract_strided_slice %get3A_57 {offsets = [14], sizes = [1], strides = [1]} : vector<16xf32> to vector<1xf32>
      %squeeze3A_320 = vector.extract %slice3A_319[0] : f32 from vector<1xf32>
      %add3A_321 = arith.constant 14 : i32
      %add3A_322 = arith.addi %mul3A_49, %add3A_321 : i32
      %swap3A_323 = arith.index_cast %add3A_322 : i32 to index
      %swap3A_324 = memref.load %arg14[%swap3A_323] : memref<64xf32, #tpu.memory_space<smem>>
      memref.store %squeeze3A_320, %arg14[%swap3A_323] : memref<64xf32, #tpu.memory_space<smem>>
      %slice3A_325 = vector.extract_strided_slice %get3A_51 {offsets = [15], sizes = [1], strides = [1]} : vector<16xf32> to vector<1xf32>
      %squeeze3A_326 = vector.extract %slice3A_325[0] : f32 from vector<1xf32>
      %add3A_327 = arith.constant 15 : i32
      %add3A_328 = arith.addi %mul3A_49, %add3A_327 : i32
      %swap3A_329 = arith.index_cast %add3A_328 : i32 to index
      %swap3A_330 = memref.load %arg12[%swap3A_329] : memref<64xf32, #tpu.memory_space<smem>>
      memref.store %squeeze3A_326, %arg12[%swap3A_329] : memref<64xf32, #tpu.memory_space<smem>>
      %slice3A_331 = vector.extract_strided_slice %get3A_54 {offsets = [15], sizes = [1], strides = [1]} : vector<16xf32> to vector<1xf32>
      %squeeze3A_332 = vector.extract %slice3A_331[0] : f32 from vector<1xf32>
      %add3A_333 = arith.constant 15 : i32
      %add3A_334 = arith.addi %mul3A_49, %add3A_333 : i32
      %swap3A_335 = arith.index_cast %add3A_334 : i32 to index
      %swap3A_336 = memref.load %arg13[%swap3A_335] : memref<64xf32, #tpu.memory_space<smem>>
      memref.store %squeeze3A_332, %arg13[%swap3A_335] : memref<64xf32, #tpu.memory_space<smem>>
      %slice3A_337 = vector.extract_strided_slice %get3A_57 {offsets = [15], sizes = [1], strides = [1]} : vector<16xf32> to vector<1xf32>
      %squeeze3A_338 = vector.extract %slice3A_337[0] : f32 from vector<1xf32>
      %add3A_339 = arith.constant 15 : i32
      %add3A_340 = arith.addi %mul3A_49, %add3A_339 : i32
      %swap3A_341 = arith.index_cast %add3A_340 : i32 to index
      %swap3A_342 = memref.load %arg14[%swap3A_341] : memref<64xf32, #tpu.memory_space<smem>>
      memref.store %squeeze3A_338, %arg14[%swap3A_341] : memref<64xf32, #tpu.memory_space<smem>>
    }
    %scan3A_37 = arith.constant 4 : i32
    %broadcast_in_dim3A = arith.constant 2147483647 : i32
    %broadcast_in_dim3A_38 = vector.broadcast %broadcast_in_dim3A : i32 to vector<16xi32>
    %scan3A_39 = arith.constant 0 : i32
    %scan3A_40 = arith.constant 0 : i32
    %scan3A_41 = arith.constant 64 : i32
    %scan3A_42 = arith.addi %scan3A_40, %scan3A_41 : i32
    %scan3A_43 = arith.constant 1 : i32
    scf.for %scan3A_47 = %scan3A_40 to %scan3A_42 step %scan3A_43  : i32 {
      %get3A = arith.index_cast %scan3A_47 : i32 to index
      %get3A_48 = memref.load %arg12[%get3A] : memref<64xf32, #tpu.memory_space<smem>>
      %get3A_49 = arith.index_cast %scan3A_47 : i32 to index
      %get3A_50 = memref.load %arg13[%get3A_49] : memref<64xf32, #tpu.memory_space<smem>>
      %get3A_51 = arith.index_cast %scan3A_47 : i32 to index
      %get3A_52 = memref.load %arg14[%get3A_51] : memref<64xf32, #tpu.memory_space<smem>>
      %scan3A_53 = arith.constant 2147483647 : i32
      %scan3A_54 = arith.constant 2147483647 : i32
      %scan3A_55 = arith.constant 0 : i32
      %scan3A_56 = arith.constant 16 : i32
      %scan3A_57 = arith.addi %scan3A_55, %scan3A_56 : i32
      %scan3A_58 = arith.constant 1 : i32
      %scan3A_59:3 = scf.for %scan3A_182 = %scan3A_55 to %scan3A_57 step %scan3A_58 iter_args(%scan3A_183 = %broadcast_in_dim3A_38, %scan3A_184 = %scan3A_53, %scan3A_185 = %scan3A_54) -> (vector<16xi32>, i32, i32)  : i32 {
        %mul3A_186 = arith.constant 128 : i32
        %mul3A_187 = arith.muli %scan3A_182, %mul3A_186 : i32
        %add3A_188 = arith.constant 0 : i32
        %add3A_189 = arith.addi %mul3A_187, %add3A_188 : i32
        %get3A_190 = arith.index_cast %add3A_189 : i32 to index
        %get3A_191 = tpu.vector_load %arg7[%get3A_190] {strides = array<i32>} : memref<2048xf32, #tpu.memory_space<vmem>>, vector<16xf32>,
        %get3A_192 = arith.index_cast %add3A_189 : i32 to index
        %get3A_193 = tpu.vector_load %arg8[%get3A_192] {strides = array<i32>} : memref<2048xf32, #tpu.memory_space<vmem>>, vector<16xf32>,
        %get3A_194 = arith.index_cast %add3A_189 : i32 to index
        %get3A_195 = tpu.vector_load %arg9[%get3A_194] {strides = array<i32>} : memref<2048xf32, #tpu.memory_space<vmem>>, vector<16xf32>,
        %mul3A_196 = vector.broadcast %get3A_48 : f32 to vector<16xf32>
        %mul3A_197 = arith.mulf %mul3A_196, %get3A_191 : vector<16xf32>
        %mul3A_198 = vector.broadcast %get3A_50 : f32 to vector<16xf32>
        %mul3A_199 = arith.mulf %mul3A_198, %get3A_193 : vector<16xf32>
        %add3A_200 = arith.addf %mul3A_197, %mul3A_199 : vector<16xf32>
        %add3A_201 = vector.broadcast %get3A_52 : f32 to vector<16xf32>
        %add3A_202 = arith.addf %add3A_201, %get3A_195 : vector<16xf32>
        %mul3A_203 = arith.constant 2.000000e+00 : f32
        %mul3A_204 = vector.broadcast %mul3A_203 : f32 to vector<16xf32>
        %mul3A_205 = arith.mulf %mul3A_204, %add3A_200 : vector<16xf32>
        %sub3A_206 = arith.subf %add3A_202, %mul3A_205 : vector<16xf32>
        %bitcast_convert_type3A = tpu.bitcast %sub3A_206 : vector<16xf32> -> vector<16xi32>
        %lt3A_207 = arith.constant 0 : i32
        %lt3A_208 = vector.broadcast %lt3A_207 : i32 to vector<16xi32>
        %lt3A_209 = arith.cmpi slt, %bitcast_convert_type3A, %lt3A_208 : vector<16xi32>
        %xor3A = arith.constant 2147483647 : i32
        %xor3A_210 = vector.broadcast %xor3A : i32 to vector<16xi32>
        %xor3A_211 = arith.xori %bitcast_convert_type3A, %xor3A_210 : vector<16xi32>
        %select_n3A_212 = arith.select %lt3A_209, %xor3A_211, %bitcast_convert_type3A : vector<16xi1>, vector<16xi32>
        %and3A_213 = arith.constant -2048 : i32
        %and3A_214 = vector.broadcast %and3A_213 : i32 to vector<16xi32>
        %and3A_215 = arith.andi %select_n3A_212, %and3A_214 : vector<16xi32>
        %add3A_216 = vector.broadcast %add3A_189 : i32 to vector<16xi32>
        %add3A_217 = arith.addi %add3A_216, %iota3A : vector<16xi32>
        %or3A = arith.ori %and3A_215, %add3A_217 : vector<16xi32>
        %add3A_218 = arith.constant 16 : i32
        %add3A_219 = arith.addi %mul3A_187, %add3A_218 : i32
        %get3A_220 = arith.index_cast %add3A_219 : i32 to index
        %get3A_221 = tpu.vector_load %arg7[%get3A_220] {strides = array<i32>} : memref<2048xf32, #tpu.memory_space<vmem>>, vector<16xf32>,
        %get3A_222 = arith.index_cast %add3A_219 : i32 to index
        %get3A_223 = tpu.vector_load %arg8[%get3A_222] {strides = array<i32>} : memref<2048xf32, #tpu.memory_space<vmem>>, vector<16xf32>,
        %get3A_224 = arith.index_cast %add3A_219 : i32 to index
        %get3A_225 = tpu.vector_load %arg9[%get3A_224] {strides = array<i32>} : memref<2048xf32, #tpu.memory_space<vmem>>, vector<16xf32>,
        %mul3A_226 = vector.broadcast %get3A_48 : f32 to vector<16xf32>
        %mul3A_227 = arith.mulf %mul3A_226, %get3A_221 : vector<16xf32>
        %mul3A_228 = vector.broadcast %get3A_50 : f32 to vector<16xf32>
        %mul3A_229 = arith.mulf %mul3A_228, %get3A_223 : vector<16xf32>
        %add3A_230 = arith.addf %mul3A_227, %mul3A_229 : vector<16xf32>
        %add3A_231 = vector.broadcast %get3A_52 : f32 to vector<16xf32>
        %add3A_232 = arith.addf %add3A_231, %get3A_225 : vector<16xf32>
        %mul3A_233 = arith.constant 2.000000e+00 : f32
        %mul3A_234 = vector.broadcast %mul3A_233 : f32 to vector<16xf32>
        %mul3A_235 = arith.mulf %mul3A_234, %add3A_230 : vector<16xf32>
        %sub3A_236 = arith.subf %add3A_232, %mul3A_235 : vector<16xf32>
        %bitcast_convert_type3A_237 = tpu.bitcast %sub3A_236 : vector<16xf32> -> vector<16xi32>
        %lt3A_238 = arith.constant 0 : i32
        %lt3A_239 = vector.broadcast %lt3A_238 : i32 to vector<16xi32>
        %lt3A_240 = arith.cmpi slt, %bitcast_convert_type3A_237, %lt3A_239 : vector<16xi32>
        %xor3A_241 = arith.constant 2147483647 : i32
        %xor3A_242 = vector.broadcast %xor3A_241 : i32 to vector<16xi32>
        %xor3A_243 = arith.xori %bitcast_convert_type3A_237, %xor3A_242 : vector<16xi32>
        %select_n3A_244 = arith.select %lt3A_240, %xor3A_243, %bitcast_convert_type3A_237 : vector<16xi1>, vector<16xi32>
        %and3A_245 = arith.constant -2048 : i32
        %and3A_246 = vector.broadcast %and3A_245 : i32 to vector<16xi32>
        %and3A_247 = arith.andi %select_n3A_244, %and3A_246 : vector<16xi32>
        %add3A_248 = vector.broadcast %add3A_219 : i32 to vector<16xi32>
        %add3A_249 = arith.addi %add3A_248, %iota3A : vector<16xi32>
        %or3A_250 = arith.ori %and3A_247, %add3A_249 : vector<16xi32>
        %min3A = arith.minsi %or3A, %or3A_250 : vector<16xi32>
        %add3A_251 = arith.constant 32 : i32
        %add3A_252 = arith.addi %mul3A_187, %add3A_251 : i32
        %get3A_253 = arith.index_cast %add3A_252 : i32 to index
        %get3A_254 = tpu.vector_load %arg7[%get3A_253] {strides = array<i32>} : memref<2048xf32, #tpu.memory_space<vmem>>, vector<16xf32>,
        %get3A_255 = arith.index_cast %add3A_252 : i32 to index
        %get3A_256 = tpu.vector_load %arg8[%get3A_255] {strides = array<i32>} : memref<2048xf32, #tpu.memory_space<vmem>>, vector<16xf32>,
        %get3A_257 = arith.index_cast %add3A_252 : i32 to index
        %get3A_258 = tpu.vector_load %arg9[%get3A_257] {strides = array<i32>} : memref<2048xf32, #tpu.memory_space<vmem>>, vector<16xf32>,
        %mul3A_259 = vector.broadcast %get3A_48 : f32 to vector<16xf32>
        %mul3A_260 = arith.mulf %mul3A_259, %get3A_254 : vector<16xf32>
        %mul3A_261 = vector.broadcast %get3A_50 : f32 to vector<16xf32>
        %mul3A_262 = arith.mulf %mul3A_261, %get3A_256 : vector<16xf32>
        %add3A_263 = arith.addf %mul3A_260, %mul3A_262 : vector<16xf32>
        %add3A_264 = vector.broadcast %get3A_52 : f32 to vector<16xf32>
        %add3A_265 = arith.addf %add3A_264, %get3A_258 : vector<16xf32>
        %mul3A_266 = arith.constant 2.000000e+00 : f32
        %mul3A_267 = vector.broadcast %mul3A_266 : f32 to vector<16xf32>
        %mul3A_268 = arith.mulf %mul3A_267, %add3A_263 : vector<16xf32>
        %sub3A_269 = arith.subf %add3A_265, %mul3A_268 : vector<16xf32>
        %bitcast_convert_type3A_270 = tpu.bitcast %sub3A_269 : vector<16xf32> -> vector<16xi32>
        %lt3A_271 = arith.constant 0 : i32
        %lt3A_272 = vector.broadcast %lt3A_271 : i32 to vector<16xi32>
        %lt3A_273 = arith.cmpi slt, %bitcast_convert_type3A_270, %lt3A_272 : vector<16xi32>
        %xor3A_274 = arith.constant 2147483647 : i32
        %xor3A_275 = vector.broadcast %xor3A_274 : i32 to vector<16xi32>
        %xor3A_276 = arith.xori %bitcast_convert_type3A_270, %xor3A_275 : vector<16xi32>
        %select_n3A_277 = arith.select %lt3A_273, %xor3A_276, %bitcast_convert_type3A_270 : vector<16xi1>, vector<16xi32>
        %and3A_278 = arith.constant -2048 : i32
        %and3A_279 = vector.broadcast %and3A_278 : i32 to vector<16xi32>
        %and3A_280 = arith.andi %select_n3A_277, %and3A_279 : vector<16xi32>
        %add3A_281 = vector.broadcast %add3A_252 : i32 to vector<16xi32>
        %add3A_282 = arith.addi %add3A_281, %iota3A : vector<16xi32>
        %or3A_283 = arith.ori %and3A_280, %add3A_282 : vector<16xi32>
        %min3A_284 = arith.minsi %min3A, %or3A_283 : vector<16xi32>
        %add3A_285 = arith.constant 48 : i32
        %add3A_286 = arith.addi %mul3A_187, %add3A_285 : i32
        %get3A_287 = arith.index_cast %add3A_286 : i32 to index
        %get3A_288 = tpu.vector_load %arg7[%get3A_287] {strides = array<i32>} : memref<2048xf32, #tpu.memory_space<vmem>>, vector<16xf32>,
        %get3A_289 = arith.index_cast %add3A_286 : i32 to index
        %get3A_290 = tpu.vector_load %arg8[%get3A_289] {strides = array<i32>} : memref<2048xf32, #tpu.memory_space<vmem>>, vector<16xf32>,
        %get3A_291 = arith.index_cast %add3A_286 : i32 to index
        %get3A_292 = tpu.vector_load %arg9[%get3A_291] {strides = array<i32>} : memref<2048xf32, #tpu.memory_space<vmem>>, vector<16xf32>,
        %mul3A_293 = vector.broadcast %get3A_48 : f32 to vector<16xf32>
        %mul3A_294 = arith.mulf %mul3A_293, %get3A_288 : vector<16xf32>
        %mul3A_295 = vector.broadcast %get3A_50 : f32 to vector<16xf32>
        %mul3A_296 = arith.mulf %mul3A_295, %get3A_290 : vector<16xf32>
        %add3A_297 = arith.addf %mul3A_294, %mul3A_296 : vector<16xf32>
        %add3A_298 = vector.broadcast %get3A_52 : f32 to vector<16xf32>
        %add3A_299 = arith.addf %add3A_298, %get3A_292 : vector<16xf32>
        %mul3A_300 = arith.constant 2.000000e+00 : f32
        %mul3A_301 = vector.broadcast %mul3A_300 : f32 to vector<16xf32>
        %mul3A_302 = arith.mulf %mul3A_301, %add3A_297 : vector<16xf32>
        %sub3A_303 = arith.subf %add3A_299, %mul3A_302 : vector<16xf32>
        %bitcast_convert_type3A_304 = tpu.bitcast %sub3A_303 : vector<16xf32> -> vector<16xi32>
        %lt3A_305 = arith.constant 0 : i32
        %lt3A_306 = vector.broadcast %lt3A_305 : i32 to vector<16xi32>
        %lt3A_307 = arith.cmpi slt, %bitcast_convert_type3A_304, %lt3A_306 : vector<16xi32>
        %xor3A_308 = arith.constant 2147483647 : i32
        %xor3A_309 = vector.broadcast %xor3A_308 : i32 to vector<16xi32>
        %xor3A_310 = arith.xori %bitcast_convert_type3A_304, %xor3A_309 : vector<16xi32>
        %select_n3A_311 = arith.select %lt3A_307, %xor3A_310, %bitcast_convert_type3A_304 : vector<16xi1>, vector<16xi32>
        %and3A_312 = arith.constant -2048 : i32
        %and3A_313 = vector.broadcast %and3A_312 : i32 to vector<16xi32>
        %and3A_314 = arith.andi %select_n3A_311, %and3A_313 : vector<16xi32>
        %add3A_315 = vector.broadcast %add3A_286 : i32 to vector<16xi32>
        %add3A_316 = arith.addi %add3A_315, %iota3A : vector<16xi32>
        %or3A_317 = arith.ori %and3A_314, %add3A_316 : vector<16xi32>
        %min3A_318 = arith.minsi %min3A_284, %or3A_317 : vector<16xi32>
        %add3A_319 = arith.constant 64 : i32
        %add3A_320 = arith.addi %mul3A_187, %add3A_319 : i32
        %get3A_321 = arith.index_cast %add3A_320 : i32 to index
        %get3A_322 = tpu.vector_load %arg7[%get3A_321] {strides = array<i32>} : memref<2048xf32, #tpu.memory_space<vmem>>, vector<16xf32>,
        %get3A_323 = arith.index_cast %add3A_320 : i32 to index
        %get3A_324 = tpu.vector_load %arg8[%get3A_323] {strides = array<i32>} : memref<2048xf32, #tpu.memory_space<vmem>>, vector<16xf32>,
        %get3A_325 = arith.index_cast %add3A_320 : i32 to index
        %get3A_326 = tpu.vector_load %arg9[%get3A_325] {strides = array<i32>} : memref<2048xf32, #tpu.memory_space<vmem>>, vector<16xf32>,
        %mul3A_327 = vector.broadcast %get3A_48 : f32 to vector<16xf32>
        %mul3A_328 = arith.mulf %mul3A_327, %get3A_322 : vector<16xf32>
        %mul3A_329 = vector.broadcast %get3A_50 : f32 to vector<16xf32>
        %mul3A_330 = arith.mulf %mul3A_329, %get3A_324 : vector<16xf32>
        %add3A_331 = arith.addf %mul3A_328, %mul3A_330 : vector<16xf32>
        %add3A_332 = vector.broadcast %get3A_52 : f32 to vector<16xf32>
        %add3A_333 = arith.addf %add3A_332, %get3A_326 : vector<16xf32>
        %mul3A_334 = arith.constant 2.000000e+00 : f32
        %mul3A_335 = vector.broadcast %mul3A_334 : f32 to vector<16xf32>
        %mul3A_336 = arith.mulf %mul3A_335, %add3A_331 : vector<16xf32>
        %sub3A_337 = arith.subf %add3A_333, %mul3A_336 : vector<16xf32>
        %bitcast_convert_type3A_338 = tpu.bitcast %sub3A_337 : vector<16xf32> -> vector<16xi32>
        %lt3A_339 = arith.constant 0 : i32
        %lt3A_340 = vector.broadcast %lt3A_339 : i32 to vector<16xi32>
        %lt3A_341 = arith.cmpi slt, %bitcast_convert_type3A_338, %lt3A_340 : vector<16xi32>
        %xor3A_342 = arith.constant 2147483647 : i32
        %xor3A_343 = vector.broadcast %xor3A_342 : i32 to vector<16xi32>
        %xor3A_344 = arith.xori %bitcast_convert_type3A_338, %xor3A_343 : vector<16xi32>
        %select_n3A_345 = arith.select %lt3A_341, %xor3A_344, %bitcast_convert_type3A_338 : vector<16xi1>, vector<16xi32>
        %and3A_346 = arith.constant -2048 : i32
        %and3A_347 = vector.broadcast %and3A_346 : i32 to vector<16xi32>
        %and3A_348 = arith.andi %select_n3A_345, %and3A_347 : vector<16xi32>
        %add3A_349 = vector.broadcast %add3A_320 : i32 to vector<16xi32>
        %add3A_350 = arith.addi %add3A_349, %iota3A : vector<16xi32>
        %or3A_351 = arith.ori %and3A_348, %add3A_350 : vector<16xi32>
        %min3A_352 = arith.minsi %min3A_318, %or3A_351 : vector<16xi32>
        %add3A_353 = arith.constant 80 : i32
        %add3A_354 = arith.addi %mul3A_187, %add3A_353 : i32
        %get3A_355 = arith.index_cast %add3A_354 : i32 to index
        %get3A_356 = tpu.vector_load %arg7[%get3A_355] {strides = array<i32>} : memref<2048xf32, #tpu.memory_space<vmem>>, vector<16xf32>,
        %get3A_357 = arith.index_cast %add3A_354 : i32 to index
        %get3A_358 = tpu.vector_load %arg8[%get3A_357] {strides = array<i32>} : memref<2048xf32, #tpu.memory_space<vmem>>, vector<16xf32>,
        %get3A_359 = arith.index_cast %add3A_354 : i32 to index
        %get3A_360 = tpu.vector_load %arg9[%get3A_359] {strides = array<i32>} : memref<2048xf32, #tpu.memory_space<vmem>>, vector<16xf32>,
        %mul3A_361 = vector.broadcast %get3A_48 : f32 to vector<16xf32>
        %mul3A_362 = arith.mulf %mul3A_361, %get3A_356 : vector<16xf32>
        %mul3A_363 = vector.broadcast %get3A_50 : f32 to vector<16xf32>
        %mul3A_364 = arith.mulf %mul3A_363, %get3A_358 : vector<16xf32>
        %add3A_365 = arith.addf %mul3A_362, %mul3A_364 : vector<16xf32>
        %add3A_366 = vector.broadcast %get3A_52 : f32 to vector<16xf32>
        %add3A_367 = arith.addf %add3A_366, %get3A_360 : vector<16xf32>
        %mul3A_368 = arith.constant 2.000000e+00 : f32
        %mul3A_369 = vector.broadcast %mul3A_368 : f32 to vector<16xf32>
        %mul3A_370 = arith.mulf %mul3A_369, %add3A_365 : vector<16xf32>
        %sub3A_371 = arith.subf %add3A_367, %mul3A_370 : vector<16xf32>
        %bitcast_convert_type3A_372 = tpu.bitcast %sub3A_371 : vector<16xf32> -> vector<16xi32>
        %lt3A_373 = arith.constant 0 : i32
        %lt3A_374 = vector.broadcast %lt3A_373 : i32 to vector<16xi32>
        %lt3A_375 = arith.cmpi slt, %bitcast_convert_type3A_372, %lt3A_374 : vector<16xi32>
        %xor3A_376 = arith.constant 2147483647 : i32
        %xor3A_377 = vector.broadcast %xor3A_376 : i32 to vector<16xi32>
        %xor3A_378 = arith.xori %bitcast_convert_type3A_372, %xor3A_377 : vector<16xi32>
        %select_n3A_379 = arith.select %lt3A_375, %xor3A_378, %bitcast_convert_type3A_372 : vector<16xi1>, vector<16xi32>
        %and3A_380 = arith.constant -2048 : i32
        %and3A_381 = vector.broadcast %and3A_380 : i32 to vector<16xi32>
        %and3A_382 = arith.andi %select_n3A_379, %and3A_381 : vector<16xi32>
        %add3A_383 = vector.broadcast %add3A_354 : i32 to vector<16xi32>
        %add3A_384 = arith.addi %add3A_383, %iota3A : vector<16xi32>
        %or3A_385 = arith.ori %and3A_382, %add3A_384 : vector<16xi32>
        %min3A_386 = arith.minsi %min3A_352, %or3A_385 : vector<16xi32>
        %add3A_387 = arith.constant 96 : i32
        %add3A_388 = arith.addi %mul3A_187, %add3A_387 : i32
        %get3A_389 = arith.index_cast %add3A_388 : i32 to index
        %get3A_390 = tpu.vector_load %arg7[%get3A_389] {strides = array<i32>} : memref<2048xf32, #tpu.memory_space<vmem>>, vector<16xf32>,
        %get3A_391 = arith.index_cast %add3A_388 : i32 to index
        %get3A_392 = tpu.vector_load %arg8[%get3A_391] {strides = array<i32>} : memref<2048xf32, #tpu.memory_space<vmem>>, vector<16xf32>,
        %get3A_393 = arith.index_cast %add3A_388 : i32 to index
        %get3A_394 = tpu.vector_load %arg9[%get3A_393] {strides = array<i32>} : memref<2048xf32, #tpu.memory_space<vmem>>, vector<16xf32>,
        %mul3A_395 = vector.broadcast %get3A_48 : f32 to vector<16xf32>
        %mul3A_396 = arith.mulf %mul3A_395, %get3A_390 : vector<16xf32>
        %mul3A_397 = vector.broadcast %get3A_50 : f32 to vector<16xf32>
        %mul3A_398 = arith.mulf %mul3A_397, %get3A_392 : vector<16xf32>
        %add3A_399 = arith.addf %mul3A_396, %mul3A_398 : vector<16xf32>
        %add3A_400 = vector.broadcast %get3A_52 : f32 to vector<16xf32>
        %add3A_401 = arith.addf %add3A_400, %get3A_394 : vector<16xf32>
        %mul3A_402 = arith.constant 2.000000e+00 : f32
        %mul3A_403 = vector.broadcast %mul3A_402 : f32 to vector<16xf32>
        %mul3A_404 = arith.mulf %mul3A_403, %add3A_399 : vector<16xf32>
        %sub3A_405 = arith.subf %add3A_401, %mul3A_404 : vector<16xf32>
        %bitcast_convert_type3A_406 = tpu.bitcast %sub3A_405 : vector<16xf32> -> vector<16xi32>
        %lt3A_407 = arith.constant 0 : i32
        %lt3A_408 = vector.broadcast %lt3A_407 : i32 to vector<16xi32>
        %lt3A_409 = arith.cmpi slt, %bitcast_convert_type3A_406, %lt3A_408 : vector<16xi32>
        %xor3A_410 = arith.constant 2147483647 : i32
        %xor3A_411 = vector.broadcast %xor3A_410 : i32 to vector<16xi32>
        %xor3A_412 = arith.xori %bitcast_convert_type3A_406, %xor3A_411 : vector<16xi32>
        %select_n3A_413 = arith.select %lt3A_409, %xor3A_412, %bitcast_convert_type3A_406 : vector<16xi1>, vector<16xi32>
        %and3A_414 = arith.constant -2048 : i32
        %and3A_415 = vector.broadcast %and3A_414 : i32 to vector<16xi32>
        %and3A_416 = arith.andi %select_n3A_413, %and3A_415 : vector<16xi32>
        %add3A_417 = vector.broadcast %add3A_388 : i32 to vector<16xi32>
        %add3A_418 = arith.addi %add3A_417, %iota3A : vector<16xi32>
        %or3A_419 = arith.ori %and3A_416, %add3A_418 : vector<16xi32>
        %min3A_420 = arith.minsi %min3A_386, %or3A_419 : vector<16xi32>
        %add3A_421 = arith.constant 112 : i32
        %add3A_422 = arith.addi %mul3A_187, %add3A_421 : i32
        %get3A_423 = arith.index_cast %add3A_422 : i32 to index
        %get3A_424 = tpu.vector_load %arg7[%get3A_423] {strides = array<i32>} : memref<2048xf32, #tpu.memory_space<vmem>>, vector<16xf32>,
        %get3A_425 = arith.index_cast %add3A_422 : i32 to index
        %get3A_426 = tpu.vector_load %arg8[%get3A_425] {strides = array<i32>} : memref<2048xf32, #tpu.memory_space<vmem>>, vector<16xf32>,
        %get3A_427 = arith.index_cast %add3A_422 : i32 to index
        %get3A_428 = tpu.vector_load %arg9[%get3A_427] {strides = array<i32>} : memref<2048xf32, #tpu.memory_space<vmem>>, vector<16xf32>,
        %mul3A_429 = vector.broadcast %get3A_48 : f32 to vector<16xf32>
        %mul3A_430 = arith.mulf %mul3A_429, %get3A_424 : vector<16xf32>
        %mul3A_431 = vector.broadcast %get3A_50 : f32 to vector<16xf32>
        %mul3A_432 = arith.mulf %mul3A_431, %get3A_426 : vector<16xf32>
        %add3A_433 = arith.addf %mul3A_430, %mul3A_432 : vector<16xf32>
        %add3A_434 = vector.broadcast %get3A_52 : f32 to vector<16xf32>
        %add3A_435 = arith.addf %add3A_434, %get3A_428 : vector<16xf32>
        %mul3A_436 = arith.constant 2.000000e+00 : f32
        %mul3A_437 = vector.broadcast %mul3A_436 : f32 to vector<16xf32>
        %mul3A_438 = arith.mulf %mul3A_437, %add3A_433 : vector<16xf32>
        %sub3A_439 = arith.subf %add3A_435, %mul3A_438 : vector<16xf32>
        %bitcast_convert_type3A_440 = tpu.bitcast %sub3A_439 : vector<16xf32> -> vector<16xi32>
        %lt3A_441 = arith.constant 0 : i32
        %lt3A_442 = vector.broadcast %lt3A_441 : i32 to vector<16xi32>
        %lt3A_443 = arith.cmpi slt, %bitcast_convert_type3A_440, %lt3A_442 : vector<16xi32>
        %xor3A_444 = arith.constant 2147483647 : i32
        %xor3A_445 = vector.broadcast %xor3A_444 : i32 to vector<16xi32>
        %xor3A_446 = arith.xori %bitcast_convert_type3A_440, %xor3A_445 : vector<16xi32>
        %select_n3A_447 = arith.select %lt3A_443, %xor3A_446, %bitcast_convert_type3A_440 : vector<16xi1>, vector<16xi32>
        %and3A_448 = arith.constant -2048 : i32
        %and3A_449 = vector.broadcast %and3A_448 : i32 to vector<16xi32>
        %and3A_450 = arith.andi %select_n3A_447, %and3A_449 : vector<16xi32>
        %add3A_451 = vector.broadcast %add3A_422 : i32 to vector<16xi32>
        %add3A_452 = arith.addi %add3A_451, %iota3A : vector<16xi32>
        %or3A_453 = arith.ori %and3A_450, %add3A_452 : vector<16xi32>
        %min3A_454 = arith.minsi %min3A_420, %or3A_453 : vector<16xi32>
        %reduce_min3A = arith.constant true
        %reduce_min3A_455 = vector.broadcast %reduce_min3A : i1 to vector<16xi1>
        %reduce_min3A_456 = arith.constant -2147483648 : i32
        %reduce_min3A_457 = vector.broadcast %reduce_min3A_456 : i32 to vector<16xi32>
        %reduce_min3A_458 = arith.xori %min3A_454, %reduce_min3A_457 : vector<16xi32>
        %reduce_min3A_459 = tpu.scan <min>, %reduce_min3A_458 masked %reduce_min3A_455 : vector<16xi32>, vector<16xi1> -> vector<16xi32>
        %reduce_min3A_460 = arith.xori %reduce_min3A_459, %reduce_min3A_457 : vector<16xi32>
        %reduce_min3A_461 = vector.extract %reduce_min3A_460[15] : i32 from vector<16xi32>
        %lt3A_462 = arith.cmpi slt, %reduce_min3A_461, %scan3A_185 : i32
        %convert_element_type3A = arith.extui %lt3A_462 : i1 to i32
        %cond3A = arith.constant 0 : i32
        %cond3A_463 = arith.cmpi ne, %convert_element_type3A, %cond3A : i32
        %cond3A_464:3 = scf.if %cond3A_463 -> (vector<16xi32>, i32, i32) {
          %reduce_min3A_465 = arith.constant true
          %reduce_min3A_466 = vector.broadcast %reduce_min3A_465 : i1 to vector<16xi1>
          %reduce_min3A_467 = arith.constant -2147483648 : i32
          %reduce_min3A_468 = vector.broadcast %reduce_min3A_467 : i32 to vector<16xi32>
          %reduce_min3A_469 = arith.xori %or3A, %reduce_min3A_468 : vector<16xi32>
          %reduce_min3A_470 = tpu.scan <min>, %reduce_min3A_469 masked %reduce_min3A_466 : vector<16xi32>, vector<16xi1> -> vector<16xi32>
          %reduce_min3A_471 = arith.xori %reduce_min3A_470, %reduce_min3A_468 : vector<16xi32>
          %reduce_min3A_472 = vector.extract %reduce_min3A_471[15] : i32 from vector<16xi32>
          %lt3A_473 = arith.cmpi slt, %reduce_min3A_472, %scan3A_185 : i32
          %convert_element_type3A_474 = arith.extui %lt3A_473 : i1 to i32
          %cond3A_475 = arith.constant 0 : i32
          %cond3A_476 = arith.constant 0 : i32
          %cond3A_477 = arith.cmpi ne, %convert_element_type3A_474, %cond3A_476 : i32
          %cond3A_478:3 = scf.if %cond3A_477 -> (vector<16xi32>, i32, i32) {
            %masked_sort3A = arith.constant dense<true> : vector<16xi1>
            %masked_sort3A_577 = arith.constant -2147483648 : i32
            %masked_sort3A_578 = vector.broadcast %masked_sort3A_577 : i32 to vector<16xi32>
            %masked_sort3A_579 = arith.xori %or3A, %masked_sort3A_578 : vector<16xi32>
            %masked_sort3A_580, %masked_sort3A_581, %masked_sort3A_582 = tpu.sort %masked_sort3A_579, %or3A masked %masked_sort3A {descending = true} : (vector<16xi32>, vector<16xi32>, vector<16xi1>) -> (vector<16xi1>, vector<16xi32>, vector<16xi32>)
            %masked_sort3A_583 = arith.xori %masked_sort3A_581, %masked_sort3A_578 : vector<16xi32>
            %min3A_584 = arith.minsi %scan3A_183, %masked_sort3A_583 : vector<16xi32>
            %masked_sort3A_585 = arith.constant dense<true> : vector<16xi1>
            %masked_sort3A_586 = arith.constant -2147483648 : i32
            %masked_sort3A_587 = vector.broadcast %masked_sort3A_586 : i32 to vector<16xi32>
            %masked_sort3A_588 = arith.xori %min3A_584, %masked_sort3A_587 : vector<16xi32>
            %masked_sort3A_589, %masked_sort3A_590, %masked_sort3A_591 = tpu.sort %masked_sort3A_588, %iota3A masked %masked_sort3A_585 : (vector<16xi32>, vector<16xi32>, vector<16xi1>) -> (vector<16xi1>, vector<16xi32>, vector<16xi32>)
            %masked_sort3A_592 = arith.xori %masked_sort3A_590, %masked_sort3A_587 : vector<16xi32>
            %slice3A_593 = vector.extract_strided_slice %masked_sort3A_592 {offsets = [0], sizes = [1], strides = [1]} : vector<16xi32> to vector<1xi32>
            %squeeze3A_594 = vector.extract %slice3A_593[0] : i32 from vector<1xi32>
            %min3A_595 = arith.minsi %scan3A_184, %squeeze3A_594 : i32
            %max3A = arith.maxsi %scan3A_184, %squeeze3A_594 : i32
            %eq3A_596 = arith.constant 0 : i32
            %eq3A_597 = vector.broadcast %eq3A_596 : i32 to vector<16xi32>
            %eq3A_598 = arith.cmpi eq, %iota3A, %eq3A_597 : vector<16xi32>
            %broadcast_in_dim3A_599 = vector.broadcast %max3A : i32 to vector<16xi32>
            %select_n3A_600 = arith.select %eq3A_598, %broadcast_in_dim3A_599, %masked_sort3A_592 : vector<16xi1>, vector<16xi32>
            %masked_sort3A_601 = arith.constant dense<true> : vector<16xi1>
            %masked_sort3A_602 = arith.constant -2147483648 : i32
            %masked_sort3A_603 = vector.broadcast %masked_sort3A_602 : i32 to vector<16xi32>
            %masked_sort3A_604 = arith.xori %select_n3A_600, %masked_sort3A_603 : vector<16xi32>
            %masked_sort3A_605, %masked_sort3A_606, %masked_sort3A_607 = tpu.sort %masked_sort3A_604, %iota3A masked %masked_sort3A_601 : (vector<16xi32>, vector<16xi32>, vector<16xi1>) -> (vector<16xi1>, vector<16xi32>, vector<16xi32>)
            %masked_sort3A_608 = arith.xori %masked_sort3A_606, %masked_sort3A_603 : vector<16xi32>
            %slice3A_609 = vector.extract_strided_slice %masked_sort3A_608 {offsets = [15], sizes = [1], strides = [1]} : vector<16xi32> to vector<1xi32>
            %squeeze3A_610 = vector.extract %slice3A_609[0] : i32 from vector<1xi32>
            scf.yield %masked_sort3A_608, %min3A_595, %squeeze3A_610 : vector<16xi32>, i32, i32
          } else {
            scf.yield %scan3A_183, %scan3A_184, %scan3A_185 : vector<16xi32>, i32, i32
          }
          %reduce_min3A_479 = arith.constant true
          %reduce_min3A_480 = vector.broadcast %reduce_min3A_479 : i1 to vector<16xi1>
          %reduce_min3A_481 = arith.constant -2147483648 : i32
          %reduce_min3A_482 = vector.broadcast %reduce_min3A_481 : i32 to vector<16xi32>
          %reduce_min3A_483 = arith.xori %or3A_250, %reduce_min3A_482 : vector<16xi32>
          %reduce_min3A_484 = tpu.scan <min>, %reduce_min3A_483 masked %reduce_min3A_480 : vector<16xi32>, vector<16xi1> -> vector<16xi32>
          %reduce_min3A_485 = arith.xori %reduce_min3A_484, %reduce_min3A_482 : vector<16xi32>
          %reduce_min3A_486 = vector.extract %reduce_min3A_485[15] : i32 from vector<16xi32>
          %lt3A_487 = arith.cmpi slt, %reduce_min3A_486, %cond3A_478#2 : i32
          %convert_element_type3A_488 = arith.extui %lt3A_487 : i1 to i32
          %cond3A_489 = arith.constant 0 : i32
          %cond3A_490 = arith.constant 0 : i32
          %cond3A_491 = arith.cmpi ne, %convert_element_type3A_488, %cond3A_490 : i32
          %cond3A_492:3 = scf.if %cond3A_491 -> (vector<16xi32>, i32, i32) {
            %masked_sort3A = arith.constant dense<true> : vector<16xi1>
            %masked_sort3A_577 = arith.constant -2147483648 : i32
            %masked_sort3A_578 = vector.broadcast %masked_sort3A_577 : i32 to vector<16xi32>
            %masked_sort3A_579 = arith.xori %or3A_250, %masked_sort3A_578 : vector<16xi32>
            %masked_sort3A_580, %masked_sort3A_581, %masked_sort3A_582 = tpu.sort %masked_sort3A_579, %or3A_250 masked %masked_sort3A {descending = true} : (vector<16xi32>, vector<16xi32>, vector<16xi1>) -> (vector<16xi1>, vector<16xi32>, vector<16xi32>)
            %masked_sort3A_583 = arith.xori %masked_sort3A_581, %masked_sort3A_578 : vector<16xi32>
            %min3A_584 = arith.minsi %cond3A_478#0, %masked_sort3A_583 : vector<16xi32>
            %masked_sort3A_585 = arith.constant dense<true> : vector<16xi1>
            %masked_sort3A_586 = arith.constant -2147483648 : i32
            %masked_sort3A_587 = vector.broadcast %masked_sort3A_586 : i32 to vector<16xi32>
            %masked_sort3A_588 = arith.xori %min3A_584, %masked_sort3A_587 : vector<16xi32>
            %masked_sort3A_589, %masked_sort3A_590, %masked_sort3A_591 = tpu.sort %masked_sort3A_588, %iota3A masked %masked_sort3A_585 : (vector<16xi32>, vector<16xi32>, vector<16xi1>) -> (vector<16xi1>, vector<16xi32>, vector<16xi32>)
            %masked_sort3A_592 = arith.xori %masked_sort3A_590, %masked_sort3A_587 : vector<16xi32>
            %slice3A_593 = vector.extract_strided_slice %masked_sort3A_592 {offsets = [0], sizes = [1], strides = [1]} : vector<16xi32> to vector<1xi32>
            %squeeze3A_594 = vector.extract %slice3A_593[0] : i32 from vector<1xi32>
            %min3A_595 = arith.minsi %cond3A_478#1, %squeeze3A_594 : i32
            %max3A = arith.maxsi %cond3A_478#1, %squeeze3A_594 : i32
            %eq3A_596 = arith.constant 0 : i32
            %eq3A_597 = vector.broadcast %eq3A_596 : i32 to vector<16xi32>
            %eq3A_598 = arith.cmpi eq, %iota3A, %eq3A_597 : vector<16xi32>
            %broadcast_in_dim3A_599 = vector.broadcast %max3A : i32 to vector<16xi32>
            %select_n3A_600 = arith.select %eq3A_598, %broadcast_in_dim3A_599, %masked_sort3A_592 : vector<16xi1>, vector<16xi32>
            %masked_sort3A_601 = arith.constant dense<true> : vector<16xi1>
            %masked_sort3A_602 = arith.constant -2147483648 : i32
            %masked_sort3A_603 = vector.broadcast %masked_sort3A_602 : i32 to vector<16xi32>
            %masked_sort3A_604 = arith.xori %select_n3A_600, %masked_sort3A_603 : vector<16xi32>
            %masked_sort3A_605, %masked_sort3A_606, %masked_sort3A_607 = tpu.sort %masked_sort3A_604, %iota3A masked %masked_sort3A_601 : (vector<16xi32>, vector<16xi32>, vector<16xi1>) -> (vector<16xi1>, vector<16xi32>, vector<16xi32>)
            %masked_sort3A_608 = arith.xori %masked_sort3A_606, %masked_sort3A_603 : vector<16xi32>
            %slice3A_609 = vector.extract_strided_slice %masked_sort3A_608 {offsets = [15], sizes = [1], strides = [1]} : vector<16xi32> to vector<1xi32>
            %squeeze3A_610 = vector.extract %slice3A_609[0] : i32 from vector<1xi32>
            scf.yield %masked_sort3A_608, %min3A_595, %squeeze3A_610 : vector<16xi32>, i32, i32
          } else {
            scf.yield %cond3A_478#0, %cond3A_478#1, %cond3A_478#2 : vector<16xi32>, i32, i32
          }
          %reduce_min3A_493 = arith.constant true
          %reduce_min3A_494 = vector.broadcast %reduce_min3A_493 : i1 to vector<16xi1>
          %reduce_min3A_495 = arith.constant -2147483648 : i32
          %reduce_min3A_496 = vector.broadcast %reduce_min3A_495 : i32 to vector<16xi32>
          %reduce_min3A_497 = arith.xori %or3A_283, %reduce_min3A_496 : vector<16xi32>
          %reduce_min3A_498 = tpu.scan <min>, %reduce_min3A_497 masked %reduce_min3A_494 : vector<16xi32>, vector<16xi1> -> vector<16xi32>
          %reduce_min3A_499 = arith.xori %reduce_min3A_498, %reduce_min3A_496 : vector<16xi32>
          %reduce_min3A_500 = vector.extract %reduce_min3A_499[15] : i32 from vector<16xi32>
          %lt3A_501 = arith.cmpi slt, %reduce_min3A_500, %cond3A_492#2 : i32
          %convert_element_type3A_502 = arith.extui %lt3A_501 : i1 to i32
          %cond3A_503 = arith.constant 0 : i32
          %cond3A_504 = arith.constant 0 : i32
          %cond3A_505 = arith.cmpi ne, %convert_element_type3A_502, %cond3A_504 : i32
          %cond3A_506:3 = scf.if %cond3A_505 -> (vector<16xi32>, i32, i32) {
            %masked_sort3A = arith.constant dense<true> : vector<16xi1>
            %masked_sort3A_577 = arith.constant -2147483648 : i32
            %masked_sort3A_578 = vector.broadcast %masked_sort3A_577 : i32 to vector<16xi32>
            %masked_sort3A_579 = arith.xori %or3A_283, %masked_sort3A_578 : vector<16xi32>
            %masked_sort3A_580, %masked_sort3A_581, %masked_sort3A_582 = tpu.sort %masked_sort3A_579, %or3A_283 masked %masked_sort3A {descending = true} : (vector<16xi32>, vector<16xi32>, vector<16xi1>) -> (vector<16xi1>, vector<16xi32>, vector<16xi32>)
            %masked_sort3A_583 = arith.xori %masked_sort3A_581, %masked_sort3A_578 : vector<16xi32>
            %min3A_584 = arith.minsi %cond3A_492#0, %masked_sort3A_583 : vector<16xi32>
            %masked_sort3A_585 = arith.constant dense<true> : vector<16xi1>
            %masked_sort3A_586 = arith.constant -2147483648 : i32
            %masked_sort3A_587 = vector.broadcast %masked_sort3A_586 : i32 to vector<16xi32>
            %masked_sort3A_588 = arith.xori %min3A_584, %masked_sort3A_587 : vector<16xi32>
            %masked_sort3A_589, %masked_sort3A_590, %masked_sort3A_591 = tpu.sort %masked_sort3A_588, %iota3A masked %masked_sort3A_585 : (vector<16xi32>, vector<16xi32>, vector<16xi1>) -> (vector<16xi1>, vector<16xi32>, vector<16xi32>)
            %masked_sort3A_592 = arith.xori %masked_sort3A_590, %masked_sort3A_587 : vector<16xi32>
            %slice3A_593 = vector.extract_strided_slice %masked_sort3A_592 {offsets = [0], sizes = [1], strides = [1]} : vector<16xi32> to vector<1xi32>
            %squeeze3A_594 = vector.extract %slice3A_593[0] : i32 from vector<1xi32>
            %min3A_595 = arith.minsi %cond3A_492#1, %squeeze3A_594 : i32
            %max3A = arith.maxsi %cond3A_492#1, %squeeze3A_594 : i32
            %eq3A_596 = arith.constant 0 : i32
            %eq3A_597 = vector.broadcast %eq3A_596 : i32 to vector<16xi32>
            %eq3A_598 = arith.cmpi eq, %iota3A, %eq3A_597 : vector<16xi32>
            %broadcast_in_dim3A_599 = vector.broadcast %max3A : i32 to vector<16xi32>
            %select_n3A_600 = arith.select %eq3A_598, %broadcast_in_dim3A_599, %masked_sort3A_592 : vector<16xi1>, vector<16xi32>
            %masked_sort3A_601 = arith.constant dense<true> : vector<16xi1>
            %masked_sort3A_602 = arith.constant -2147483648 : i32
            %masked_sort3A_603 = vector.broadcast %masked_sort3A_602 : i32 to vector<16xi32>
            %masked_sort3A_604 = arith.xori %select_n3A_600, %masked_sort3A_603 : vector<16xi32>
            %masked_sort3A_605, %masked_sort3A_606, %masked_sort3A_607 = tpu.sort %masked_sort3A_604, %iota3A masked %masked_sort3A_601 : (vector<16xi32>, vector<16xi32>, vector<16xi1>) -> (vector<16xi1>, vector<16xi32>, vector<16xi32>)
            %masked_sort3A_608 = arith.xori %masked_sort3A_606, %masked_sort3A_603 : vector<16xi32>
            %slice3A_609 = vector.extract_strided_slice %masked_sort3A_608 {offsets = [15], sizes = [1], strides = [1]} : vector<16xi32> to vector<1xi32>
            %squeeze3A_610 = vector.extract %slice3A_609[0] : i32 from vector<1xi32>
            scf.yield %masked_sort3A_608, %min3A_595, %squeeze3A_610 : vector<16xi32>, i32, i32
          } else {
            scf.yield %cond3A_492#0, %cond3A_492#1, %cond3A_492#2 : vector<16xi32>, i32, i32
          }
          %reduce_min3A_507 = arith.constant true
          %reduce_min3A_508 = vector.broadcast %reduce_min3A_507 : i1 to vector<16xi1>
          %reduce_min3A_509 = arith.constant -2147483648 : i32
          %reduce_min3A_510 = vector.broadcast %reduce_min3A_509 : i32 to vector<16xi32>
          %reduce_min3A_511 = arith.xori %or3A_317, %reduce_min3A_510 : vector<16xi32>
          %reduce_min3A_512 = tpu.scan <min>, %reduce_min3A_511 masked %reduce_min3A_508 : vector<16xi32>, vector<16xi1> -> vector<16xi32>
          %reduce_min3A_513 = arith.xori %reduce_min3A_512, %reduce_min3A_510 : vector<16xi32>
          %reduce_min3A_514 = vector.extract %reduce_min3A_513[15] : i32 from vector<16xi32>
          %lt3A_515 = arith.cmpi slt, %reduce_min3A_514, %cond3A_506#2 : i32
          %convert_element_type3A_516 = arith.extui %lt3A_515 : i1 to i32
          %cond3A_517 = arith.constant 0 : i32
          %cond3A_518 = arith.constant 0 : i32
          %cond3A_519 = arith.cmpi ne, %convert_element_type3A_516, %cond3A_518 : i32
          %cond3A_520:3 = scf.if %cond3A_519 -> (vector<16xi32>, i32, i32) {
            %masked_sort3A = arith.constant dense<true> : vector<16xi1>
            %masked_sort3A_577 = arith.constant -2147483648 : i32
            %masked_sort3A_578 = vector.broadcast %masked_sort3A_577 : i32 to vector<16xi32>
            %masked_sort3A_579 = arith.xori %or3A_317, %masked_sort3A_578 : vector<16xi32>
            %masked_sort3A_580, %masked_sort3A_581, %masked_sort3A_582 = tpu.sort %masked_sort3A_579, %or3A_317 masked %masked_sort3A {descending = true} : (vector<16xi32>, vector<16xi32>, vector<16xi1>) -> (vector<16xi1>, vector<16xi32>, vector<16xi32>)
            %masked_sort3A_583 = arith.xori %masked_sort3A_581, %masked_sort3A_578 : vector<16xi32>
            %min3A_584 = arith.minsi %cond3A_506#0, %masked_sort3A_583 : vector<16xi32>
            %masked_sort3A_585 = arith.constant dense<true> : vector<16xi1>
            %masked_sort3A_586 = arith.constant -2147483648 : i32
            %masked_sort3A_587 = vector.broadcast %masked_sort3A_586 : i32 to vector<16xi32>
            %masked_sort3A_588 = arith.xori %min3A_584, %masked_sort3A_587 : vector<16xi32>
            %masked_sort3A_589, %masked_sort3A_590, %masked_sort3A_591 = tpu.sort %masked_sort3A_588, %iota3A masked %masked_sort3A_585 : (vector<16xi32>, vector<16xi32>, vector<16xi1>) -> (vector<16xi1>, vector<16xi32>, vector<16xi32>)
            %masked_sort3A_592 = arith.xori %masked_sort3A_590, %masked_sort3A_587 : vector<16xi32>
            %slice3A_593 = vector.extract_strided_slice %masked_sort3A_592 {offsets = [0], sizes = [1], strides = [1]} : vector<16xi32> to vector<1xi32>
            %squeeze3A_594 = vector.extract %slice3A_593[0] : i32 from vector<1xi32>
            %min3A_595 = arith.minsi %cond3A_506#1, %squeeze3A_594 : i32
            %max3A = arith.maxsi %cond3A_506#1, %squeeze3A_594 : i32
            %eq3A_596 = arith.constant 0 : i32
            %eq3A_597 = vector.broadcast %eq3A_596 : i32 to vector<16xi32>
            %eq3A_598 = arith.cmpi eq, %iota3A, %eq3A_597 : vector<16xi32>
            %broadcast_in_dim3A_599 = vector.broadcast %max3A : i32 to vector<16xi32>
            %select_n3A_600 = arith.select %eq3A_598, %broadcast_in_dim3A_599, %masked_sort3A_592 : vector<16xi1>, vector<16xi32>
            %masked_sort3A_601 = arith.constant dense<true> : vector<16xi1>
            %masked_sort3A_602 = arith.constant -2147483648 : i32
            %masked_sort3A_603 = vector.broadcast %masked_sort3A_602 : i32 to vector<16xi32>
            %masked_sort3A_604 = arith.xori %select_n3A_600, %masked_sort3A_603 : vector<16xi32>
            %masked_sort3A_605, %masked_sort3A_606, %masked_sort3A_607 = tpu.sort %masked_sort3A_604, %iota3A masked %masked_sort3A_601 : (vector<16xi32>, vector<16xi32>, vector<16xi1>) -> (vector<16xi1>, vector<16xi32>, vector<16xi32>)
            %masked_sort3A_608 = arith.xori %masked_sort3A_606, %masked_sort3A_603 : vector<16xi32>
            %slice3A_609 = vector.extract_strided_slice %masked_sort3A_608 {offsets = [15], sizes = [1], strides = [1]} : vector<16xi32> to vector<1xi32>
            %squeeze3A_610 = vector.extract %slice3A_609[0] : i32 from vector<1xi32>
            scf.yield %masked_sort3A_608, %min3A_595, %squeeze3A_610 : vector<16xi32>, i32, i32
          } else {
            scf.yield %cond3A_506#0, %cond3A_506#1, %cond3A_506#2 : vector<16xi32>, i32, i32
          }
          %reduce_min3A_521 = arith.constant true
          %reduce_min3A_522 = vector.broadcast %reduce_min3A_521 : i1 to vector<16xi1>
          %reduce_min3A_523 = arith.constant -2147483648 : i32
          %reduce_min3A_524 = vector.broadcast %reduce_min3A_523 : i32 to vector<16xi32>
          %reduce_min3A_525 = arith.xori %or3A_351, %reduce_min3A_524 : vector<16xi32>
          %reduce_min3A_526 = tpu.scan <min>, %reduce_min3A_525 masked %reduce_min3A_522 : vector<16xi32>, vector<16xi1> -> vector<16xi32>
          %reduce_min3A_527 = arith.xori %reduce_min3A_526, %reduce_min3A_524 : vector<16xi32>
          %reduce_min3A_528 = vector.extract %reduce_min3A_527[15] : i32 from vector<16xi32>
          %lt3A_529 = arith.cmpi slt, %reduce_min3A_528, %cond3A_520#2 : i32
          %convert_element_type3A_530 = arith.extui %lt3A_529 : i1 to i32
          %cond3A_531 = arith.constant 0 : i32
          %cond3A_532 = arith.constant 0 : i32
          %cond3A_533 = arith.cmpi ne, %convert_element_type3A_530, %cond3A_532 : i32
          %cond3A_534:3 = scf.if %cond3A_533 -> (vector<16xi32>, i32, i32) {
            %masked_sort3A = arith.constant dense<true> : vector<16xi1>
            %masked_sort3A_577 = arith.constant -2147483648 : i32
            %masked_sort3A_578 = vector.broadcast %masked_sort3A_577 : i32 to vector<16xi32>
            %masked_sort3A_579 = arith.xori %or3A_351, %masked_sort3A_578 : vector<16xi32>
            %masked_sort3A_580, %masked_sort3A_581, %masked_sort3A_582 = tpu.sort %masked_sort3A_579, %or3A_351 masked %masked_sort3A {descending = true} : (vector<16xi32>, vector<16xi32>, vector<16xi1>) -> (vector<16xi1>, vector<16xi32>, vector<16xi32>)
            %masked_sort3A_583 = arith.xori %masked_sort3A_581, %masked_sort3A_578 : vector<16xi32>
            %min3A_584 = arith.minsi %cond3A_520#0, %masked_sort3A_583 : vector<16xi32>
            %masked_sort3A_585 = arith.constant dense<true> : vector<16xi1>
            %masked_sort3A_586 = arith.constant -2147483648 : i32
            %masked_sort3A_587 = vector.broadcast %masked_sort3A_586 : i32 to vector<16xi32>
            %masked_sort3A_588 = arith.xori %min3A_584, %masked_sort3A_587 : vector<16xi32>
            %masked_sort3A_589, %masked_sort3A_590, %masked_sort3A_591 = tpu.sort %masked_sort3A_588, %iota3A masked %masked_sort3A_585 : (vector<16xi32>, vector<16xi32>, vector<16xi1>) -> (vector<16xi1>, vector<16xi32>, vector<16xi32>)
            %masked_sort3A_592 = arith.xori %masked_sort3A_590, %masked_sort3A_587 : vector<16xi32>
            %slice3A_593 = vector.extract_strided_slice %masked_sort3A_592 {offsets = [0], sizes = [1], strides = [1]} : vector<16xi32> to vector<1xi32>
            %squeeze3A_594 = vector.extract %slice3A_593[0] : i32 from vector<1xi32>
            %min3A_595 = arith.minsi %cond3A_520#1, %squeeze3A_594 : i32
            %max3A = arith.maxsi %cond3A_520#1, %squeeze3A_594 : i32
            %eq3A_596 = arith.constant 0 : i32
            %eq3A_597 = vector.broadcast %eq3A_596 : i32 to vector<16xi32>
            %eq3A_598 = arith.cmpi eq, %iota3A, %eq3A_597 : vector<16xi32>
            %broadcast_in_dim3A_599 = vector.broadcast %max3A : i32 to vector<16xi32>
            %select_n3A_600 = arith.select %eq3A_598, %broadcast_in_dim3A_599, %masked_sort3A_592 : vector<16xi1>, vector<16xi32>
            %masked_sort3A_601 = arith.constant dense<true> : vector<16xi1>
            %masked_sort3A_602 = arith.constant -2147483648 : i32
            %masked_sort3A_603 = vector.broadcast %masked_sort3A_602 : i32 to vector<16xi32>
            %masked_sort3A_604 = arith.xori %select_n3A_600, %masked_sort3A_603 : vector<16xi32>
            %masked_sort3A_605, %masked_sort3A_606, %masked_sort3A_607 = tpu.sort %masked_sort3A_604, %iota3A masked %masked_sort3A_601 : (vector<16xi32>, vector<16xi32>, vector<16xi1>) -> (vector<16xi1>, vector<16xi32>, vector<16xi32>)
            %masked_sort3A_608 = arith.xori %masked_sort3A_606, %masked_sort3A_603 : vector<16xi32>
            %slice3A_609 = vector.extract_strided_slice %masked_sort3A_608 {offsets = [15], sizes = [1], strides = [1]} : vector<16xi32> to vector<1xi32>
            %squeeze3A_610 = vector.extract %slice3A_609[0] : i32 from vector<1xi32>
            scf.yield %masked_sort3A_608, %min3A_595, %squeeze3A_610 : vector<16xi32>, i32, i32
          } else {
            scf.yield %cond3A_520#0, %cond3A_520#1, %cond3A_520#2 : vector<16xi32>, i32, i32
          }
          %reduce_min3A_535 = arith.constant true
          %reduce_min3A_536 = vector.broadcast %reduce_min3A_535 : i1 to vector<16xi1>
          %reduce_min3A_537 = arith.constant -2147483648 : i32
          %reduce_min3A_538 = vector.broadcast %reduce_min3A_537 : i32 to vector<16xi32>
          %reduce_min3A_539 = arith.xori %or3A_385, %reduce_min3A_538 : vector<16xi32>
          %reduce_min3A_540 = tpu.scan <min>, %reduce_min3A_539 masked %reduce_min3A_536 : vector<16xi32>, vector<16xi1> -> vector<16xi32>
          %reduce_min3A_541 = arith.xori %reduce_min3A_540, %reduce_min3A_538 : vector<16xi32>
          %reduce_min3A_542 = vector.extract %reduce_min3A_541[15] : i32 from vector<16xi32>
          %lt3A_543 = arith.cmpi slt, %reduce_min3A_542, %cond3A_534#2 : i32
          %convert_element_type3A_544 = arith.extui %lt3A_543 : i1 to i32
          %cond3A_545 = arith.constant 0 : i32
          %cond3A_546 = arith.constant 0 : i32
          %cond3A_547 = arith.cmpi ne, %convert_element_type3A_544, %cond3A_546 : i32
          %cond3A_548:3 = scf.if %cond3A_547 -> (vector<16xi32>, i32, i32) {
            %masked_sort3A = arith.constant dense<true> : vector<16xi1>
            %masked_sort3A_577 = arith.constant -2147483648 : i32
            %masked_sort3A_578 = vector.broadcast %masked_sort3A_577 : i32 to vector<16xi32>
            %masked_sort3A_579 = arith.xori %or3A_385, %masked_sort3A_578 : vector<16xi32>
            %masked_sort3A_580, %masked_sort3A_581, %masked_sort3A_582 = tpu.sort %masked_sort3A_579, %or3A_385 masked %masked_sort3A {descending = true} : (vector<16xi32>, vector<16xi32>, vector<16xi1>) -> (vector<16xi1>, vector<16xi32>, vector<16xi32>)
            %masked_sort3A_583 = arith.xori %masked_sort3A_581, %masked_sort3A_578 : vector<16xi32>
            %min3A_584 = arith.minsi %cond3A_534#0, %masked_sort3A_583 : vector<16xi32>
            %masked_sort3A_585 = arith.constant dense<true> : vector<16xi1>
            %masked_sort3A_586 = arith.constant -2147483648 : i32
            %masked_sort3A_587 = vector.broadcast %masked_sort3A_586 : i32 to vector<16xi32>
            %masked_sort3A_588 = arith.xori %min3A_584, %masked_sort3A_587 : vector<16xi32>
            %masked_sort3A_589, %masked_sort3A_590, %masked_sort3A_591 = tpu.sort %masked_sort3A_588, %iota3A masked %masked_sort3A_585 : (vector<16xi32>, vector<16xi32>, vector<16xi1>) -> (vector<16xi1>, vector<16xi32>, vector<16xi32>)
            %masked_sort3A_592 = arith.xori %masked_sort3A_590, %masked_sort3A_587 : vector<16xi32>
            %slice3A_593 = vector.extract_strided_slice %masked_sort3A_592 {offsets = [0], sizes = [1], strides = [1]} : vector<16xi32> to vector<1xi32>
            %squeeze3A_594 = vector.extract %slice3A_593[0] : i32 from vector<1xi32>
            %min3A_595 = arith.minsi %cond3A_534#1, %squeeze3A_594 : i32
            %max3A = arith.maxsi %cond3A_534#1, %squeeze3A_594 : i32
            %eq3A_596 = arith.constant 0 : i32
            %eq3A_597 = vector.broadcast %eq3A_596 : i32 to vector<16xi32>
            %eq3A_598 = arith.cmpi eq, %iota3A, %eq3A_597 : vector<16xi32>
            %broadcast_in_dim3A_599 = vector.broadcast %max3A : i32 to vector<16xi32>
            %select_n3A_600 = arith.select %eq3A_598, %broadcast_in_dim3A_599, %masked_sort3A_592 : vector<16xi1>, vector<16xi32>
            %masked_sort3A_601 = arith.constant dense<true> : vector<16xi1>
            %masked_sort3A_602 = arith.constant -2147483648 : i32
            %masked_sort3A_603 = vector.broadcast %masked_sort3A_602 : i32 to vector<16xi32>
            %masked_sort3A_604 = arith.xori %select_n3A_600, %masked_sort3A_603 : vector<16xi32>
            %masked_sort3A_605, %masked_sort3A_606, %masked_sort3A_607 = tpu.sort %masked_sort3A_604, %iota3A masked %masked_sort3A_601 : (vector<16xi32>, vector<16xi32>, vector<16xi1>) -> (vector<16xi1>, vector<16xi32>, vector<16xi32>)
            %masked_sort3A_608 = arith.xori %masked_sort3A_606, %masked_sort3A_603 : vector<16xi32>
            %slice3A_609 = vector.extract_strided_slice %masked_sort3A_608 {offsets = [15], sizes = [1], strides = [1]} : vector<16xi32> to vector<1xi32>
            %squeeze3A_610 = vector.extract %slice3A_609[0] : i32 from vector<1xi32>
            scf.yield %masked_sort3A_608, %min3A_595, %squeeze3A_610 : vector<16xi32>, i32, i32
          } else {
            scf.yield %cond3A_534#0, %cond3A_534#1, %cond3A_534#2 : vector<16xi32>, i32, i32
          }
          %reduce_min3A_549 = arith.constant true
          %reduce_min3A_550 = vector.broadcast %reduce_min3A_549 : i1 to vector<16xi1>
          %reduce_min3A_551 = arith.constant -2147483648 : i32
          %reduce_min3A_552 = vector.broadcast %reduce_min3A_551 : i32 to vector<16xi32>
          %reduce_min3A_553 = arith.xori %or3A_419, %reduce_min3A_552 : vector<16xi32>
          %reduce_min3A_554 = tpu.scan <min>, %reduce_min3A_553 masked %reduce_min3A_550 : vector<16xi32>, vector<16xi1> -> vector<16xi32>
          %reduce_min3A_555 = arith.xori %reduce_min3A_554, %reduce_min3A_552 : vector<16xi32>
          %reduce_min3A_556 = vector.extract %reduce_min3A_555[15] : i32 from vector<16xi32>
          %lt3A_557 = arith.cmpi slt, %reduce_min3A_556, %cond3A_548#2 : i32
          %convert_element_type3A_558 = arith.extui %lt3A_557 : i1 to i32
          %cond3A_559 = arith.constant 0 : i32
          %cond3A_560 = arith.constant 0 : i32
          %cond3A_561 = arith.cmpi ne, %convert_element_type3A_558, %cond3A_560 : i32
          %cond3A_562:3 = scf.if %cond3A_561 -> (vector<16xi32>, i32, i32) {
            %masked_sort3A = arith.constant dense<true> : vector<16xi1>
            %masked_sort3A_577 = arith.constant -2147483648 : i32
            %masked_sort3A_578 = vector.broadcast %masked_sort3A_577 : i32 to vector<16xi32>
            %masked_sort3A_579 = arith.xori %or3A_419, %masked_sort3A_578 : vector<16xi32>
            %masked_sort3A_580, %masked_sort3A_581, %masked_sort3A_582 = tpu.sort %masked_sort3A_579, %or3A_419 masked %masked_sort3A {descending = true} : (vector<16xi32>, vector<16xi32>, vector<16xi1>) -> (vector<16xi1>, vector<16xi32>, vector<16xi32>)
            %masked_sort3A_583 = arith.xori %masked_sort3A_581, %masked_sort3A_578 : vector<16xi32>
            %min3A_584 = arith.minsi %cond3A_548#0, %masked_sort3A_583 : vector<16xi32>
            %masked_sort3A_585 = arith.constant dense<true> : vector<16xi1>
            %masked_sort3A_586 = arith.constant -2147483648 : i32
            %masked_sort3A_587 = vector.broadcast %masked_sort3A_586 : i32 to vector<16xi32>
            %masked_sort3A_588 = arith.xori %min3A_584, %masked_sort3A_587 : vector<16xi32>
            %masked_sort3A_589, %masked_sort3A_590, %masked_sort3A_591 = tpu.sort %masked_sort3A_588, %iota3A masked %masked_sort3A_585 : (vector<16xi32>, vector<16xi32>, vector<16xi1>) -> (vector<16xi1>, vector<16xi32>, vector<16xi32>)
            %masked_sort3A_592 = arith.xori %masked_sort3A_590, %masked_sort3A_587 : vector<16xi32>
            %slice3A_593 = vector.extract_strided_slice %masked_sort3A_592 {offsets = [0], sizes = [1], strides = [1]} : vector<16xi32> to vector<1xi32>
            %squeeze3A_594 = vector.extract %slice3A_593[0] : i32 from vector<1xi32>
            %min3A_595 = arith.minsi %cond3A_548#1, %squeeze3A_594 : i32
            %max3A = arith.maxsi %cond3A_548#1, %squeeze3A_594 : i32
            %eq3A_596 = arith.constant 0 : i32
            %eq3A_597 = vector.broadcast %eq3A_596 : i32 to vector<16xi32>
            %eq3A_598 = arith.cmpi eq, %iota3A, %eq3A_597 : vector<16xi32>
            %broadcast_in_dim3A_599 = vector.broadcast %max3A : i32 to vector<16xi32>
            %select_n3A_600 = arith.select %eq3A_598, %broadcast_in_dim3A_599, %masked_sort3A_592 : vector<16xi1>, vector<16xi32>
            %masked_sort3A_601 = arith.constant dense<true> : vector<16xi1>
            %masked_sort3A_602 = arith.constant -2147483648 : i32
            %masked_sort3A_603 = vector.broadcast %masked_sort3A_602 : i32 to vector<16xi32>
            %masked_sort3A_604 = arith.xori %select_n3A_600, %masked_sort3A_603 : vector<16xi32>
            %masked_sort3A_605, %masked_sort3A_606, %masked_sort3A_607 = tpu.sort %masked_sort3A_604, %iota3A masked %masked_sort3A_601 : (vector<16xi32>, vector<16xi32>, vector<16xi1>) -> (vector<16xi1>, vector<16xi32>, vector<16xi32>)
            %masked_sort3A_608 = arith.xori %masked_sort3A_606, %masked_sort3A_603 : vector<16xi32>
            %slice3A_609 = vector.extract_strided_slice %masked_sort3A_608 {offsets = [15], sizes = [1], strides = [1]} : vector<16xi32> to vector<1xi32>
            %squeeze3A_610 = vector.extract %slice3A_609[0] : i32 from vector<1xi32>
            scf.yield %masked_sort3A_608, %min3A_595, %squeeze3A_610 : vector<16xi32>, i32, i32
          } else {
            scf.yield %cond3A_548#0, %cond3A_548#1, %cond3A_548#2 : vector<16xi32>, i32, i32
          }
          %reduce_min3A_563 = arith.constant true
          %reduce_min3A_564 = vector.broadcast %reduce_min3A_563 : i1 to vector<16xi1>
          %reduce_min3A_565 = arith.constant -2147483648 : i32
          %reduce_min3A_566 = vector.broadcast %reduce_min3A_565 : i32 to vector<16xi32>
          %reduce_min3A_567 = arith.xori %or3A_453, %reduce_min3A_566 : vector<16xi32>
          %reduce_min3A_568 = tpu.scan <min>, %reduce_min3A_567 masked %reduce_min3A_564 : vector<16xi32>, vector<16xi1> -> vector<16xi32>
          %reduce_min3A_569 = arith.xori %reduce_min3A_568, %reduce_min3A_566 : vector<16xi32>
          %reduce_min3A_570 = vector.extract %reduce_min3A_569[15] : i32 from vector<16xi32>
          %lt3A_571 = arith.cmpi slt, %reduce_min3A_570, %cond3A_562#2 : i32
          %convert_element_type3A_572 = arith.extui %lt3A_571 : i1 to i32
          %cond3A_573 = arith.constant 0 : i32
          %cond3A_574 = arith.constant 0 : i32
          %cond3A_575 = arith.cmpi ne, %convert_element_type3A_572, %cond3A_574 : i32
          %cond3A_576:3 = scf.if %cond3A_575 -> (vector<16xi32>, i32, i32) {
            %masked_sort3A = arith.constant dense<true> : vector<16xi1>
            %masked_sort3A_577 = arith.constant -2147483648 : i32
            %masked_sort3A_578 = vector.broadcast %masked_sort3A_577 : i32 to vector<16xi32>
            %masked_sort3A_579 = arith.xori %or3A_453, %masked_sort3A_578 : vector<16xi32>
            %masked_sort3A_580, %masked_sort3A_581, %masked_sort3A_582 = tpu.sort %masked_sort3A_579, %or3A_453 masked %masked_sort3A {descending = true} : (vector<16xi32>, vector<16xi32>, vector<16xi1>) -> (vector<16xi1>, vector<16xi32>, vector<16xi32>)
            %masked_sort3A_583 = arith.xori %masked_sort3A_581, %masked_sort3A_578 : vector<16xi32>
            %min3A_584 = arith.minsi %cond3A_562#0, %masked_sort3A_583 : vector<16xi32>
            %masked_sort3A_585 = arith.constant dense<true> : vector<16xi1>
            %masked_sort3A_586 = arith.constant -2147483648 : i32
            %masked_sort3A_587 = vector.broadcast %masked_sort3A_586 : i32 to vector<16xi32>
            %masked_sort3A_588 = arith.xori %min3A_584, %masked_sort3A_587 : vector<16xi32>
            %masked_sort3A_589, %masked_sort3A_590, %masked_sort3A_591 = tpu.sort %masked_sort3A_588, %iota3A masked %masked_sort3A_585 : (vector<16xi32>, vector<16xi32>, vector<16xi1>) -> (vector<16xi1>, vector<16xi32>, vector<16xi32>)
            %masked_sort3A_592 = arith.xori %masked_sort3A_590, %masked_sort3A_587 : vector<16xi32>
            %slice3A_593 = vector.extract_strided_slice %masked_sort3A_592 {offsets = [0], sizes = [1], strides = [1]} : vector<16xi32> to vector<1xi32>
            %squeeze3A_594 = vector.extract %slice3A_593[0] : i32 from vector<1xi32>
            %min3A_595 = arith.minsi %cond3A_562#1, %squeeze3A_594 : i32
            %max3A = arith.maxsi %cond3A_562#1, %squeeze3A_594 : i32
            %eq3A_596 = arith.constant 0 : i32
            %eq3A_597 = vector.broadcast %eq3A_596 : i32 to vector<16xi32>
            %eq3A_598 = arith.cmpi eq, %iota3A, %eq3A_597 : vector<16xi32>
            %broadcast_in_dim3A_599 = vector.broadcast %max3A : i32 to vector<16xi32>
            %select_n3A_600 = arith.select %eq3A_598, %broadcast_in_dim3A_599, %masked_sort3A_592 : vector<16xi1>, vector<16xi32>
            %masked_sort3A_601 = arith.constant dense<true> : vector<16xi1>
            %masked_sort3A_602 = arith.constant -2147483648 : i32
            %masked_sort3A_603 = vector.broadcast %masked_sort3A_602 : i32 to vector<16xi32>
            %masked_sort3A_604 = arith.xori %select_n3A_600, %masked_sort3A_603 : vector<16xi32>
            %masked_sort3A_605, %masked_sort3A_606, %masked_sort3A_607 = tpu.sort %masked_sort3A_604, %iota3A masked %masked_sort3A_601 : (vector<16xi32>, vector<16xi32>, vector<16xi1>) -> (vector<16xi1>, vector<16xi32>, vector<16xi32>)
            %masked_sort3A_608 = arith.xori %masked_sort3A_606, %masked_sort3A_603 : vector<16xi32>
            %slice3A_609 = vector.extract_strided_slice %masked_sort3A_608 {offsets = [15], sizes = [1], strides = [1]} : vector<16xi32> to vector<1xi32>
            %squeeze3A_610 = vector.extract %slice3A_609[0] : i32 from vector<1xi32>
            scf.yield %masked_sort3A_608, %min3A_595, %squeeze3A_610 : vector<16xi32>, i32, i32
          } else {
            scf.yield %cond3A_562#0, %cond3A_562#1, %cond3A_562#2 : vector<16xi32>, i32, i32
          }
          scf.yield %cond3A_576#0, %cond3A_576#1, %cond3A_576#2 : vector<16xi32>, i32, i32
        } else {
          scf.yield %scan3A_183, %scan3A_184, %scan3A_185 : vector<16xi32>, i32, i32
        }
        scf.yield %cond3A_464#0, %cond3A_464#1, %cond3A_464#2 : vector<16xi32>, i32, i32
      }
      %scan3A_60 = arith.constant 16 : i32
      %and3A_61 = arith.constant 2047 : i32
      %and3A_62 = vector.broadcast %and3A_61 : i32 to vector<16xi32>
      %and3A_63 = arith.andi %scan3A_59#0, %and3A_62 : vector<16xi32>
      %broadcast_in_dim3A_64 = arith.constant 0.000000e+00 : f32
      %broadcast_in_dim3A_65 = vector.broadcast %broadcast_in_dim3A_64 : f32 to vector<16xf32>
      %slice3A = vector.extract_strided_slice %and3A_63 {offsets = [0], sizes = [1], strides = [1]} : vector<16xi32> to vector<1xi32>
      %squeeze3A = vector.extract %slice3A[0] : i32 from vector<1xi32>
      %mul3A_66 = arith.constant 16 : i32
      %mul3A_67 = arith.muli %squeeze3A, %mul3A_66 : i32
      %get3A_68 = arith.index_cast %mul3A_67 : i32 to index
      %get3A_69 = tpu.vector_load %arg10[%get3A_68] {strides = array<i32>} : memref<32768xf32, #tpu.memory_space<vmem>>, vector<16xf32>,
      %add3A_70 = arith.addf %broadcast_in_dim3A_65, %get3A_69 : vector<16xf32>
      %slice3A_71 = vector.extract_strided_slice %and3A_63 {offsets = [1], sizes = [1], strides = [1]} : vector<16xi32> to vector<1xi32>
      %squeeze3A_72 = vector.extract %slice3A_71[0] : i32 from vector<1xi32>
      %mul3A_73 = arith.constant 16 : i32
      %mul3A_74 = arith.muli %squeeze3A_72, %mul3A_73 : i32
      %get3A_75 = arith.index_cast %mul3A_74 : i32 to index
      %get3A_76 = tpu.vector_load %arg10[%get3A_75] {strides = array<i32>} : memref<32768xf32, #tpu.memory_space<vmem>>, vector<16xf32>,
      %add3A_77 = arith.addf %add3A_70, %get3A_76 : vector<16xf32>
      %slice3A_78 = vector.extract_strided_slice %and3A_63 {offsets = [2], sizes = [1], strides = [1]} : vector<16xi32> to vector<1xi32>
      %squeeze3A_79 = vector.extract %slice3A_78[0] : i32 from vector<1xi32>
      %mul3A_80 = arith.constant 16 : i32
      %mul3A_81 = arith.muli %squeeze3A_79, %mul3A_80 : i32
      %get3A_82 = arith.index_cast %mul3A_81 : i32 to index
      %get3A_83 = tpu.vector_load %arg10[%get3A_82] {strides = array<i32>} : memref<32768xf32, #tpu.memory_space<vmem>>, vector<16xf32>,
      %add3A_84 = arith.addf %add3A_77, %get3A_83 : vector<16xf32>
      %slice3A_85 = vector.extract_strided_slice %and3A_63 {offsets = [3], sizes = [1], strides = [1]} : vector<16xi32> to vector<1xi32>
      %squeeze3A_86 = vector.extract %slice3A_85[0] : i32 from vector<1xi32>
      %mul3A_87 = arith.constant 16 : i32
      %mul3A_88 = arith.muli %squeeze3A_86, %mul3A_87 : i32
      %get3A_89 = arith.index_cast %mul3A_88 : i32 to index
      %get3A_90 = tpu.vector_load %arg10[%get3A_89] {strides = array<i32>} : memref<32768xf32, #tpu.memory_space<vmem>>, vector<16xf32>,
      %add3A_91 = arith.addf %add3A_84, %get3A_90 : vector<16xf32>
      %slice3A_92 = vector.extract_strided_slice %and3A_63 {offsets = [4], sizes = [1], strides = [1]} : vector<16xi32> to vector<1xi32>
      %squeeze3A_93 = vector.extract %slice3A_92[0] : i32 from vector<1xi32>
      %mul3A_94 = arith.constant 16 : i32
      %mul3A_95 = arith.muli %squeeze3A_93, %mul3A_94 : i32
      %get3A_96 = arith.index_cast %mul3A_95 : i32 to index
      %get3A_97 = tpu.vector_load %arg10[%get3A_96] {strides = array<i32>} : memref<32768xf32, #tpu.memory_space<vmem>>, vector<16xf32>,
      %add3A_98 = arith.addf %add3A_91, %get3A_97 : vector<16xf32>
      %slice3A_99 = vector.extract_strided_slice %and3A_63 {offsets = [5], sizes = [1], strides = [1]} : vector<16xi32> to vector<1xi32>
      %squeeze3A_100 = vector.extract %slice3A_99[0] : i32 from vector<1xi32>
      %mul3A_101 = arith.constant 16 : i32
      %mul3A_102 = arith.muli %squeeze3A_100, %mul3A_101 : i32
      %get3A_103 = arith.index_cast %mul3A_102 : i32 to index
      %get3A_104 = tpu.vector_load %arg10[%get3A_103] {strides = array<i32>} : memref<32768xf32, #tpu.memory_space<vmem>>, vector<16xf32>,
      %add3A_105 = arith.addf %add3A_98, %get3A_104 : vector<16xf32>
      %slice3A_106 = vector.extract_strided_slice %and3A_63 {offsets = [6], sizes = [1], strides = [1]} : vector<16xi32> to vector<1xi32>
      %squeeze3A_107 = vector.extract %slice3A_106[0] : i32 from vector<1xi32>
      %mul3A_108 = arith.constant 16 : i32
      %mul3A_109 = arith.muli %squeeze3A_107, %mul3A_108 : i32
      %get3A_110 = arith.index_cast %mul3A_109 : i32 to index
      %get3A_111 = tpu.vector_load %arg10[%get3A_110] {strides = array<i32>} : memref<32768xf32, #tpu.memory_space<vmem>>, vector<16xf32>,
      %add3A_112 = arith.addf %add3A_105, %get3A_111 : vector<16xf32>
      %slice3A_113 = vector.extract_strided_slice %and3A_63 {offsets = [7], sizes = [1], strides = [1]} : vector<16xi32> to vector<1xi32>
      %squeeze3A_114 = vector.extract %slice3A_113[0] : i32 from vector<1xi32>
      %mul3A_115 = arith.constant 16 : i32
      %mul3A_116 = arith.muli %squeeze3A_114, %mul3A_115 : i32
      %get3A_117 = arith.index_cast %mul3A_116 : i32 to index
      %get3A_118 = tpu.vector_load %arg10[%get3A_117] {strides = array<i32>} : memref<32768xf32, #tpu.memory_space<vmem>>, vector<16xf32>,
      %add3A_119 = arith.addf %add3A_112, %get3A_118 : vector<16xf32>
      %slice3A_120 = vector.extract_strided_slice %and3A_63 {offsets = [8], sizes = [1], strides = [1]} : vector<16xi32> to vector<1xi32>
      %squeeze3A_121 = vector.extract %slice3A_120[0] : i32 from vector<1xi32>
      %mul3A_122 = arith.constant 16 : i32
      %mul3A_123 = arith.muli %squeeze3A_121, %mul3A_122 : i32
      %get3A_124 = arith.index_cast %mul3A_123 : i32 to index
      %get3A_125 = tpu.vector_load %arg10[%get3A_124] {strides = array<i32>} : memref<32768xf32, #tpu.memory_space<vmem>>, vector<16xf32>,
      %add3A_126 = arith.addf %add3A_119, %get3A_125 : vector<16xf32>
      %slice3A_127 = vector.extract_strided_slice %and3A_63 {offsets = [9], sizes = [1], strides = [1]} : vector<16xi32> to vector<1xi32>
      %squeeze3A_128 = vector.extract %slice3A_127[0] : i32 from vector<1xi32>
      %mul3A_129 = arith.constant 16 : i32
      %mul3A_130 = arith.muli %squeeze3A_128, %mul3A_129 : i32
      %get3A_131 = arith.index_cast %mul3A_130 : i32 to index
      %get3A_132 = tpu.vector_load %arg10[%get3A_131] {strides = array<i32>} : memref<32768xf32, #tpu.memory_space<vmem>>, vector<16xf32>,
      %add3A_133 = arith.addf %add3A_126, %get3A_132 : vector<16xf32>
      %slice3A_134 = vector.extract_strided_slice %and3A_63 {offsets = [10], sizes = [1], strides = [1]} : vector<16xi32> to vector<1xi32>
      %squeeze3A_135 = vector.extract %slice3A_134[0] : i32 from vector<1xi32>
      %mul3A_136 = arith.constant 16 : i32
      %mul3A_137 = arith.muli %squeeze3A_135, %mul3A_136 : i32
      %get3A_138 = arith.index_cast %mul3A_137 : i32 to index
      %get3A_139 = tpu.vector_load %arg10[%get3A_138] {strides = array<i32>} : memref<32768xf32, #tpu.memory_space<vmem>>, vector<16xf32>,
      %add3A_140 = arith.addf %add3A_133, %get3A_139 : vector<16xf32>
      %slice3A_141 = vector.extract_strided_slice %and3A_63 {offsets = [11], sizes = [1], strides = [1]} : vector<16xi32> to vector<1xi32>
      %squeeze3A_142 = vector.extract %slice3A_141[0] : i32 from vector<1xi32>
      %mul3A_143 = arith.constant 16 : i32
      %mul3A_144 = arith.muli %squeeze3A_142, %mul3A_143 : i32
      %get3A_145 = arith.index_cast %mul3A_144 : i32 to index
      %get3A_146 = tpu.vector_load %arg10[%get3A_145] {strides = array<i32>} : memref<32768xf32, #tpu.memory_space<vmem>>, vector<16xf32>,
      %add3A_147 = arith.addf %add3A_140, %get3A_146 : vector<16xf32>
      %slice3A_148 = vector.extract_strided_slice %and3A_63 {offsets = [12], sizes = [1], strides = [1]} : vector<16xi32> to vector<1xi32>
      %squeeze3A_149 = vector.extract %slice3A_148[0] : i32 from vector<1xi32>
      %mul3A_150 = arith.constant 16 : i32
      %mul3A_151 = arith.muli %squeeze3A_149, %mul3A_150 : i32
      %get3A_152 = arith.index_cast %mul3A_151 : i32 to index
      %get3A_153 = tpu.vector_load %arg10[%get3A_152] {strides = array<i32>} : memref<32768xf32, #tpu.memory_space<vmem>>, vector<16xf32>,
      %add3A_154 = arith.addf %add3A_147, %get3A_153 : vector<16xf32>
      %slice3A_155 = vector.extract_strided_slice %and3A_63 {offsets = [13], sizes = [1], strides = [1]} : vector<16xi32> to vector<1xi32>
      %squeeze3A_156 = vector.extract %slice3A_155[0] : i32 from vector<1xi32>
      %mul3A_157 = arith.constant 16 : i32
      %mul3A_158 = arith.muli %squeeze3A_156, %mul3A_157 : i32
      %get3A_159 = arith.index_cast %mul3A_158 : i32 to index
      %get3A_160 = tpu.vector_load %arg10[%get3A_159] {strides = array<i32>} : memref<32768xf32, #tpu.memory_space<vmem>>, vector<16xf32>,
      %add3A_161 = arith.addf %add3A_154, %get3A_160 : vector<16xf32>
      %slice3A_162 = vector.extract_strided_slice %and3A_63 {offsets = [14], sizes = [1], strides = [1]} : vector<16xi32> to vector<1xi32>
      %squeeze3A_163 = vector.extract %slice3A_162[0] : i32 from vector<1xi32>
      %mul3A_164 = arith.constant 16 : i32
      %mul3A_165 = arith.muli %squeeze3A_163, %mul3A_164 : i32
      %get3A_166 = arith.index_cast %mul3A_165 : i32 to index
      %get3A_167 = tpu.vector_load %arg10[%get3A_166] {strides = array<i32>} : memref<32768xf32, #tpu.memory_space<vmem>>, vector<16xf32>,
      %add3A_168 = arith.addf %add3A_161, %get3A_167 : vector<16xf32>
      %slice3A_169 = vector.extract_strided_slice %and3A_63 {offsets = [15], sizes = [1], strides = [1]} : vector<16xi32> to vector<1xi32>
      %squeeze3A_170 = vector.extract %slice3A_169[0] : i32 from vector<1xi32>
      %mul3A_171 = arith.constant 16 : i32
      %mul3A_172 = arith.muli %squeeze3A_170, %mul3A_171 : i32
      %get3A_173 = arith.index_cast %mul3A_172 : i32 to index
      %get3A_174 = tpu.vector_load %arg10[%get3A_173] {strides = array<i32>} : memref<32768xf32, #tpu.memory_space<vmem>>, vector<16xf32>,
      %add3A_175 = arith.addf %add3A_168, %get3A_174 : vector<16xf32>
      %mul3A_176 = arith.constant 6.250000e-02 : f32
      %mul3A_177 = vector.broadcast %mul3A_176 : f32 to vector<16xf32>
      %mul3A_178 = arith.mulf %add3A_175, %mul3A_177 : vector<16xf32>
      %mul3A_179 = arith.constant 16 : i32
      %mul3A_180 = arith.muli %scan3A_47, %mul3A_179 : i32
      %swap3A = arith.index_cast %mul3A_180 : i32 to index
      %swap3A_181 = tpu.vector_load %arg11[%swap3A] {strides = array<i32>} : memref<1024xf32, #tpu.memory_space<vmem>>, vector<16xf32>,
      tpu.vector_store %arg11[%swap3A], %mul3A_178 {strides = array<i32>} : memref<1024xf32, #tpu.memory_space<vmem>>, vector<16xf32>,
    }
    %scan3A_44 = arith.constant 64 : i32
    %mul3A_45 = arith.constant 16 : i32
    %mul3A_46 = arith.muli %mul3A_32, %mul3A_45 : i32
    "tpu.region"() ({
      %run_scoped3A = tpu.sem_alloc : memref<!tpu.dma_semaphore, #tpu.memory_space<semaphore_mem>>
      %dma_start3A = tpu.memref_slice %arg6[%select_n3A, %mul3A_46] : memref<1x32768xf32, #tpu.memory_space<hbm>> -> memref<1x1024xf32, #tpu.memory_space<hbm>>
      %dma_start3A_47 = tpu.memref_squeeze %dma_start3A : memref<1x1024xf32, #tpu.memory_space<hbm>> -> memref<1024xf32, #tpu.memory_space<hbm>>
      %dma_start3A_48 = tpu.memref_slice %arg6[%select_n3A, %mul3A_46] : memref<1x32768xf32, #tpu.memory_space<hbm>> -> memref<1x1024xf32, #tpu.memory_space<hbm>>
      %dma_start3A_49 = tpu.memref_squeeze %dma_start3A_48 : memref<1x1024xf32, #tpu.memory_space<hbm>> -> memref<1024xf32, #tpu.memory_space<hbm>>
      tpu.enqueue_dma source(%arg11 : memref<1024xf32, #tpu.memory_space<vmem>>) target(%dma_start3A_49 : memref<1024xf32, #tpu.memory_space<hbm>>) target_semaphore(%run_scoped3A : memref<!tpu.dma_semaphore, #tpu.memory_space<semaphore_mem>>)
      %dma_wait3A = tpu.memref_slice %arg6[%select_n3A, %mul3A_46] : memref<1x32768xf32, #tpu.memory_space<hbm>> -> memref<1x1024xf32, #tpu.memory_space<hbm>>
      %dma_wait3A_50 = tpu.memref_squeeze %dma_wait3A : memref<1x1024xf32, #tpu.memory_space<hbm>> -> memref<1024xf32, #tpu.memory_space<hbm>>
      %dma_wait3A_51 = tpu.memref_slice %arg6[%select_n3A, %mul3A_46] : memref<1x32768xf32, #tpu.memory_space<hbm>> -> memref<1x1024xf32, #tpu.memory_space<hbm>>
      %dma_wait3A_52 = tpu.memref_squeeze %dma_wait3A_51 : memref<1x1024xf32, #tpu.memory_space<hbm>> -> memref<1024xf32, #tpu.memory_space<hbm>>
      tpu.wait_dma2 semaphore(%run_scoped3A : memref<!tpu.dma_semaphore, #tpu.memory_space<semaphore_mem>>) src(%arg11 : memref<1024xf32, #tpu.memory_space<vmem>>) dst(%dma_wait3A_52 : memref<1024xf32, #tpu.memory_space<hbm>>)
      tpu.yield
    }) : () -> ()
    return
  }
}

module attributes {stable_mosaic.version = 14 : i64} {
  func.func @_edgeconv_body(%arg0: i32, %arg1: i32, %arg2: memref<1x1024x17xf32, #tpu.memory_space<vmem>>, %arg3: memref<1x3x2048xf32, #tpu.memory_space<vmem>>, %arg4: memref<1x1024x1xf32, #tpu.memory_space<vmem>>, %arg5: memref<1x2048x16xf32, #tpu.memory_space<vmem>>, %arg6: memref<1x2048x16xf32, #tpu.memory_space<vmem>>, %arg7: memref<16x64xf32, #tpu.memory_space<vmem>>, %arg8: memref<16x64xf32, #tpu.memory_space<vmem>>, %arg9: memref<1x64xf32, #tpu.memory_space<vmem>>, %arg10: memref<1x1024x81xf32, #tpu.memory_space<vmem>>, %arg11: memref<1024x2048xf32, #tpu.memory_space<vmem>>, %arg12: memref<1024x2048xf32, #tpu.memory_space<vmem>>) attributes {dimension_semantics = [#tpu.dimension_semantics<arbitrary>, #tpu.dimension_semantics<arbitrary>], iteration_bounds = array<i64: 15, 2>, scalar_prefetch = 0 : i64, scratch_operands = 2 : i64, tpu.core_type = #tpu.core_type<tc>, window_params = [{transform_indices = @transform_0, window_bounds = array<i64: 1, 1024, 17>}, {transform_indices = @transform_1, window_bounds = array<i64: 1, 3, 2048>}, {transform_indices = @transform_2, window_bounds = array<i64: 1, 1024, 1>}, {transform_indices = @transform_3, window_bounds = array<i64: 1, 2048, 16>}, {transform_indices = @transform_4, window_bounds = array<i64: 1, 2048, 16>}, {pipeline_mode = #tpu.pipeline_mode<synchronous>, transform_indices = @transform_5, window_bounds = array<i64: 16, 64>}, {pipeline_mode = #tpu.pipeline_mode<synchronous>, transform_indices = @transform_6, window_bounds = array<i64: 16, 64>}, {pipeline_mode = #tpu.pipeline_mode<synchronous>, transform_indices = @transform_7, window_bounds = array<i64: 1, 64>}, {transform_indices = @transform_8, window_bounds = array<i64: 1, 1024, 81>}]} {
    %get3A = arith.constant 0 : index
    %get3A_0 = arith.constant 0 : index
    %get3A_1 = arith.constant 0 : index
    %get3A_2 = vector.load %arg2[%get3A, %get3A_0, %get3A_1] : memref<1x1024x17xf32, #tpu.memory_space<vmem>>, vector<1x1024x17xf32>
    %get3A_3 = vector.shape_cast %get3A_2 : vector<1x1024x17xf32> to vector<1024x17xf32>
    %slice3A = vector.extract_strided_slice %get3A_3 {offsets = [0, 0], sizes = [1024, 16], strides = [1, 1]} : vector<1024x17xf32> to vector<1024x16xf32>
    %slice3A_4 = vector.extract_strided_slice %get3A_3 {offsets = [0, 0], sizes = [1024, 1], strides = [1, 1]} : vector<1024x17xf32> to vector<1024x1xf32>
    %bitcast_convert_type3A = tpu.bitcast %slice3A_4 : vector<1024x1xf32> -> vector<1024x1xi32>
    %add3A = arith.constant 32767 : i32
    %add3A_5 = vector.broadcast %add3A : i32 to vector<1024x1xi32>
    %add3A_6 = arith.addi %bitcast_convert_type3A, %add3A_5 : vector<1024x1xi32>
    %shift_right_arithmetic3A = arith.constant 16 : i32
    %shift_right_arithmetic3A_7 = vector.broadcast %shift_right_arithmetic3A : i32 to vector<1024x1xi32>
    %shift_right_arithmetic3A_8 = arith.shrsi %bitcast_convert_type3A, %shift_right_arithmetic3A_7 : vector<1024x1xi32>
    %and3A = arith.constant 1 : i32
    %and3A_9 = vector.broadcast %and3A : i32 to vector<1024x1xi32>
    %and3A_10 = arith.andi %shift_right_arithmetic3A_8, %and3A_9 : vector<1024x1xi32>
    %add3A_11 = arith.addi %add3A_6, %and3A_10 : vector<1024x1xi32>
    %and3A_12 = arith.constant -65536 : i32
    %and3A_13 = vector.broadcast %and3A_12 : i32 to vector<1024x1xi32>
    %and3A_14 = arith.andi %add3A_11, %and3A_13 : vector<1024x1xi32>
    %bitcast_convert_type3A_15 = tpu.bitcast %and3A_14 : vector<1024x1xi32> -> vector<1024x1xf32>
    %slice3A_16 = vector.extract_strided_slice %get3A_3 {offsets = [0, 1], sizes = [1024, 1], strides = [1, 1]} : vector<1024x17xf32> to vector<1024x1xf32>
    %bitcast_convert_type3A_17 = tpu.bitcast %slice3A_16 : vector<1024x1xf32> -> vector<1024x1xi32>
    %add3A_18 = arith.constant 32767 : i32
    %add3A_19 = vector.broadcast %add3A_18 : i32 to vector<1024x1xi32>
    %add3A_20 = arith.addi %bitcast_convert_type3A_17, %add3A_19 : vector<1024x1xi32>
    %shift_right_arithmetic3A_21 = arith.constant 16 : i32
    %shift_right_arithmetic3A_22 = vector.broadcast %shift_right_arithmetic3A_21 : i32 to vector<1024x1xi32>
    %shift_right_arithmetic3A_23 = arith.shrsi %bitcast_convert_type3A_17, %shift_right_arithmetic3A_22 : vector<1024x1xi32>
    %and3A_24 = arith.constant 1 : i32
    %and3A_25 = vector.broadcast %and3A_24 : i32 to vector<1024x1xi32>
    %and3A_26 = arith.andi %shift_right_arithmetic3A_23, %and3A_25 : vector<1024x1xi32>
    %add3A_27 = arith.addi %add3A_20, %and3A_26 : vector<1024x1xi32>
    %and3A_28 = arith.constant -65536 : i32
    %and3A_29 = vector.broadcast %and3A_28 : i32 to vector<1024x1xi32>
    %and3A_30 = arith.andi %add3A_27, %and3A_29 : vector<1024x1xi32>
    %bitcast_convert_type3A_31 = tpu.bitcast %and3A_30 : vector<1024x1xi32> -> vector<1024x1xf32>
    %get3A_32 = arith.constant 0 : index
    %get3A_33 = arith.constant 0 : index
    %get3A_34 = arith.constant 0 : index
    %get3A_35 = vector.load %arg4[%get3A_32, %get3A_33, %get3A_34] : memref<1x1024x1xf32, #tpu.memory_space<vmem>>, vector<1x1024x1xf32>
    %get3A_36 = vector.shape_cast %get3A_35 : vector<1x1024x1xf32> to vector<1024x1xf32>
    %get3A_37 = arith.constant 0 : index
    %get3A_38 = arith.constant 0 : index
    %get3A_39 = arith.constant 0 : index
    %get3A_40 = vector.load %arg3[%get3A_37, %get3A_38, %get3A_39] : memref<1x3x2048xf32, #tpu.memory_space<vmem>>, vector<1x1x2048xf32>
    %get3A_41 = vector.shape_cast %get3A_40 : vector<1x1x2048xf32> to vector<1x2048xf32>
    %bitcast_convert_type3A_42 = tpu.bitcast %get3A_41 : vector<1x2048xf32> -> vector<1x2048xi32>
    %add3A_43 = arith.constant 32767 : i32
    %add3A_44 = vector.broadcast %add3A_43 : i32 to vector<1x2048xi32>
    %add3A_45 = arith.addi %bitcast_convert_type3A_42, %add3A_44 : vector<1x2048xi32>
    %shift_right_arithmetic3A_46 = arith.constant 16 : i32
    %shift_right_arithmetic3A_47 = vector.broadcast %shift_right_arithmetic3A_46 : i32 to vector<1x2048xi32>
    %shift_right_arithmetic3A_48 = arith.shrsi %bitcast_convert_type3A_42, %shift_right_arithmetic3A_47 : vector<1x2048xi32>
    %and3A_49 = arith.constant 1 : i32
    %and3A_50 = vector.broadcast %and3A_49 : i32 to vector<1x2048xi32>
    %and3A_51 = arith.andi %shift_right_arithmetic3A_48, %and3A_50 : vector<1x2048xi32>
    %add3A_52 = arith.addi %add3A_45, %and3A_51 : vector<1x2048xi32>
    %and3A_53 = arith.constant -65536 : i32
    %and3A_54 = vector.broadcast %and3A_53 : i32 to vector<1x2048xi32>
    %and3A_55 = arith.andi %add3A_52, %and3A_54 : vector<1x2048xi32>
    %bitcast_convert_type3A_56 = tpu.bitcast %and3A_55 : vector<1x2048xi32> -> vector<1x2048xf32>
    %get3A_57 = arith.constant 0 : index
    %get3A_58 = arith.constant 1 : index
    %get3A_59 = arith.constant 0 : index
    %get3A_60 = vector.load %arg3[%get3A_57, %get3A_58, %get3A_59] : memref<1x3x2048xf32, #tpu.memory_space<vmem>>, vector<1x1x2048xf32>
    %get3A_61 = vector.shape_cast %get3A_60 : vector<1x1x2048xf32> to vector<1x2048xf32>
    %bitcast_convert_type3A_62 = tpu.bitcast %get3A_61 : vector<1x2048xf32> -> vector<1x2048xi32>
    %add3A_63 = arith.constant 32767 : i32
    %add3A_64 = vector.broadcast %add3A_63 : i32 to vector<1x2048xi32>
    %add3A_65 = arith.addi %bitcast_convert_type3A_62, %add3A_64 : vector<1x2048xi32>
    %shift_right_arithmetic3A_66 = arith.constant 16 : i32
    %shift_right_arithmetic3A_67 = vector.broadcast %shift_right_arithmetic3A_66 : i32 to vector<1x2048xi32>
    %shift_right_arithmetic3A_68 = arith.shrsi %bitcast_convert_type3A_62, %shift_right_arithmetic3A_67 : vector<1x2048xi32>
    %and3A_69 = arith.constant 1 : i32
    %and3A_70 = vector.broadcast %and3A_69 : i32 to vector<1x2048xi32>
    %and3A_71 = arith.andi %shift_right_arithmetic3A_68, %and3A_70 : vector<1x2048xi32>
    %add3A_72 = arith.addi %add3A_65, %and3A_71 : vector<1x2048xi32>
    %and3A_73 = arith.constant -65536 : i32
    %and3A_74 = vector.broadcast %and3A_73 : i32 to vector<1x2048xi32>
    %and3A_75 = arith.andi %add3A_72, %and3A_74 : vector<1x2048xi32>
    %bitcast_convert_type3A_76 = tpu.bitcast %and3A_75 : vector<1x2048xi32> -> vector<1x2048xf32>
    %get3A_77 = arith.constant 0 : index
    %get3A_78 = arith.constant 2 : index
    %get3A_79 = arith.constant 0 : index
    %get3A_80 = vector.load %arg3[%get3A_77, %get3A_78, %get3A_79] : memref<1x3x2048xf32, #tpu.memory_space<vmem>>, vector<1x1x2048xf32>
    %get3A_81 = vector.shape_cast %get3A_80 : vector<1x1x2048xf32> to vector<1x2048xf32>
    %mul3A = vector.broadcast %bitcast_convert_type3A_15 : vector<1024x1xf32> to vector<1024x2048xf32>
    %mul3A_82 = vector.broadcast %bitcast_convert_type3A_56 : vector<1x2048xf32> to vector<1024x2048xf32>
    %mul3A_83 = arith.mulf %mul3A, %mul3A_82 : vector<1024x2048xf32>
    %mul3A_84 = vector.broadcast %bitcast_convert_type3A_31 : vector<1024x1xf32> to vector<1024x2048xf32>
    %mul3A_85 = vector.broadcast %bitcast_convert_type3A_76 : vector<1x2048xf32> to vector<1024x2048xf32>
    %mul3A_86 = arith.mulf %mul3A_84, %mul3A_85 : vector<1024x2048xf32>
    %add3A_87 = arith.addf %mul3A_83, %mul3A_86 : vector<1024x2048xf32>
    %add3A_88 = vector.broadcast %get3A_36 : vector<1024x1xf32> to vector<1024x2048xf32>
    %add3A_89 = vector.broadcast %get3A_81 : vector<1x2048xf32> to vector<1024x2048xf32>
    %add3A_90 = arith.addf %add3A_88, %add3A_89 : vector<1024x2048xf32>
    %mul3A_91 = arith.constant 2.000000e+00 : f32
    %mul3A_92 = vector.broadcast %mul3A_91 : f32 to vector<1024x2048xf32>
    %mul3A_93 = arith.mulf %mul3A_92, %add3A_87 : vector<1024x2048xf32>
    %sub3A = arith.subf %add3A_90, %mul3A_93 : vector<1024x2048xf32>
    %iota3A = tpu.iota {dimensions = array<i32: 1>} : vector<1024x2048xi32>
    %bitcast_convert_type3A_94 = tpu.bitcast %sub3A : vector<1024x2048xf32> -> vector<1024x2048xi32>
    %and3A_95 = arith.constant -2048 : i32
    %and3A_96 = vector.broadcast %and3A_95 : i32 to vector<1024x2048xi32>
    %and3A_97 = arith.andi %bitcast_convert_type3A_94, %and3A_96 : vector<1024x2048xi32>
    %or3A = arith.ori %and3A_97, %iota3A : vector<1024x2048xi32>
    %bitcast_convert_type3A_98 = tpu.bitcast %or3A : vector<1024x2048xi32> -> vector<1024x2048xf32>
    %swap3A = arith.constant 0 : index
    %swap3A_99 = arith.constant 0 : index
    %swap3A_100 = vector.load %arg12[%swap3A, %swap3A_99] : memref<1024x2048xf32, #tpu.memory_space<vmem>>, vector<1024x2048xf32>
    tpu.vector_store %arg12[%swap3A, %swap3A_99], %bitcast_convert_type3A_98 {strides = array<i32>} : memref<1024x2048xf32, #tpu.memory_space<vmem>>, vector<1024x2048xf32>,
    %slice3A_101 = vector.extract_strided_slice %bitcast_convert_type3A_98 {offsets = [0, 0], sizes = [1024, 1024], strides = [1, 1]} : vector<1024x2048xf32> to vector<1024x1024xf32>
    %slice3A_102 = vector.extract_strided_slice %bitcast_convert_type3A_98 {offsets = [0, 1024], sizes = [1024, 1024], strides = [1, 1]} : vector<1024x2048xf32> to vector<1024x1024xf32>
    %min3A = arith.minimumf %slice3A_101, %slice3A_102 : vector<1024x1024xf32>
    %swap3A_103 = arith.constant 0 : index
    %swap3A_104 = arith.constant 0 : index
    %swap3A_105 = vector.load %arg11[%swap3A_103, %swap3A_104] : memref<1024x2048xf32, #tpu.memory_space<vmem>>, vector<1024x1024xf32>
    tpu.vector_store %arg11[%swap3A_103, %swap3A_104], %min3A {strides = array<i32>} : memref<1024x2048xf32, #tpu.memory_space<vmem>>, vector<1024x1024xf32>,
    %max3A = arith.maximumf %slice3A_101, %slice3A_102 : vector<1024x1024xf32>
    %swap3A_106 = arith.constant 0 : index
    %swap3A_107 = arith.constant 1024 : index
    %swap3A_108 = vector.load %arg11[%swap3A_106, %swap3A_107] : memref<1024x2048xf32, #tpu.memory_space<vmem>>, vector<1024x1024xf32>
    tpu.vector_store %arg11[%swap3A_106, %swap3A_107], %max3A {strides = array<i32>} : memref<1024x2048xf32, #tpu.memory_space<vmem>>, vector<1024x1024xf32>,
    %get3A_109 = arith.constant 0 : index
    %get3A_110 = arith.constant 0 : index
    %get3A_111 = vector.load %arg11[%get3A_109, %get3A_110] : memref<1024x2048xf32, #tpu.memory_space<vmem>>, vector<1024x1024xf32>
    %reduce_min3A = arith.constant dense<0x7F800000> : vector<1024xf32>
    %reduce_min3A_112 = vector.multi_reduction <minimumf>, %get3A_111, %reduce_min3A [1] : vector<1024x1024xf32> to vector<1024xf32>
    %broadcast_in_dim3A = vector.shape_cast %reduce_min3A_112 : vector<1024xf32> to vector<1024x1xf32>
    %get3A_113 = arith.constant 0 : index
    %get3A_114 = arith.constant 1024 : index
    %get3A_115 = vector.load %arg11[%get3A_113, %get3A_114] : memref<1024x2048xf32, #tpu.memory_space<vmem>>, vector<1024x1024xf32>
    %eq3A = vector.broadcast %broadcast_in_dim3A : vector<1024x1xf32> to vector<1024x1024xf32>
    %eq3A_116 = arith.cmpf oeq, %get3A_111, %eq3A : vector<1024x1024xf32>
    %select_n3A = arith.select %eq3A_116, %get3A_115, %get3A_111 : vector<1024x1024xi1>, vector<1024x1024xf32>
    %swap3A_117 = arith.constant 0 : index
    %swap3A_118 = arith.constant 0 : index
    %swap3A_119 = vector.load %arg11[%swap3A_117, %swap3A_118] : memref<1024x2048xf32, #tpu.memory_space<vmem>>, vector<1024x1024xf32>
    tpu.vector_store %arg11[%swap3A_117, %swap3A_118], %select_n3A {strides = array<i32>} : memref<1024x2048xf32, #tpu.memory_space<vmem>>, vector<1024x1024xf32>,
    %jit3A = arith.constant 0x7F800000 : f32
    %broadcast_in_dim3A_120 = vector.broadcast %jit3A : f32 to vector<1024x1024xf32>
    %select_n3A_121 = arith.select %eq3A_116, %broadcast_in_dim3A_120, %get3A_115 : vector<1024x1024xi1>, vector<1024x1024xf32>
    %swap3A_122 = arith.constant 0 : index
    %swap3A_123 = arith.constant 1024 : index
    %swap3A_124 = vector.load %arg11[%swap3A_122, %swap3A_123] : memref<1024x2048xf32, #tpu.memory_space<vmem>>, vector<1024x1024xf32>
    tpu.vector_store %arg11[%swap3A_122, %swap3A_123], %select_n3A_121 {strides = array<i32>} : memref<1024x2048xf32, #tpu.memory_space<vmem>>, vector<1024x1024xf32>,
    %get3A_125 = arith.constant 0 : index
    %get3A_126 = arith.constant 0 : index
    %get3A_127 = vector.load %arg11[%get3A_125, %get3A_126] : memref<1024x2048xf32, #tpu.memory_space<vmem>>, vector<1024x1024xf32>
    %reduce_min3A_128 = arith.constant dense<0x7F800000> : vector<1024xf32>
    %reduce_min3A_129 = vector.multi_reduction <minimumf>, %get3A_127, %reduce_min3A_128 [1] : vector<1024x1024xf32> to vector<1024xf32>
    %broadcast_in_dim3A_130 = vector.shape_cast %reduce_min3A_129 : vector<1024xf32> to vector<1024x1xf32>
    %get3A_131 = arith.constant 0 : index
    %get3A_132 = arith.constant 1024 : index
    %get3A_133 = vector.load %arg11[%get3A_131, %get3A_132] : memref<1024x2048xf32, #tpu.memory_space<vmem>>, vector<1024x1024xf32>
    %eq3A_134 = vector.broadcast %broadcast_in_dim3A_130 : vector<1024x1xf32> to vector<1024x1024xf32>
    %eq3A_135 = arith.cmpf oeq, %get3A_127, %eq3A_134 : vector<1024x1024xf32>
    %select_n3A_136 = arith.select %eq3A_135, %get3A_133, %get3A_127 : vector<1024x1024xi1>, vector<1024x1024xf32>
    %swap3A_137 = arith.constant 0 : index
    %swap3A_138 = arith.constant 0 : index
    %swap3A_139 = vector.load %arg11[%swap3A_137, %swap3A_138] : memref<1024x2048xf32, #tpu.memory_space<vmem>>, vector<1024x1024xf32>
    tpu.vector_store %arg11[%swap3A_137, %swap3A_138], %select_n3A_136 {strides = array<i32>} : memref<1024x2048xf32, #tpu.memory_space<vmem>>, vector<1024x1024xf32>,
    %jit3A_140 = arith.constant 0x7F800000 : f32
    %broadcast_in_dim3A_141 = vector.broadcast %jit3A_140 : f32 to vector<1024x1024xf32>
    %select_n3A_142 = arith.select %eq3A_135, %broadcast_in_dim3A_141, %get3A_133 : vector<1024x1024xi1>, vector<1024x1024xf32>
    %swap3A_143 = arith.constant 0 : index
    %swap3A_144 = arith.constant 1024 : index
    %swap3A_145 = vector.load %arg11[%swap3A_143, %swap3A_144] : memref<1024x2048xf32, #tpu.memory_space<vmem>>, vector<1024x1024xf32>
    tpu.vector_store %arg11[%swap3A_143, %swap3A_144], %select_n3A_142 {strides = array<i32>} : memref<1024x2048xf32, #tpu.memory_space<vmem>>, vector<1024x1024xf32>,
    %get3A_146 = arith.constant 0 : index
    %get3A_147 = arith.constant 0 : index
    %get3A_148 = vector.load %arg11[%get3A_146, %get3A_147] : memref<1024x2048xf32, #tpu.memory_space<vmem>>, vector<1024x1024xf32>
    %reduce_min3A_149 = arith.constant dense<0x7F800000> : vector<1024xf32>
    %reduce_min3A_150 = vector.multi_reduction <minimumf>, %get3A_148, %reduce_min3A_149 [1] : vector<1024x1024xf32> to vector<1024xf32>
    %broadcast_in_dim3A_151 = vector.shape_cast %reduce_min3A_150 : vector<1024xf32> to vector<1024x1xf32>
    %get3A_152 = arith.constant 0 : index
    %get3A_153 = arith.constant 1024 : index
    %get3A_154 = vector.load %arg11[%get3A_152, %get3A_153] : memref<1024x2048xf32, #tpu.memory_space<vmem>>, vector<1024x1024xf32>
    %eq3A_155 = vector.broadcast %broadcast_in_dim3A_151 : vector<1024x1xf32> to vector<1024x1024xf32>
    %eq3A_156 = arith.cmpf oeq, %get3A_148, %eq3A_155 : vector<1024x1024xf32>
    %select_n3A_157 = arith.select %eq3A_156, %get3A_154, %get3A_148 : vector<1024x1024xi1>, vector<1024x1024xf32>
    %swap3A_158 = arith.constant 0 : index
    %swap3A_159 = arith.constant 0 : index
    %swap3A_160 = vector.load %arg11[%swap3A_158, %swap3A_159] : memref<1024x2048xf32, #tpu.memory_space<vmem>>, vector<1024x1024xf32>
    tpu.vector_store %arg11[%swap3A_158, %swap3A_159], %select_n3A_157 {strides = array<i32>} : memref<1024x2048xf32, #tpu.memory_space<vmem>>, vector<1024x1024xf32>,
    %jit3A_161 = arith.constant 0x7F800000 : f32
    %broadcast_in_dim3A_162 = vector.broadcast %jit3A_161 : f32 to vector<1024x1024xf32>
    %select_n3A_163 = arith.select %eq3A_156, %broadcast_in_dim3A_162, %get3A_154 : vector<1024x1024xi1>, vector<1024x1024xf32>
    %swap3A_164 = arith.constant 0 : index
    %swap3A_165 = arith.constant 1024 : index
    %swap3A_166 = vector.load %arg11[%swap3A_164, %swap3A_165] : memref<1024x2048xf32, #tpu.memory_space<vmem>>, vector<1024x1024xf32>
    tpu.vector_store %arg11[%swap3A_164, %swap3A_165], %select_n3A_163 {strides = array<i32>} : memref<1024x2048xf32, #tpu.memory_space<vmem>>, vector<1024x1024xf32>,
    %get3A_167 = arith.constant 0 : index
    %get3A_168 = arith.constant 0 : index
    %get3A_169 = vector.load %arg11[%get3A_167, %get3A_168] : memref<1024x2048xf32, #tpu.memory_space<vmem>>, vector<1024x1024xf32>
    %reduce_min3A_170 = arith.constant dense<0x7F800000> : vector<1024xf32>
    %reduce_min3A_171 = vector.multi_reduction <minimumf>, %get3A_169, %reduce_min3A_170 [1] : vector<1024x1024xf32> to vector<1024xf32>
    %broadcast_in_dim3A_172 = vector.shape_cast %reduce_min3A_171 : vector<1024xf32> to vector<1024x1xf32>
    %get3A_173 = arith.constant 0 : index
    %get3A_174 = arith.constant 1024 : index
    %get3A_175 = vector.load %arg11[%get3A_173, %get3A_174] : memref<1024x2048xf32, #tpu.memory_space<vmem>>, vector<1024x1024xf32>
    %eq3A_176 = vector.broadcast %broadcast_in_dim3A_172 : vector<1024x1xf32> to vector<1024x1024xf32>
    %eq3A_177 = arith.cmpf oeq, %get3A_169, %eq3A_176 : vector<1024x1024xf32>
    %select_n3A_178 = arith.select %eq3A_177, %get3A_175, %get3A_169 : vector<1024x1024xi1>, vector<1024x1024xf32>
    %swap3A_179 = arith.constant 0 : index
    %swap3A_180 = arith.constant 0 : index
    %swap3A_181 = vector.load %arg11[%swap3A_179, %swap3A_180] : memref<1024x2048xf32, #tpu.memory_space<vmem>>, vector<1024x1024xf32>
    tpu.vector_store %arg11[%swap3A_179, %swap3A_180], %select_n3A_178 {strides = array<i32>} : memref<1024x2048xf32, #tpu.memory_space<vmem>>, vector<1024x1024xf32>,
    %jit3A_182 = arith.constant 0x7F800000 : f32
    %broadcast_in_dim3A_183 = vector.broadcast %jit3A_182 : f32 to vector<1024x1024xf32>
    %select_n3A_184 = arith.select %eq3A_177, %broadcast_in_dim3A_183, %get3A_175 : vector<1024x1024xi1>, vector<1024x1024xf32>
    %swap3A_185 = arith.constant 0 : index
    %swap3A_186 = arith.constant 1024 : index
    %swap3A_187 = vector.load %arg11[%swap3A_185, %swap3A_186] : memref<1024x2048xf32, #tpu.memory_space<vmem>>, vector<1024x1024xf32>
    tpu.vector_store %arg11[%swap3A_185, %swap3A_186], %select_n3A_184 {strides = array<i32>} : memref<1024x2048xf32, #tpu.memory_space<vmem>>, vector<1024x1024xf32>,
    %get3A_188 = arith.constant 0 : index
    %get3A_189 = arith.constant 0 : index
    %get3A_190 = vector.load %arg11[%get3A_188, %get3A_189] : memref<1024x2048xf32, #tpu.memory_space<vmem>>, vector<1024x1024xf32>
    %reduce_min3A_191 = arith.constant dense<0x7F800000> : vector<1024xf32>
    %reduce_min3A_192 = vector.multi_reduction <minimumf>, %get3A_190, %reduce_min3A_191 [1] : vector<1024x1024xf32> to vector<1024xf32>
    %broadcast_in_dim3A_193 = vector.shape_cast %reduce_min3A_192 : vector<1024xf32> to vector<1024x1xf32>
    %get3A_194 = arith.constant 0 : index
    %get3A_195 = arith.constant 1024 : index
    %get3A_196 = vector.load %arg11[%get3A_194, %get3A_195] : memref<1024x2048xf32, #tpu.memory_space<vmem>>, vector<1024x1024xf32>
    %eq3A_197 = vector.broadcast %broadcast_in_dim3A_193 : vector<1024x1xf32> to vector<1024x1024xf32>
    %eq3A_198 = arith.cmpf oeq, %get3A_190, %eq3A_197 : vector<1024x1024xf32>
    %select_n3A_199 = arith.select %eq3A_198, %get3A_196, %get3A_190 : vector<1024x1024xi1>, vector<1024x1024xf32>
    %swap3A_200 = arith.constant 0 : index
    %swap3A_201 = arith.constant 0 : index
    %swap3A_202 = vector.load %arg11[%swap3A_200, %swap3A_201] : memref<1024x2048xf32, #tpu.memory_space<vmem>>, vector<1024x1024xf32>
    tpu.vector_store %arg11[%swap3A_200, %swap3A_201], %select_n3A_199 {strides = array<i32>} : memref<1024x2048xf32, #tpu.memory_space<vmem>>, vector<1024x1024xf32>,
    %jit3A_203 = arith.constant 0x7F800000 : f32
    %broadcast_in_dim3A_204 = vector.broadcast %jit3A_203 : f32 to vector<1024x1024xf32>
    %select_n3A_205 = arith.select %eq3A_198, %broadcast_in_dim3A_204, %get3A_196 : vector<1024x1024xi1>, vector<1024x1024xf32>
    %swap3A_206 = arith.constant 0 : index
    %swap3A_207 = arith.constant 1024 : index
    %swap3A_208 = vector.load %arg11[%swap3A_206, %swap3A_207] : memref<1024x2048xf32, #tpu.memory_space<vmem>>, vector<1024x1024xf32>
    tpu.vector_store %arg11[%swap3A_206, %swap3A_207], %select_n3A_205 {strides = array<i32>} : memref<1024x2048xf32, #tpu.memory_space<vmem>>, vector<1024x1024xf32>,
    %get3A_209 = arith.constant 0 : index
    %get3A_210 = arith.constant 0 : index
    %get3A_211 = vector.load %arg11[%get3A_209, %get3A_210] : memref<1024x2048xf32, #tpu.memory_space<vmem>>, vector<1024x1024xf32>
    %reduce_min3A_212 = arith.constant dense<0x7F800000> : vector<1024xf32>
    %reduce_min3A_213 = vector.multi_reduction <minimumf>, %get3A_211, %reduce_min3A_212 [1] : vector<1024x1024xf32> to vector<1024xf32>
    %broadcast_in_dim3A_214 = vector.shape_cast %reduce_min3A_213 : vector<1024xf32> to vector<1024x1xf32>
    %get3A_215 = arith.constant 0 : index
    %get3A_216 = arith.constant 1024 : index
    %get3A_217 = vector.load %arg11[%get3A_215, %get3A_216] : memref<1024x2048xf32, #tpu.memory_space<vmem>>, vector<1024x1024xf32>
    %eq3A_218 = vector.broadcast %broadcast_in_dim3A_214 : vector<1024x1xf32> to vector<1024x1024xf32>
    %eq3A_219 = arith.cmpf oeq, %get3A_211, %eq3A_218 : vector<1024x1024xf32>
    %select_n3A_220 = arith.select %eq3A_219, %get3A_217, %get3A_211 : vector<1024x1024xi1>, vector<1024x1024xf32>
    %swap3A_221 = arith.constant 0 : index
    %swap3A_222 = arith.constant 0 : index
    %swap3A_223 = vector.load %arg11[%swap3A_221, %swap3A_222] : memref<1024x2048xf32, #tpu.memory_space<vmem>>, vector<1024x1024xf32>
    tpu.vector_store %arg11[%swap3A_221, %swap3A_222], %select_n3A_220 {strides = array<i32>} : memref<1024x2048xf32, #tpu.memory_space<vmem>>, vector<1024x1024xf32>,
    %jit3A_224 = arith.constant 0x7F800000 : f32
    %broadcast_in_dim3A_225 = vector.broadcast %jit3A_224 : f32 to vector<1024x1024xf32>
    %select_n3A_226 = arith.select %eq3A_219, %broadcast_in_dim3A_225, %get3A_217 : vector<1024x1024xi1>, vector<1024x1024xf32>
    %swap3A_227 = arith.constant 0 : index
    %swap3A_228 = arith.constant 1024 : index
    %swap3A_229 = vector.load %arg11[%swap3A_227, %swap3A_228] : memref<1024x2048xf32, #tpu.memory_space<vmem>>, vector<1024x1024xf32>
    tpu.vector_store %arg11[%swap3A_227, %swap3A_228], %select_n3A_226 {strides = array<i32>} : memref<1024x2048xf32, #tpu.memory_space<vmem>>, vector<1024x1024xf32>,
    %get3A_230 = arith.constant 0 : index
    %get3A_231 = arith.constant 0 : index
    %get3A_232 = vector.load %arg11[%get3A_230, %get3A_231] : memref<1024x2048xf32, #tpu.memory_space<vmem>>, vector<1024x1024xf32>
    %reduce_min3A_233 = arith.constant dense<0x7F800000> : vector<1024xf32>
    %reduce_min3A_234 = vector.multi_reduction <minimumf>, %get3A_232, %reduce_min3A_233 [1] : vector<1024x1024xf32> to vector<1024xf32>
    %broadcast_in_dim3A_235 = vector.shape_cast %reduce_min3A_234 : vector<1024xf32> to vector<1024x1xf32>
    %get3A_236 = arith.constant 0 : index
    %get3A_237 = arith.constant 1024 : index
    %get3A_238 = vector.load %arg11[%get3A_236, %get3A_237] : memref<1024x2048xf32, #tpu.memory_space<vmem>>, vector<1024x1024xf32>
    %eq3A_239 = vector.broadcast %broadcast_in_dim3A_235 : vector<1024x1xf32> to vector<1024x1024xf32>
    %eq3A_240 = arith.cmpf oeq, %get3A_232, %eq3A_239 : vector<1024x1024xf32>
    %select_n3A_241 = arith.select %eq3A_240, %get3A_238, %get3A_232 : vector<1024x1024xi1>, vector<1024x1024xf32>
    %swap3A_242 = arith.constant 0 : index
    %swap3A_243 = arith.constant 0 : index
    %swap3A_244 = vector.load %arg11[%swap3A_242, %swap3A_243] : memref<1024x2048xf32, #tpu.memory_space<vmem>>, vector<1024x1024xf32>
    tpu.vector_store %arg11[%swap3A_242, %swap3A_243], %select_n3A_241 {strides = array<i32>} : memref<1024x2048xf32, #tpu.memory_space<vmem>>, vector<1024x1024xf32>,
    %jit3A_245 = arith.constant 0x7F800000 : f32
    %broadcast_in_dim3A_246 = vector.broadcast %jit3A_245 : f32 to vector<1024x1024xf32>
    %select_n3A_247 = arith.select %eq3A_240, %broadcast_in_dim3A_246, %get3A_238 : vector<1024x1024xi1>, vector<1024x1024xf32>
    %swap3A_248 = arith.constant 0 : index
    %swap3A_249 = arith.constant 1024 : index
    %swap3A_250 = vector.load %arg11[%swap3A_248, %swap3A_249] : memref<1024x2048xf32, #tpu.memory_space<vmem>>, vector<1024x1024xf32>
    tpu.vector_store %arg11[%swap3A_248, %swap3A_249], %select_n3A_247 {strides = array<i32>} : memref<1024x2048xf32, #tpu.memory_space<vmem>>, vector<1024x1024xf32>,
    %get3A_251 = arith.constant 0 : index
    %get3A_252 = arith.constant 0 : index
    %get3A_253 = vector.load %arg11[%get3A_251, %get3A_252] : memref<1024x2048xf32, #tpu.memory_space<vmem>>, vector<1024x1024xf32>
    %reduce_min3A_254 = arith.constant dense<0x7F800000> : vector<1024xf32>
    %reduce_min3A_255 = vector.multi_reduction <minimumf>, %get3A_253, %reduce_min3A_254 [1] : vector<1024x1024xf32> to vector<1024xf32>
    %broadcast_in_dim3A_256 = vector.shape_cast %reduce_min3A_255 : vector<1024xf32> to vector<1024x1xf32>
    %get3A_257 = arith.constant 0 : index
    %get3A_258 = arith.constant 1024 : index
    %get3A_259 = vector.load %arg11[%get3A_257, %get3A_258] : memref<1024x2048xf32, #tpu.memory_space<vmem>>, vector<1024x1024xf32>
    %eq3A_260 = vector.broadcast %broadcast_in_dim3A_256 : vector<1024x1xf32> to vector<1024x1024xf32>
    %eq3A_261 = arith.cmpf oeq, %get3A_253, %eq3A_260 : vector<1024x1024xf32>
    %select_n3A_262 = arith.select %eq3A_261, %get3A_259, %get3A_253 : vector<1024x1024xi1>, vector<1024x1024xf32>
    %swap3A_263 = arith.constant 0 : index
    %swap3A_264 = arith.constant 0 : index
    %swap3A_265 = vector.load %arg11[%swap3A_263, %swap3A_264] : memref<1024x2048xf32, #tpu.memory_space<vmem>>, vector<1024x1024xf32>
    tpu.vector_store %arg11[%swap3A_263, %swap3A_264], %select_n3A_262 {strides = array<i32>} : memref<1024x2048xf32, #tpu.memory_space<vmem>>, vector<1024x1024xf32>,
    %jit3A_266 = arith.constant 0x7F800000 : f32
    %broadcast_in_dim3A_267 = vector.broadcast %jit3A_266 : f32 to vector<1024x1024xf32>
    %select_n3A_268 = arith.select %eq3A_261, %broadcast_in_dim3A_267, %get3A_259 : vector<1024x1024xi1>, vector<1024x1024xf32>
    %swap3A_269 = arith.constant 0 : index
    %swap3A_270 = arith.constant 1024 : index
    %swap3A_271 = vector.load %arg11[%swap3A_269, %swap3A_270] : memref<1024x2048xf32, #tpu.memory_space<vmem>>, vector<1024x1024xf32>
    tpu.vector_store %arg11[%swap3A_269, %swap3A_270], %select_n3A_268 {strides = array<i32>} : memref<1024x2048xf32, #tpu.memory_space<vmem>>, vector<1024x1024xf32>,
    %get3A_272 = arith.constant 0 : index
    %get3A_273 = arith.constant 0 : index
    %get3A_274 = vector.load %arg11[%get3A_272, %get3A_273] : memref<1024x2048xf32, #tpu.memory_space<vmem>>, vector<1024x1024xf32>
    %reduce_min3A_275 = arith.constant dense<0x7F800000> : vector<1024xf32>
    %reduce_min3A_276 = vector.multi_reduction <minimumf>, %get3A_274, %reduce_min3A_275 [1] : vector<1024x1024xf32> to vector<1024xf32>
    %broadcast_in_dim3A_277 = vector.shape_cast %reduce_min3A_276 : vector<1024xf32> to vector<1024x1xf32>
    %get3A_278 = arith.constant 0 : index
    %get3A_279 = arith.constant 1024 : index
    %get3A_280 = vector.load %arg11[%get3A_278, %get3A_279] : memref<1024x2048xf32, #tpu.memory_space<vmem>>, vector<1024x1024xf32>
    %eq3A_281 = vector.broadcast %broadcast_in_dim3A_277 : vector<1024x1xf32> to vector<1024x1024xf32>
    %eq3A_282 = arith.cmpf oeq, %get3A_274, %eq3A_281 : vector<1024x1024xf32>
    %select_n3A_283 = arith.select %eq3A_282, %get3A_280, %get3A_274 : vector<1024x1024xi1>, vector<1024x1024xf32>
    %swap3A_284 = arith.constant 0 : index
    %swap3A_285 = arith.constant 0 : index
    %swap3A_286 = vector.load %arg11[%swap3A_284, %swap3A_285] : memref<1024x2048xf32, #tpu.memory_space<vmem>>, vector<1024x1024xf32>
    tpu.vector_store %arg11[%swap3A_284, %swap3A_285], %select_n3A_283 {strides = array<i32>} : memref<1024x2048xf32, #tpu.memory_space<vmem>>, vector<1024x1024xf32>,
    %jit3A_287 = arith.constant 0x7F800000 : f32
    %broadcast_in_dim3A_288 = vector.broadcast %jit3A_287 : f32 to vector<1024x1024xf32>
    %select_n3A_289 = arith.select %eq3A_282, %broadcast_in_dim3A_288, %get3A_280 : vector<1024x1024xi1>, vector<1024x1024xf32>
    %swap3A_290 = arith.constant 0 : index
    %swap3A_291 = arith.constant 1024 : index
    %swap3A_292 = vector.load %arg11[%swap3A_290, %swap3A_291] : memref<1024x2048xf32, #tpu.memory_space<vmem>>, vector<1024x1024xf32>
    tpu.vector_store %arg11[%swap3A_290, %swap3A_291], %select_n3A_289 {strides = array<i32>} : memref<1024x2048xf32, #tpu.memory_space<vmem>>, vector<1024x1024xf32>,
    %get3A_293 = arith.constant 0 : index
    %get3A_294 = arith.constant 0 : index
    %get3A_295 = vector.load %arg11[%get3A_293, %get3A_294] : memref<1024x2048xf32, #tpu.memory_space<vmem>>, vector<1024x1024xf32>
    %reduce_min3A_296 = arith.constant dense<0x7F800000> : vector<1024xf32>
    %reduce_min3A_297 = vector.multi_reduction <minimumf>, %get3A_295, %reduce_min3A_296 [1] : vector<1024x1024xf32> to vector<1024xf32>
    %broadcast_in_dim3A_298 = vector.shape_cast %reduce_min3A_297 : vector<1024xf32> to vector<1024x1xf32>
    %get3A_299 = arith.constant 0 : index
    %get3A_300 = arith.constant 1024 : index
    %get3A_301 = vector.load %arg11[%get3A_299, %get3A_300] : memref<1024x2048xf32, #tpu.memory_space<vmem>>, vector<1024x1024xf32>
    %eq3A_302 = vector.broadcast %broadcast_in_dim3A_298 : vector<1024x1xf32> to vector<1024x1024xf32>
    %eq3A_303 = arith.cmpf oeq, %get3A_295, %eq3A_302 : vector<1024x1024xf32>
    %select_n3A_304 = arith.select %eq3A_303, %get3A_301, %get3A_295 : vector<1024x1024xi1>, vector<1024x1024xf32>
    %swap3A_305 = arith.constant 0 : index
    %swap3A_306 = arith.constant 0 : index
    %swap3A_307 = vector.load %arg11[%swap3A_305, %swap3A_306] : memref<1024x2048xf32, #tpu.memory_space<vmem>>, vector<1024x1024xf32>
    tpu.vector_store %arg11[%swap3A_305, %swap3A_306], %select_n3A_304 {strides = array<i32>} : memref<1024x2048xf32, #tpu.memory_space<vmem>>, vector<1024x1024xf32>,
    %jit3A_308 = arith.constant 0x7F800000 : f32
    %broadcast_in_dim3A_309 = vector.broadcast %jit3A_308 : f32 to vector<1024x1024xf32>
    %select_n3A_310 = arith.select %eq3A_303, %broadcast_in_dim3A_309, %get3A_301 : vector<1024x1024xi1>, vector<1024x1024xf32>
    %swap3A_311 = arith.constant 0 : index
    %swap3A_312 = arith.constant 1024 : index
    %swap3A_313 = vector.load %arg11[%swap3A_311, %swap3A_312] : memref<1024x2048xf32, #tpu.memory_space<vmem>>, vector<1024x1024xf32>
    tpu.vector_store %arg11[%swap3A_311, %swap3A_312], %select_n3A_310 {strides = array<i32>} : memref<1024x2048xf32, #tpu.memory_space<vmem>>, vector<1024x1024xf32>,
    %get3A_314 = arith.constant 0 : index
    %get3A_315 = arith.constant 0 : index
    %get3A_316 = vector.load %arg11[%get3A_314, %get3A_315] : memref<1024x2048xf32, #tpu.memory_space<vmem>>, vector<1024x1024xf32>
    %reduce_min3A_317 = arith.constant dense<0x7F800000> : vector<1024xf32>
    %reduce_min3A_318 = vector.multi_reduction <minimumf>, %get3A_316, %reduce_min3A_317 [1] : vector<1024x1024xf32> to vector<1024xf32>
    %broadcast_in_dim3A_319 = vector.shape_cast %reduce_min3A_318 : vector<1024xf32> to vector<1024x1xf32>
    %get3A_320 = arith.constant 0 : index
    %get3A_321 = arith.constant 1024 : index
    %get3A_322 = vector.load %arg11[%get3A_320, %get3A_321] : memref<1024x2048xf32, #tpu.memory_space<vmem>>, vector<1024x1024xf32>
    %eq3A_323 = vector.broadcast %broadcast_in_dim3A_319 : vector<1024x1xf32> to vector<1024x1024xf32>
    %eq3A_324 = arith.cmpf oeq, %get3A_316, %eq3A_323 : vector<1024x1024xf32>
    %select_n3A_325 = arith.select %eq3A_324, %get3A_322, %get3A_316 : vector<1024x1024xi1>, vector<1024x1024xf32>
    %swap3A_326 = arith.constant 0 : index
    %swap3A_327 = arith.constant 0 : index
    %swap3A_328 = vector.load %arg11[%swap3A_326, %swap3A_327] : memref<1024x2048xf32, #tpu.memory_space<vmem>>, vector<1024x1024xf32>
    tpu.vector_store %arg11[%swap3A_326, %swap3A_327], %select_n3A_325 {strides = array<i32>} : memref<1024x2048xf32, #tpu.memory_space<vmem>>, vector<1024x1024xf32>,
    %jit3A_329 = arith.constant 0x7F800000 : f32
    %broadcast_in_dim3A_330 = vector.broadcast %jit3A_329 : f32 to vector<1024x1024xf32>
    %select_n3A_331 = arith.select %eq3A_324, %broadcast_in_dim3A_330, %get3A_322 : vector<1024x1024xi1>, vector<1024x1024xf32>
    %swap3A_332 = arith.constant 0 : index
    %swap3A_333 = arith.constant 1024 : index
    %swap3A_334 = vector.load %arg11[%swap3A_332, %swap3A_333] : memref<1024x2048xf32, #tpu.memory_space<vmem>>, vector<1024x1024xf32>
    tpu.vector_store %arg11[%swap3A_332, %swap3A_333], %select_n3A_331 {strides = array<i32>} : memref<1024x2048xf32, #tpu.memory_space<vmem>>, vector<1024x1024xf32>,
    %get3A_335 = arith.constant 0 : index
    %get3A_336 = arith.constant 0 : index
    %get3A_337 = vector.load %arg11[%get3A_335, %get3A_336] : memref<1024x2048xf32, #tpu.memory_space<vmem>>, vector<1024x1024xf32>
    %reduce_min3A_338 = arith.constant dense<0x7F800000> : vector<1024xf32>
    %reduce_min3A_339 = vector.multi_reduction <minimumf>, %get3A_337, %reduce_min3A_338 [1] : vector<1024x1024xf32> to vector<1024xf32>
    %broadcast_in_dim3A_340 = vector.shape_cast %reduce_min3A_339 : vector<1024xf32> to vector<1024x1xf32>
    %get3A_341 = arith.constant 0 : index
    %get3A_342 = arith.constant 1024 : index
    %get3A_343 = vector.load %arg11[%get3A_341, %get3A_342] : memref<1024x2048xf32, #tpu.memory_space<vmem>>, vector<1024x1024xf32>
    %eq3A_344 = vector.broadcast %broadcast_in_dim3A_340 : vector<1024x1xf32> to vector<1024x1024xf32>
    %eq3A_345 = arith.cmpf oeq, %get3A_337, %eq3A_344 : vector<1024x1024xf32>
    %select_n3A_346 = arith.select %eq3A_345, %get3A_343, %get3A_337 : vector<1024x1024xi1>, vector<1024x1024xf32>
    %swap3A_347 = arith.constant 0 : index
    %swap3A_348 = arith.constant 0 : index
    %swap3A_349 = vector.load %arg11[%swap3A_347, %swap3A_348] : memref<1024x2048xf32, #tpu.memory_space<vmem>>, vector<1024x1024xf32>
    tpu.vector_store %arg11[%swap3A_347, %swap3A_348], %select_n3A_346 {strides = array<i32>} : memref<1024x2048xf32, #tpu.memory_space<vmem>>, vector<1024x1024xf32>,
    %jit3A_350 = arith.constant 0x7F800000 : f32
    %broadcast_in_dim3A_351 = vector.broadcast %jit3A_350 : f32 to vector<1024x1024xf32>
    %select_n3A_352 = arith.select %eq3A_345, %broadcast_in_dim3A_351, %get3A_343 : vector<1024x1024xi1>, vector<1024x1024xf32>
    %swap3A_353 = arith.constant 0 : index
    %swap3A_354 = arith.constant 1024 : index
    %swap3A_355 = vector.load %arg11[%swap3A_353, %swap3A_354] : memref<1024x2048xf32, #tpu.memory_space<vmem>>, vector<1024x1024xf32>
    tpu.vector_store %arg11[%swap3A_353, %swap3A_354], %select_n3A_352 {strides = array<i32>} : memref<1024x2048xf32, #tpu.memory_space<vmem>>, vector<1024x1024xf32>,
    %get3A_356 = arith.constant 0 : index
    %get3A_357 = arith.constant 0 : index
    %get3A_358 = vector.load %arg11[%get3A_356, %get3A_357] : memref<1024x2048xf32, #tpu.memory_space<vmem>>, vector<1024x1024xf32>
    %reduce_min3A_359 = arith.constant dense<0x7F800000> : vector<1024xf32>
    %reduce_min3A_360 = vector.multi_reduction <minimumf>, %get3A_358, %reduce_min3A_359 [1] : vector<1024x1024xf32> to vector<1024xf32>
    %broadcast_in_dim3A_361 = vector.shape_cast %reduce_min3A_360 : vector<1024xf32> to vector<1024x1xf32>
    %get3A_362 = arith.constant 0 : index
    %get3A_363 = arith.constant 1024 : index
    %get3A_364 = vector.load %arg11[%get3A_362, %get3A_363] : memref<1024x2048xf32, #tpu.memory_space<vmem>>, vector<1024x1024xf32>
    %eq3A_365 = vector.broadcast %broadcast_in_dim3A_361 : vector<1024x1xf32> to vector<1024x1024xf32>
    %eq3A_366 = arith.cmpf oeq, %get3A_358, %eq3A_365 : vector<1024x1024xf32>
    %select_n3A_367 = arith.select %eq3A_366, %get3A_364, %get3A_358 : vector<1024x1024xi1>, vector<1024x1024xf32>
    %swap3A_368 = arith.constant 0 : index
    %swap3A_369 = arith.constant 0 : index
    %swap3A_370 = vector.load %arg11[%swap3A_368, %swap3A_369] : memref<1024x2048xf32, #tpu.memory_space<vmem>>, vector<1024x1024xf32>
    tpu.vector_store %arg11[%swap3A_368, %swap3A_369], %select_n3A_367 {strides = array<i32>} : memref<1024x2048xf32, #tpu.memory_space<vmem>>, vector<1024x1024xf32>,
    %jit3A_371 = arith.constant 0x7F800000 : f32
    %broadcast_in_dim3A_372 = vector.broadcast %jit3A_371 : f32 to vector<1024x1024xf32>
    %select_n3A_373 = arith.select %eq3A_366, %broadcast_in_dim3A_372, %get3A_364 : vector<1024x1024xi1>, vector<1024x1024xf32>
    %swap3A_374 = arith.constant 0 : index
    %swap3A_375 = arith.constant 1024 : index
    %swap3A_376 = vector.load %arg11[%swap3A_374, %swap3A_375] : memref<1024x2048xf32, #tpu.memory_space<vmem>>, vector<1024x1024xf32>
    tpu.vector_store %arg11[%swap3A_374, %swap3A_375], %select_n3A_373 {strides = array<i32>} : memref<1024x2048xf32, #tpu.memory_space<vmem>>, vector<1024x1024xf32>,
    %get3A_377 = arith.constant 0 : index
    %get3A_378 = arith.constant 0 : index
    %get3A_379 = vector.load %arg11[%get3A_377, %get3A_378] : memref<1024x2048xf32, #tpu.memory_space<vmem>>, vector<1024x1024xf32>
    %reduce_min3A_380 = arith.constant dense<0x7F800000> : vector<1024xf32>
    %reduce_min3A_381 = vector.multi_reduction <minimumf>, %get3A_379, %reduce_min3A_380 [1] : vector<1024x1024xf32> to vector<1024xf32>
    %broadcast_in_dim3A_382 = vector.shape_cast %reduce_min3A_381 : vector<1024xf32> to vector<1024x1xf32>
    %get3A_383 = arith.constant 0 : index
    %get3A_384 = arith.constant 1024 : index
    %get3A_385 = vector.load %arg11[%get3A_383, %get3A_384] : memref<1024x2048xf32, #tpu.memory_space<vmem>>, vector<1024x1024xf32>
    %eq3A_386 = vector.broadcast %broadcast_in_dim3A_382 : vector<1024x1xf32> to vector<1024x1024xf32>
    %eq3A_387 = arith.cmpf oeq, %get3A_379, %eq3A_386 : vector<1024x1024xf32>
    %select_n3A_388 = arith.select %eq3A_387, %get3A_385, %get3A_379 : vector<1024x1024xi1>, vector<1024x1024xf32>
    %swap3A_389 = arith.constant 0 : index
    %swap3A_390 = arith.constant 0 : index
    %swap3A_391 = vector.load %arg11[%swap3A_389, %swap3A_390] : memref<1024x2048xf32, #tpu.memory_space<vmem>>, vector<1024x1024xf32>
    tpu.vector_store %arg11[%swap3A_389, %swap3A_390], %select_n3A_388 {strides = array<i32>} : memref<1024x2048xf32, #tpu.memory_space<vmem>>, vector<1024x1024xf32>,
    %jit3A_392 = arith.constant 0x7F800000 : f32
    %broadcast_in_dim3A_393 = vector.broadcast %jit3A_392 : f32 to vector<1024x1024xf32>
    %select_n3A_394 = arith.select %eq3A_387, %broadcast_in_dim3A_393, %get3A_385 : vector<1024x1024xi1>, vector<1024x1024xf32>
    %swap3A_395 = arith.constant 0 : index
    %swap3A_396 = arith.constant 1024 : index
    %swap3A_397 = vector.load %arg11[%swap3A_395, %swap3A_396] : memref<1024x2048xf32, #tpu.memory_space<vmem>>, vector<1024x1024xf32>
    tpu.vector_store %arg11[%swap3A_395, %swap3A_396], %select_n3A_394 {strides = array<i32>} : memref<1024x2048xf32, #tpu.memory_space<vmem>>, vector<1024x1024xf32>,
    %get3A_398 = arith.constant 0 : index
    %get3A_399 = arith.constant 0 : index
    %get3A_400 = vector.load %arg11[%get3A_398, %get3A_399] : memref<1024x2048xf32, #tpu.memory_space<vmem>>, vector<1024x1024xf32>
    %reduce_min3A_401 = arith.constant dense<0x7F800000> : vector<1024xf32>
    %reduce_min3A_402 = vector.multi_reduction <minimumf>, %get3A_400, %reduce_min3A_401 [1] : vector<1024x1024xf32> to vector<1024xf32>
    %broadcast_in_dim3A_403 = vector.shape_cast %reduce_min3A_402 : vector<1024xf32> to vector<1024x1xf32>
    %get3A_404 = arith.constant 0 : index
    %get3A_405 = arith.constant 1024 : index
    %get3A_406 = vector.load %arg11[%get3A_404, %get3A_405] : memref<1024x2048xf32, #tpu.memory_space<vmem>>, vector<1024x1024xf32>
    %eq3A_407 = vector.broadcast %broadcast_in_dim3A_403 : vector<1024x1xf32> to vector<1024x1024xf32>
    %eq3A_408 = arith.cmpf oeq, %get3A_400, %eq3A_407 : vector<1024x1024xf32>
    %select_n3A_409 = arith.select %eq3A_408, %get3A_406, %get3A_400 : vector<1024x1024xi1>, vector<1024x1024xf32>
    %swap3A_410 = arith.constant 0 : index
    %swap3A_411 = arith.constant 0 : index
    %swap3A_412 = vector.load %arg11[%swap3A_410, %swap3A_411] : memref<1024x2048xf32, #tpu.memory_space<vmem>>, vector<1024x1024xf32>
    tpu.vector_store %arg11[%swap3A_410, %swap3A_411], %select_n3A_409 {strides = array<i32>} : memref<1024x2048xf32, #tpu.memory_space<vmem>>, vector<1024x1024xf32>,
    %jit3A_413 = arith.constant 0x7F800000 : f32
    %broadcast_in_dim3A_414 = vector.broadcast %jit3A_413 : f32 to vector<1024x1024xf32>
    %select_n3A_415 = arith.select %eq3A_408, %broadcast_in_dim3A_414, %get3A_406 : vector<1024x1024xi1>, vector<1024x1024xf32>
    %swap3A_416 = arith.constant 0 : index
    %swap3A_417 = arith.constant 1024 : index
    %swap3A_418 = vector.load %arg11[%swap3A_416, %swap3A_417] : memref<1024x2048xf32, #tpu.memory_space<vmem>>, vector<1024x1024xf32>
    tpu.vector_store %arg11[%swap3A_416, %swap3A_417], %select_n3A_415 {strides = array<i32>} : memref<1024x2048xf32, #tpu.memory_space<vmem>>, vector<1024x1024xf32>,
    %get3A_419 = arith.constant 0 : index
    %get3A_420 = arith.constant 0 : index
    %get3A_421 = vector.load %arg11[%get3A_419, %get3A_420] : memref<1024x2048xf32, #tpu.memory_space<vmem>>, vector<1024x1024xf32>
    %reduce_min3A_422 = arith.constant dense<0x7F800000> : vector<1024xf32>
    %reduce_min3A_423 = vector.multi_reduction <minimumf>, %get3A_421, %reduce_min3A_422 [1] : vector<1024x1024xf32> to vector<1024xf32>
    %broadcast_in_dim3A_424 = vector.shape_cast %reduce_min3A_423 : vector<1024xf32> to vector<1024x1xf32>
    %get3A_425 = arith.constant 0 : index
    %get3A_426 = arith.constant 1024 : index
    %get3A_427 = vector.load %arg11[%get3A_425, %get3A_426] : memref<1024x2048xf32, #tpu.memory_space<vmem>>, vector<1024x1024xf32>
    %eq3A_428 = vector.broadcast %broadcast_in_dim3A_424 : vector<1024x1xf32> to vector<1024x1024xf32>
    %eq3A_429 = arith.cmpf oeq, %get3A_421, %eq3A_428 : vector<1024x1024xf32>
    %select_n3A_430 = arith.select %eq3A_429, %get3A_427, %get3A_421 : vector<1024x1024xi1>, vector<1024x1024xf32>
    %swap3A_431 = arith.constant 0 : index
    %swap3A_432 = arith.constant 0 : index
    %swap3A_433 = vector.load %arg11[%swap3A_431, %swap3A_432] : memref<1024x2048xf32, #tpu.memory_space<vmem>>, vector<1024x1024xf32>
    tpu.vector_store %arg11[%swap3A_431, %swap3A_432], %select_n3A_430 {strides = array<i32>} : memref<1024x2048xf32, #tpu.memory_space<vmem>>, vector<1024x1024xf32>,
    %get3A_434 = arith.constant 0 : index
    %get3A_435 = arith.constant 0 : index
    %get3A_436 = vector.load %arg11[%get3A_434, %get3A_435] : memref<1024x2048xf32, #tpu.memory_space<vmem>>, vector<1024x1024xf32>
    %reduce_min3A_437 = arith.constant dense<0x7F800000> : vector<1024xf32>
    %reduce_min3A_438 = vector.multi_reduction <minimumf>, %get3A_436, %reduce_min3A_437 [1] : vector<1024x1024xf32> to vector<1024xf32>
    %broadcast_in_dim3A_439 = vector.shape_cast %reduce_min3A_438 : vector<1024xf32> to vector<1024x1xf32>
    %get3A_440 = arith.constant 0 : index
    %get3A_441 = arith.constant 0 : index
    %get3A_442 = vector.load %arg12[%get3A_440, %get3A_441] : memref<1024x2048xf32, #tpu.memory_space<vmem>>, vector<1024x2048xf32>
    %le3A = vector.broadcast %broadcast_in_dim3A_439 : vector<1024x1xf32> to vector<1024x2048xf32>
    %le3A_443 = arith.cmpf ole, %get3A_442, %le3A : vector<1024x2048xf32>
    %ne3A = vector.broadcast %broadcast_in_dim3A : vector<1024x1xf32> to vector<1024x2048xf32>
    %ne3A_444 = arith.cmpf one, %get3A_442, %ne3A : vector<1024x2048xf32>
    %and3A_445 = arith.andi %le3A_443, %ne3A_444 : vector<1024x2048xi1>
    %convert_element_type3A = arith.extui %and3A_445 : vector<1024x2048xi1> to vector<1024x2048xi32>
    %convert_element_type3A_446 = arith.sitofp %convert_element_type3A : vector<1024x2048xi32> to vector<1024x2048xf32>
    %convert_element_type3A_447 = arith.truncf %convert_element_type3A_446 : vector<1024x2048xf32> to vector<1024x2048xbf16>
    %get3A_448 = arith.constant 0 : index
    %get3A_449 = arith.constant 0 : index
    %get3A_450 = arith.constant 0 : index
    %get3A_451 = vector.load %arg5[%get3A_448, %get3A_449, %get3A_450] : memref<1x2048x16xf32, #tpu.memory_space<vmem>>, vector<1x2048x16xf32>
    %get3A_452 = vector.shape_cast %get3A_451 : vector<1x2048x16xf32> to vector<2048x16xf32>
    %convert_element_type3A_453 = arith.truncf %get3A_452 : vector<2048x16xf32> to vector<2048x16xbf16>
    %get3A_454 = arith.constant 0 : index
    %get3A_455 = arith.constant 0 : index
    %get3A_456 = arith.constant 0 : index
    %get3A_457 = vector.load %arg6[%get3A_454, %get3A_455, %get3A_456] : memref<1x2048x16xf32, #tpu.memory_space<vmem>>, vector<1x2048x16xf32>
    %get3A_458 = vector.shape_cast %get3A_457 : vector<1x2048x16xf32> to vector<2048x16xf32>
    %convert_element_type3A_459 = arith.truncf %get3A_458 : vector<2048x16xf32> to vector<2048x16xbf16>
    %dot_general3A = arith.constant dense<0.000000e+00> : vector<1024x16xf32>
    %dot_general3A_460 = tpu.matmul %convert_element_type3A_447, %convert_element_type3A_453, %dot_general3A {dimension_numbers = #tpu.dot_dimension_numbers<[1], [0], [0], [1], [0, 0, 1, 1], [], []>, transpose_lhs_hint = false} : vector<1024x2048xbf16>, vector<2048x16xbf16>, vector<1024x16xf32> -> vector<1024x16xf32>
    %dot_general3A_461 = arith.constant dense<0.000000e+00> : vector<1024x16xf32>
    %dot_general3A_462 = tpu.matmul %convert_element_type3A_447, %convert_element_type3A_459, %dot_general3A_461 {dimension_numbers = #tpu.dot_dimension_numbers<[1], [0], [0], [1], [0, 0, 1, 1], [], []>, transpose_lhs_hint = false} : vector<1024x2048xbf16>, vector<2048x16xbf16>, vector<1024x16xf32> -> vector<1024x16xf32>
    %add3A_463 = arith.addf %dot_general3A_460, %dot_general3A_462 : vector<1024x16xf32>
    %mul3A_464 = arith.constant 6.250000e-02 : f32
    %mul3A_465 = vector.broadcast %mul3A_464 : f32 to vector<1024x16xf32>
    %mul3A_466 = arith.mulf %add3A_463, %mul3A_465 : vector<1024x16xf32>
    %get3A_467 = arith.constant 0 : index
    %get3A_468 = arith.constant 0 : index
    %get3A_469 = vector.load %arg7[%get3A_467, %get3A_468] : memref<16x64xf32, #tpu.memory_space<vmem>>, vector<16x64xf32>
    %dot_general3A_470 = arith.constant dense<0.000000e+00> : vector<1024x64xf32>
    %dot_general3A_471 = tpu.matmul %slice3A, %get3A_469, %dot_general3A_470 {dimension_numbers = #tpu.dot_dimension_numbers<[1], [0], [0], [1], [0, 0, 1, 1], [], []>, precision = #tpu.contract_precision<fp32>, transpose_lhs_hint = false} : vector<1024x16xf32>, vector<16x64xf32>, vector<1024x64xf32> -> vector<1024x64xf32>
    %get3A_472 = arith.constant 0 : index
    %get3A_473 = arith.constant 0 : index
    %get3A_474 = vector.load %arg8[%get3A_472, %get3A_473] : memref<16x64xf32, #tpu.memory_space<vmem>>, vector<16x64xf32>
    %dot_general3A_475 = arith.constant dense<0.000000e+00> : vector<1024x64xf32>
    %dot_general3A_476 = tpu.matmul %mul3A_466, %get3A_474, %dot_general3A_475 {dimension_numbers = #tpu.dot_dimension_numbers<[1], [0], [0], [1], [0, 0, 1, 1], [], []>, precision = #tpu.contract_precision<fp32>, transpose_lhs_hint = false} : vector<1024x16xf32>, vector<16x64xf32>, vector<1024x64xf32> -> vector<1024x64xf32>
    %add3A_477 = arith.addf %dot_general3A_471, %dot_general3A_476 : vector<1024x64xf32>
    %get3A_478 = arith.constant 0 : index
    %get3A_479 = arith.constant 0 : index
    %get3A_480 = vector.load %arg9[%get3A_478, %get3A_479] : memref<1x64xf32, #tpu.memory_space<vmem>>, vector<1x64xf32>
    %add3A_481 = vector.broadcast %get3A_480 : vector<1x64xf32> to vector<1024x64xf32>
    %add3A_482 = arith.addf %add3A_477, %add3A_481 : vector<1024x64xf32>
    %concatenate3A = tpu.concatenate %add3A_482, %slice3A in 1 : vector<1024x64xf32>, vector<1024x16xf32> -> vector<1024x80xf32>
    %ge3A = arith.constant 0.000000e+00 : f32
    %ge3A_483 = vector.broadcast %ge3A : f32 to vector<1024x80xf32>
    %ge3A_484 = arith.cmpf oge, %concatenate3A, %ge3A_483 : vector<1024x80xf32>
    %mul3A_485 = arith.constant 2.000000e-01 : f32
    %mul3A_486 = vector.broadcast %mul3A_485 : f32 to vector<1024x80xf32>
    %mul3A_487 = arith.mulf %mul3A_486, %concatenate3A : vector<1024x80xf32>
    %select_n3A_488 = arith.select %ge3A_484, %concatenate3A, %mul3A_487 : vector<1024x80xi1>, vector<1024x80xf32>
    %broadcast_in_dim3A_489 = arith.constant 1.000000e+00 : f32
    %broadcast_in_dim3A_490 = vector.broadcast %broadcast_in_dim3A_489 : f32 to vector<1024x1xf32>
    %concatenate3A_491 = tpu.concatenate %select_n3A_488, %broadcast_in_dim3A_490 in 1 : vector<1024x80xf32>, vector<1024x1xf32> -> vector<1024x81xf32>
    %swap3A_492 = arith.constant 0 : index
    %swap3A_493 = arith.constant 0 : index
    %swap3A_494 = arith.constant 0 : index
    %swap3A_495 = vector.load %arg10[%swap3A_492, %swap3A_493, %swap3A_494] : memref<1x1024x81xf32, #tpu.memory_space<vmem>>, vector<1x1024x81xf32>
    %swap3A_496 = vector.shape_cast %swap3A_495 : vector<1x1024x81xf32> to vector<1024x81xf32>
    %swap3A_497 = vector.shape_cast %concatenate3A_491 : vector<1024x81xf32> to vector<1x1024x81xf32>
    tpu.vector_store %arg10[%swap3A_492, %swap3A_493, %swap3A_494], %swap3A_497 {strides = array<i32>} : memref<1x1024x81xf32, #tpu.memory_space<vmem>>, vector<1x1024x81xf32>,
    return
  }
  func.func @transform_0(%arg0: i32, %arg1: i32) -> (i32, i32, i32) {
    %c0_i32 = arith.constant 0 : i32
    %c0_i32_0 = arith.constant 0 : i32
    return %arg0, %arg1, %c0_i32 : i32, i32, i32
  }
  func.func @transform_1(%arg0: i32, %arg1: i32) -> (i32, i32, i32) {
    %c0_i32 = arith.constant 0 : i32
    %c0_i32_0 = arith.constant 0 : i32
    %c0_i32_1 = arith.constant 0 : i32
    return %arg0, %c0_i32, %c0_i32_0 : i32, i32, i32
  }
  func.func @transform_2(%arg0: i32, %arg1: i32) -> (i32, i32, i32) {
    %c0_i32 = arith.constant 0 : i32
    %c0_i32_0 = arith.constant 0 : i32
    return %arg0, %arg1, %c0_i32 : i32, i32, i32
  }
  func.func @transform_3(%arg0: i32, %arg1: i32) -> (i32, i32, i32) {
    %c0_i32 = arith.constant 0 : i32
    %c0_i32_0 = arith.constant 0 : i32
    %c0_i32_1 = arith.constant 0 : i32
    return %arg0, %c0_i32, %c0_i32_0 : i32, i32, i32
  }
  func.func @transform_4(%arg0: i32, %arg1: i32) -> (i32, i32, i32) {
    %c0_i32 = arith.constant 0 : i32
    %c0_i32_0 = arith.constant 0 : i32
    %c0_i32_1 = arith.constant 0 : i32
    return %arg0, %c0_i32, %c0_i32_0 : i32, i32, i32
  }
  func.func @transform_5(%arg0: i32, %arg1: i32) -> (i32, i32) {
    %c0_i32 = arith.constant 0 : i32
    %c0_i32_0 = arith.constant 0 : i32
    %c0_i32_1 = arith.constant 0 : i32
    return %c0_i32, %c0_i32_0 : i32, i32
  }
  func.func @transform_6(%arg0: i32, %arg1: i32) -> (i32, i32) {
    %c0_i32 = arith.constant 0 : i32
    %c0_i32_0 = arith.constant 0 : i32
    %c0_i32_1 = arith.constant 0 : i32
    return %c0_i32, %c0_i32_0 : i32, i32
  }
  func.func @transform_7(%arg0: i32, %arg1: i32) -> (i32, i32) {
    %c0_i32 = arith.constant 0 : i32
    %c0_i32_0 = arith.constant 0 : i32
    %c0_i32_1 = arith.constant 0 : i32
    return %c0_i32, %c0_i32_0 : i32, i32
  }
  func.func @transform_8(%arg0: i32, %arg1: i32) -> (i32, i32, i32) {
    %c0_i32 = arith.constant 0 : i32
    %c0_i32_0 = arith.constant 0 : i32
    return %arg0, %arg1, %c0_i32 : i32, i32, i32
  }
}

module attributes {stable_mosaic.version = 14 : i64} {
  func.func @_post_body(%arg0: i32, %arg1: i32, %arg2: memref<1x256x17xf32, #tpu.memory_space<vmem>>, %arg3: memref<1x256x16xf32, #tpu.memory_space<vmem>>, %arg4: memref<16x64xf32, #tpu.memory_space<vmem>>, %arg5: memref<16x64xf32, #tpu.memory_space<vmem>>, %arg6: memref<1x64xf32, #tpu.memory_space<vmem>>, %arg7: memref<1x256x81xf32, #tpu.memory_space<vmem>>) attributes {dimension_semantics = [#tpu.dimension_semantics<arbitrary>, #tpu.dimension_semantics<arbitrary>], iteration_bounds = array<i64: 1, 8>, scalar_prefetch = 0 : i64, scratch_operands = 0 : i64, tpu.core_type = #tpu.core_type<tc>, window_params = [{transform_indices = @transform_0, window_bounds = array<i64: 1, 256, 17>}, {transform_indices = @transform_1, window_bounds = array<i64: 1, 256, 16>}, {pipeline_mode = #tpu.pipeline_mode<synchronous>, transform_indices = @transform_2, window_bounds = array<i64: 16, 64>}, {pipeline_mode = #tpu.pipeline_mode<synchronous>, transform_indices = @transform_3, window_bounds = array<i64: 16, 64>}, {pipeline_mode = #tpu.pipeline_mode<synchronous>, transform_indices = @transform_4, window_bounds = array<i64: 1, 64>}, {transform_indices = @transform_5, window_bounds = array<i64: 1, 256, 81>}]} {
    %get3A = arith.constant 0 : index
    %get3A_0 = arith.constant 0 : index
    %get3A_1 = arith.constant 0 : index
    %get3A_2 = vector.load %arg2[%get3A, %get3A_0, %get3A_1] : memref<1x256x17xf32, #tpu.memory_space<vmem>>, vector<1x256x17xf32>
    %get3A_3 = vector.shape_cast %get3A_2 : vector<1x256x17xf32> to vector<256x17xf32>
    %slice3A = vector.extract_strided_slice %get3A_3 {offsets = [0, 0], sizes = [256, 16], strides = [1, 1]} : vector<256x17xf32> to vector<256x16xf32>
    %get3A_4 = arith.constant 0 : index
    %get3A_5 = arith.constant 0 : index
    %get3A_6 = vector.load %arg4[%get3A_4, %get3A_5] : memref<16x64xf32, #tpu.memory_space<vmem>>, vector<16x64xf32>
    %dot_general3A = arith.constant dense<0.000000e+00> : vector<256x64xf32>
    %dot_general3A_7 = tpu.matmul %slice3A, %get3A_6, %dot_general3A {dimension_numbers = #tpu.dot_dimension_numbers<[1], [0], [0], [1], [0, 0, 1, 1], [], []>, precision = #tpu.contract_precision<fp32>, transpose_lhs_hint = false} : vector<256x16xf32>, vector<16x64xf32>, vector<256x64xf32> -> vector<256x64xf32>
    %get3A_8 = arith.constant 0 : index
    %get3A_9 = arith.constant 0 : index
    %get3A_10 = arith.constant 0 : index
    %get3A_11 = vector.load %arg3[%get3A_8, %get3A_9, %get3A_10] : memref<1x256x16xf32, #tpu.memory_space<vmem>>, vector<1x256x16xf32>
    %get3A_12 = vector.shape_cast %get3A_11 : vector<1x256x16xf32> to vector<256x16xf32>
    %get3A_13 = arith.constant 0 : index
    %get3A_14 = arith.constant 0 : index
    %get3A_15 = vector.load %arg5[%get3A_13, %get3A_14] : memref<16x64xf32, #tpu.memory_space<vmem>>, vector<16x64xf32>
    %dot_general3A_16 = arith.constant dense<0.000000e+00> : vector<256x64xf32>
    %dot_general3A_17 = tpu.matmul %get3A_12, %get3A_15, %dot_general3A_16 {dimension_numbers = #tpu.dot_dimension_numbers<[1], [0], [0], [1], [0, 0, 1, 1], [], []>, precision = #tpu.contract_precision<fp32>, transpose_lhs_hint = false} : vector<256x16xf32>, vector<16x64xf32>, vector<256x64xf32> -> vector<256x64xf32>
    %add3A = arith.addf %dot_general3A_7, %dot_general3A_17 : vector<256x64xf32>
    %get3A_18 = arith.constant 0 : index
    %get3A_19 = arith.constant 0 : index
    %get3A_20 = vector.load %arg6[%get3A_18, %get3A_19] : memref<1x64xf32, #tpu.memory_space<vmem>>, vector<1x64xf32>
    %add3A_21 = vector.broadcast %get3A_20 : vector<1x64xf32> to vector<256x64xf32>
    %add3A_22 = arith.addf %add3A, %add3A_21 : vector<256x64xf32>
    %concatenate3A = tpu.concatenate %add3A_22, %slice3A in 1 : vector<256x64xf32>, vector<256x16xf32> -> vector<256x80xf32>
    %ge3A = arith.constant 0.000000e+00 : f32
    %ge3A_23 = vector.broadcast %ge3A : f32 to vector<256x80xf32>
    %ge3A_24 = arith.cmpf oge, %concatenate3A, %ge3A_23 : vector<256x80xf32>
    %mul3A = arith.constant 2.000000e-01 : f32
    %mul3A_25 = vector.broadcast %mul3A : f32 to vector<256x80xf32>
    %mul3A_26 = arith.mulf %mul3A_25, %concatenate3A : vector<256x80xf32>
    %select_n3A = arith.select %ge3A_24, %concatenate3A, %mul3A_26 : vector<256x80xi1>, vector<256x80xf32>
    %broadcast_in_dim3A = arith.constant 1.000000e+00 : f32
    %broadcast_in_dim3A_27 = vector.broadcast %broadcast_in_dim3A : f32 to vector<256x1xf32>
    %concatenate3A_28 = tpu.concatenate %select_n3A, %broadcast_in_dim3A_27 in 1 : vector<256x80xf32>, vector<256x1xf32> -> vector<256x81xf32>
    %swap3A = arith.constant 0 : index
    %swap3A_29 = arith.constant 0 : index
    %swap3A_30 = arith.constant 0 : index
    %swap3A_31 = vector.load %arg7[%swap3A, %swap3A_29, %swap3A_30] : memref<1x256x81xf32, #tpu.memory_space<vmem>>, vector<1x256x81xf32>
    %swap3A_32 = vector.shape_cast %swap3A_31 : vector<1x256x81xf32> to vector<256x81xf32>
    %swap3A_33 = vector.shape_cast %concatenate3A_28 : vector<256x81xf32> to vector<1x256x81xf32>
    tpu.vector_store %arg7[%swap3A, %swap3A_29, %swap3A_30], %swap3A_33 {strides = array<i32>} : memref<1x256x81xf32, #tpu.memory_space<vmem>>, vector<1x256x81xf32>,
    return
  }
  func.func @transform_0(%arg0: i32, %arg1: i32) -> (i32, i32, i32) {
    %c0_i32 = arith.constant 0 : i32
    %c0_i32_0 = arith.constant 0 : i32
    return %arg0, %arg1, %c0_i32 : i32, i32, i32
  }
  func.func @transform_1(%arg0: i32, %arg1: i32) -> (i32, i32, i32) {
    %c0_i32 = arith.constant 0 : i32
    %c0_i32_0 = arith.constant 0 : i32
    return %arg0, %arg1, %c0_i32 : i32, i32, i32
  }
  func.func @transform_2(%arg0: i32, %arg1: i32) -> (i32, i32) {
    %c0_i32 = arith.constant 0 : i32
    %c0_i32_0 = arith.constant 0 : i32
    %c0_i32_1 = arith.constant 0 : i32
    return %c0_i32, %c0_i32_0 : i32, i32
  }
  func.func @transform_3(%arg0: i32, %arg1: i32) -> (i32, i32) {
    %c0_i32 = arith.constant 0 : i32
    %c0_i32_0 = arith.constant 0 : i32
    %c0_i32_1 = arith.constant 0 : i32
    return %c0_i32, %c0_i32_0 : i32, i32
  }
  func.func @transform_4(%arg0: i32, %arg1: i32) -> (i32, i32) {
    %c0_i32 = arith.constant 0 : i32
    %c0_i32_0 = arith.constant 0 : i32
    %c0_i32_1 = arith.constant 0 : i32
    return %c0_i32, %c0_i32_0 : i32, i32
  }
  func.func @transform_5(%arg0: i32, %arg1: i32) -> (i32, i32, i32) {
    %c0_i32 = arith.constant 0 : i32
    %c0_i32_0 = arith.constant 0 : i32
    return %arg0, %arg1, %c0_i32 : i32, i32, i32
  }
}

</mosaic_0001>

<sc_bundles>
// kernel: kernel.5.cloned.1.call-start
scs
__scs_entry_jumppad:
0x0: {  	(pc) =	sbr.rel $0x88, $3  }
0x1: {  	(tag) =	ssettag $0x0;
	lr =	simm.s32 $0x1  }
0x2: {  	[smem:$0x3F9E] =	sst lr;
	_ =	strace $0xD0000000  }
0x3: {  	_ = 	snop  }
0x4: {  	_ = 	snop  }
0x5: {  	_ = 	snop  }
0x6: {  	_ = 	snop  }
0x7: {  	_ = 	snop  }
__scs_overlays_trampoline_lowered:
0x8: {  	[smem:$0x3FAD] =	sst s0  }
0x9: {  	[smem:$0x3FAE] =	sst s1  }
0xa: {  	[smem:$0x3FAF] =	sst s2  }
0xb: {  	[smem:$0x3FB0] =	sst s3  }
0xc: {  	[smem:$0x3FB1] =	sst s4  }
0xd: {  	[smem:$0x3FB2] =	sst s5  }
0xe: {  	[smem:$0x3FB3] =	sst s6  }
0xf: {  	[smem:$0x3FB4] =	sst s7  }
0x10: {  	[smem:$0x3FB5] =	sst s8  }
0x11: {  	[smem:$0x3FB6] =	sst s9;
	s0 =	simm.s32 @!p0 $0x0  }
0x12: {  	s1 =	sld [smem:$0x3F9C];
	s0 =	simm.s32 @p0 $0x1  }
0x13: {  	[smem:$0x3FB7] =	sst s0;
	s0 =	simm.s32 @!p1 $0x0  }
0x14: {  	s2 =	sld [smem:$0x3F9B];
	s0 =	simm.s32 @p1 $0x1  }
0x15: {  	[smem:$0x3FB8] =	sst s0;
	s0 =	simm.s32 @!p2 $0x0  }
0x16: {  	s3 =	sld [smem:$0x3FDB];
	s0 =	simm.s32 @p2 $0x1  }
0x17: {  	s4 =	simm.s32 $0x1BF5;
	[smem:$0x3FBA] =	sst s0  }
0x18: {  	s0 =	sld [smem:$0x3F9D];
	_ =	swait.ge [sflag:s4], $0x0  }
0x19: {  	s7 =	sld [smem:$0x3F9E]  }
0x1a: {  	s8 =	sadd.s32 $0xFFFFE003, lr  }
0x1b: {  	s9 =	sadd.s32 $0xFFFFFEF7, lr;
	s5 =	simm.s32 $0xFFFFFFFF;
	p2 =	slt.u32 s8, $0xFFFFF086  }
0x1c: {  	p1 =	slt.u32 s9, $0xF7A;
	s5 =	simm.s32 @!p2 $0x0  }
0x1d: {  	s5 =	simm.s32 @p1 $0x1;
	p0 =	seq.s32 s7, s2  }
0x1e: {  	s7 =	smul.u32 @!p0 $0xF7A, s2;
	p2 =	seq.s32 @!p0 s5, $0x0  }
0x1f: {  	s9 =	smul.u32 $0xF7A, s1;
	s8 =	simm.s32 @!p0 $0x1BF5;
	p2 =	por !p2, p0  }
0x20: {  	[sflag:s8] =	ssyncset.s32 @!p0 $0xFFFFF086;
	s6 =	sadd.s32 @!p0 s3, s7;
	s7 =	simm.s32 @!p0 $0x108  }
0x21: {  	s3 =	sadd.s32 s3, s9;
	s6 =	sadd.s32 @!p0 $0x88, s6;
	s7 =	simm.s32 @p2 $0x1082  }
0x22: {  	[simem:s7], [sflag:s8] =	dma.local @!p0 [hbm:s6], $0xF7A  }
0x23: {  	s9 =	sor.u32 $0xD0000000, s2;
	s6 =	simm.s32 $0x108;
	_ =	swait.ge @!p0 [sflag:s8], $0x0  }
0x24: {  	s3 =	sadd.s32 $0x88, s3;
	s6 =	simm.s32 @!p1 $0x1082;
	[sflag:s4] =	ssyncset.s32 $0xFFFFF086  }
0x25: {  	[simem:s6], [sflag:s4] =	dma.local [hbm:s3], $0xF7A  }
0x26: {  	[smem:$0x3F9E] =	sst s1;
	(tag) =	ssettag s2;
	_ =	strace s9  }
0x27: {  	s1 =	sld [smem:$0x3FAE]  }
0x28: {  	s2 =	sld [smem:$0x3FAF]  }
0x29: {  	s4 =	sld [smem:$0x3FB1]  }
0x2a: {  	p0 =	seq.s32 s5, $0x0;
	s5 =	sld [smem:$0x3FB2]  }
0x2b: {  	s6 =	sld [smem:$0x3FB3]  }
0x2c: {  	s7 =	sld [smem:$0x3FB4]  }
0x2d: {  	s3 =	simm.s32 $0x108;
	s8 =	sld [smem:$0x3FB5]  }
0x2e: {  	s3 =	simm.s32 @!p0 $0x1082;
	s9 =	sld [smem:$0x3FB6]  }
0x2f: {  	lr =	sadd.s32 s0, s3;
	s0 =	sld [smem:$0x3FAD]  }
0x30: {  	s3 =	sld [smem:$0x3FB0]  }
0x31: {  	[smem:$0x3FB9] =	sst s10  }
0x32: {  	s10 =	sld [smem:$0x3FB7];
	_ =	sdelay $0x3  }
0x33: {  	p0 =	seq.s32 s10, $0x1;
	s10 =	sld [smem:$0x3FB9];
	_ =	sdelay $0x3  }
0x34: {  	[smem:$0x3FB9] =	sst s10  }
0x35: {  	s10 =	sld [smem:$0x3FB8];
	_ =	sdelay $0x3  }
0x36: {  	p1 =	seq.s32 s10, $0x1;
	s10 =	sld [smem:$0x3FB9];
	_ =	sdelay $0x3  }
0x37: {  	[smem:$0x3FB9] =	sst s10  }
0x38: {  	s10 =	sld [smem:$0x3FBA]  }
0x39: {  	_ = 	snop;
	(pc) =	sbr.ind lr, $3  }
0x3a: {  	_ = 	snop  }
0x3b: {  	_ = 	snop  }
0x3c: {  	p2 =	seq.s32 s10, $0x1;
	s10 =	sld [smem:$0x3FB9]  }
0x3d: {  	_ =	shalt  }
0x3e: {  	_ =	shalt  }
0x3f: {  	_ =	shalt  }
0x40: {  	_ =	shalt  }
0x41: {  	_ =	shalt  }
0x42: {  	_ =	shalt  }
0x43: {  	_ =	shalt  }
0x44: {  	_ =	shalt  }
0x45: {  	_ =	shalt  }
0x46: {  	_ =	shalt  }
0x47: {  	_ =	shalt  }
0x48: {  	_ =	shalt  }
0x49: {  	_ =	shalt  }
0x4a: {  	_ =	shalt  }
0x4b: {  	_ =	shalt  }
0x4c: {  	_ =	shalt  }
0x4d: {  	_ =	shalt  }
0x4e: {  	_ =	shalt  }
0x4f: {  	_ =	shalt  }
0x50: {  	_ =	shalt  }
0x51: {  	_ =	shalt  }
0x52: {  	_ =	shalt  }
0x53: {  	_ =	shalt  }
0x54: {  	_ =	shalt  }
0x55: {  	_ =	shalt  }
0x56: {  	_ =	shalt  }
0x57: {  	_ =	shalt  }
0x58: {  	_ =	shalt  }
0x59: {  	_ =	shalt  }
0x5a: {  	_ =	shalt  }
0x5b: {  	_ =	shalt  }
0x5c: {  	_ =	shalt  }
0x5d: {  	_ =	shalt  }
0x5e: {  	_ =	shalt  }
0x5f: {  	_ =	shalt  }
0x60: {  	_ =	shalt  }
0x61: {  	_ =	shalt  }
0x62: {  	_ =	shalt  }
0x63: {  	_ =	shalt  }
0x64: {  	_ =	shalt  }
0x65: {  	_ =	shalt  }
0x66: {  	_ =	shalt  }
0x67: {  	_ =	shalt  }
0x68: {  	_ =	shalt  }
0x69: {  	_ =	shalt  }
0x6a: {  	_ =	shalt  }
0x6b: {  	_ =	shalt  }
0x6c: {  	_ =	shalt  }
0x6d: {  	_ =	shalt  }
0x6e: {  	_ =	shalt  }
0x6f: {  	_ =	shalt  }
0x70: {  	_ =	shalt  }
0x71: {  	_ =	shalt  }
0x72: {  	_ =	shalt  }
0x73: {  	_ =	shalt  }
0x74: {  	_ =	shalt  }
0x75: {  	_ =	shalt  }
0x76: {  	_ =	shalt  }
0x77: {  	_ =	shalt  }
0x78: {  	_ =	shalt  }
0x79: {  	_ =	shalt  }
0x7a: {  	_ =	shalt  }
0x7b: {  	_ =	shalt  }
0x7c: {  	_ =	shalt  }
0x7d: {  	_ =	shalt  }
0x7e: {  	_ =	shalt  }
0x7f: {  	_ =	shalt  }
0x80: {  	_ =	shalt  }
0x81: {  	_ =	shalt  }
0x82: {  	_ =	shalt  }
0x83: {  	_ =	shalt  }
0x84: {  	_ =	shalt  }
0x85: {  	_ =	shalt  }
0x86: {  	_ =	shalt  }
0x87: {  	_ =	shalt  }
.Lfunc_end0:
.L_simem_size_0:
called_computation_lowered:
.L_overlay_start_0:
0x88: {  	s2 =	sld [smem:$0x3FD9]  }
0x89: {  	s3 =	sld [smem:$0x3FFE];
	_ =	sdelay $0x1  }
0x8a: {  	s1 =	srdreg.scid  }
0x8b: {  	s0 =	sand.u32 $0x1, s1  }
0x8c: {  	s16 =	sshll.u32 s0, $0xA;
	s2 =	sadd.s32 s3, s2  }
0x8d: {  	s2 =	sadd.s32 s2, s16  }
0x8e: {  	[smem:$0x3FC5] =	sst s2  }
0x8f: {  	_ = 	snop  }
0x90: {  	(tm) =	ssettm $0x1  }
0x91: {  	s17 =	sld [smem:$0x3FFB];
	_ =	sdelay $0x3  }
0x92: {  	_ =	strace s17  }
0x93: {  	s2 =	sld [smem:$0x3FFC];
	_ =	sdelay $0x3  }
0x94: {  	_ =	strace s2  }
0x95: {  	s2 =	sld [smem:$0x3FFD];
	_ =	sdelay $0x3  }
0x96: {  	_ =	strace s2  }
0x97: {  	_ =	strace $0x8FFFFFFF  }
0x98: {  	s18 =	sld [smem:$0x3FDB];
	_ =	sdelay $0x1  }
0x99: {  	s19 =	simm.s32 $_scs_section_size  }
0x9a: {  	s4 =	simm.s32 $_size__tile_overlayer_lowered;
	s5 =	simm.s32 $_tile_overlayer_lowered  }
0x9b: {  	s22 =	simm.s32 $0x1BFF;
	s21 =	sshll.u32 s5, $0x1;
	s2 =	sadd.s32 s19, s18  }
0x9c: {  	s6 =	simm.s32 $0x0;
	s20 =	sshll.u32 s4, $0x1;
	s4 =	sadd.s32 s21, s2  }
0x9d: {  	[timem:s6], [sflag:s22] =	dma.local [hbm:s4], s20  }
0x9e: {  	_ =	swait.ge [sflag:s22], s20  }
0x9f: {  	s3 =	ssub.s32 $0x0, s20;
	[sflag:s22] =	ssyncset.done $0x0  }
0xa0: {  	[sflag:s22] =	ssyncadd.s32 s3;
	_ =	sdelay $0x1  }
0xa1: {  	s23 =	simm.s32 $0x1B8B  }
0xa2: {  	_ =	swait.ge [sflag:s23], $0x1  }
0xa3: {  	[sflag:s23] =	ssyncset.done $0x0  }
0xa4: {  	s25 =	simm.s32 $0x1B8E;
	s24 =	sld [smem:$0x3FFE];
	[sflag:s23] =	ssyncadd.s32 $0xFFFFFFFF  }
0xa5: {  	s26 =	simm.s32 $execute0_lowered;
	[smem:$0x3FD2] =	sst s25  }
0xa6: {  	s4 =	sshll.u32 s26, $0x1;
	_ =	strace $0x80000046;
	[dreg:$0x1] =	wrdreg $0xFFFFFFFF  }
0xa7: {  	s28 =	simm.s32 $_size_execute0_lowered;
	s2 =	sadd.s32 s2, s4;
	[dreg:$0x0] =	wrdreg $0x0  }
0xa8: {  	s4 =	sshll.u32 s28, $0x1;
	[dreg:$0x2] =	wrdreg s2  }
0xa9: {  	[dreg:$0x3] =	wrdreg s4  }
0xaa: {  	[dreg:$0x4] =	wrdreg $0xC0  }
0xab: {  	_ =	task [dreg:s6], $0x5FFFF  }
0xac: {  	[dreg:$0x1] =	wrdreg $0xFFFFFFFF  }
0xad: {  	[dreg:$0x0] =	wrdreg $0x60  }
0xae: {  	[dreg:$0x2] =	wrdreg s24  }
0xaf: {  	[dreg:$0x3] =	wrdreg $0x9  }
0xb0: {  	_ =	task.clear_ibuf [dreg:s6], $0x4FFFF;
	_ =	strace $0x90000046  }
0xb1: {  	s29 =	simm.s32 $0x9;
	_ =	strace $0x80000048  }
0xb2: {  	_ =	swait.ge [sflag:s29], $0x1  }
0xb3: {  	[sflag:s29] =	ssyncadd.s32 $0xFFFFFFFF  }
0xb4: {  	_ =	strace $0x90000048  }
0xb5: {  	_ =	sfence  }
0xb6: {  	s30 =	sld [smem:$0x0];
	_ =	sdelay $0x2  }
0xb7: {  	s31 =	sshll.u32 s1, $0xD;
	s1 =	sshrl.u32 s1, $0x2  }
0xb8: {  	s3 =	sand.u32 $0x4000, s31;
	s1 =	sadd.s32 s1, s30  }
0xb9: {  	s0 =	sor.u32 s3, s0;
	s1 =	sshll.u32 s1, $0x11  }
0xba: {  	s0 =	sor.u32 s1, s0  }
0xbb: {  	s0 =	sadd.s32 $0x8F2B, s0  }
0xbc: {  	[sflag:s0] =	ssyncadd.remote.s32 $0x1  }
0xbd: {  	_ =	sfence.sel $0xFFFF  }
0xbe: {  	[dreg:$0x0] =	wrdreg $0xFFFFFFFF;
	(pc) =	sbr.abs _section_cstart, $3  }
0xbf: {  	[dreg:$0x1] =	wrdreg $0xFFFFFFFF  }
0xc0: {  	_ =	task.clear_ibuf [dreg:s6], $0x2FFFF;
	_ =	strace $0x9FFFFFFF  }
0xc1: {  	(tm) =	ssettm $0x7FFFFFFF  }
tec
execute0_lowered:
.L_overlay_start_1:
0x0: {  	(tag) =	ssettag $0x1  }
0x1: {  	s7 =	rddreg [dreg:$0x0]  }
0x2: {  	s0 =	rddreg [dreg:$0x1];
	s1 =	simm.s32 $0x0;
	s4 =	srdreg.scid  }
0x3: {  	s2 =	stileid.u32;
	s12 =	simm.s32 $0x1800;
	s13 =	simm.s32 $0x9800  }
0x4: {  	[smem:$0x7FF] =	sst s1;
	s3 =	sadd.s32 $0x1000, s7;
	s8 =	sand.u32 $0x1, s4  }
0x5: {  	s4 =	sadd.s32 $0xE00, s7;
	s9 =	sshll.u32 s2, $0x8;
	s5 =	sadd.s32 $0xC00, s7  }
0x6: {  	s6 =	sadd.s32 $0x1200, s7;
	s11 =	sshll.u32 s2, $0x9;
	_ =	strace $0x80000047  }
0x7: {  	s10 =	sshll.u32 s8, $0x7;
	s30 =	ssub.s32 $0x2, s8;
	s8 =	sshll.u32 s8, $0x8  }
.Ltmp0:
0x8: {  	s9 =	sor.u32 s10, s9;
	s31 =	sshrl.u32 s30, $0x1;
	(pc) =	sbr.rel .LBB2_1-.Ltmp0, $4  }
0x9: {  	s8 =	sor.u32 s8, s11;
	s10 =	simm.s32 $0x800;
	s11 =	simm.s32 $0x1000  }
0xa: {  	s7 =	sadd.s32 s9, s7;
	s9 =	ssub.s32 s30, s31;
	s14 =	sshrl.u32 s8, $0x2  }
0xb: {  	v0 =	vlaneseq.u32;
	s7 =	sadd.s32 $0x2200, s7;
	s15 =	sor.u32 $0x800, s14;
	s16 =	sor.u32 $0x1000, s14  }
0xc: {  	s8 =	smax.u32 s9, $0x1;
	s9 =	simm.s32 $0x1;
	v1 =	vmov s14;
	s14 =	simm.s32 $0x0;
	v2 =	vmov s15;
	v3 =	vmov s16  }
.LBB2_9:
0xd: {  	s14 =	sadd.s32 $0x1, s14  }
0xe: {  	p0 =	sne.s32 s14, s8  }
.Ltmp1:
0xf: {  	_ = 	snop;
	(pc) =	sbr.rel @!p0 .LBB2_10-.Ltmp1, $4  }
0x10: {  	[hbm4b:s7+s1] =	stream.linear.scatter [tilespmem:s13], [sflag:$0x1], $0x400, $0x38;
	[tilespmem:$0x9C00] =	vst v63  }
0x11: {  	_ =	swait.ge [sflag:s9], $0x400  }
0x12: {  	[sflag:s9] =	ssyncset.done $0x0  }
0x13: {  	[sflag:s9] =	ssyncadd.s32 $0xFFFFFC00  }
.LBB2_1:
0x14: {  	[tilespmem:s1], [sflag:$0x1] =	stream.linear.gather [hbm4b:s3+s1], $0x800, $0x38;
	[tilespmem:$0x9C00] =	vst v63  }
0x15: {  	_ =	swait.ge [sflag:s9], $0x800  }
0x16: {  	[sflag:s9] =	ssyncset.done $0x0  }
0x17: {  	[sflag:s9] =	ssyncadd.s32 $0xFFFFF800  }
0x18: {  	[tilespmem:s10], [sflag:$0x1] =	stream.linear.gather [hbm4b:s4+s1], $0x800, $0x38;
	[tilespmem:$0x9C00] =	vst v63  }
0x19: {  	_ =	swait.ge [sflag:s9], $0x800  }
0x1a: {  	[sflag:s9] =	ssyncset.done $0x0  }
0x1b: {  	[sflag:s9] =	ssyncadd.s32 $0xFFFFF800  }
0x1c: {  	[tilespmem:s11], [sflag:$0x1] =	stream.linear.gather [hbm4b:s5+s1], $0x800, $0x38;
	[tilespmem:$0x9C00] =	vst v63  }
0x1d: {  	_ =	swait.ge [sflag:s9], $0x800  }
0x1e: {  	[sflag:s9] =	ssyncset.done $0x0  }
0x1f: {  	[sflag:s9] =	ssyncadd.s32 $0xFFFFF800  }
0x20: {  	[tilespmem:s12], [sflag:$0x1] =	stream.linear.gather [hbm4b:s6+s1], $0x8000, $0x38;
	[tilespmem:$0x9C00] =	vst v63  }
0x21: {  	_ =	swait.ge [sflag:s9], $0x8000  }
0x22: {  	[sflag:s9] =	ssyncset.done $0x0  }
0x23: {  	s16 =	simm.s32 $0x0;
	[sflag:s9] =	ssyncadd.s32 $0xFFFF8000  }
0x24: {  	v6 =	vld.idx.msk [tilespmem:v1+s16+$0x0 ss:$0x1], $0xffff  }
0x25: {  	v8 =	vld.idx.msk [tilespmem:v2+s16+$0x0 ss:$0x1], $0xffff  }
0x26: {  	v7 =	vld.idx.msk [tilespmem:v3+s16+$0x0 ss:$0x1], $0xffff;
	_ =	sdelay $0x2  }
0x27: {  	(v2sf) =	vpush v6, $0x0  }
0x28: {  	(v2sf) =	vpush v8, $0x0  }
0x29: {  	(v2sf) =	vpush v7, $0x0  }
0x2a: {  	(v2sf) =	vpush v6, $0x1  }
0x2b: {  	(v2sf) =	vpush v8, $0x1  }
0x2c: {  	(v2sf) =	vpush v7, $0x1  }
0x2d: {  	(v2sf) =	vpush v6, $0x2  }
0x2e: {  	(v2sf) =	vpush v8, $0x2  }
0x2f: {  	(v2sf) =	vpush v7, $0x2  }
0x30: {  	(v2sf) =	vpush v6, $0x3  }
0x31: {  	(v2sf) =	vpush v8, $0x3  }
0x32: {  	(v2sf) =	vpush v7, $0x3  }
0x33: {  	(v2sf) =	vpush v6, $0x4  }
0x34: {  	(v2sf) =	vpush v8, $0x4  }
0x35: {  	(v2sf) =	vpush v7, $0x4  }
0x36: {  	s15 =	simm.s32 $0x80;
	s17 =	simm.s32 $0x9;
	s18 =	spop (v2sf);
	(v2sf) =	vpush v6, $0x5  }
0x37: {  	s25 =	simm.s32 $0x80;
	[smem:s16] =	sst s18;
	s26 =	spop (v2sf);
	(v2sf) =	vpush v8, $0x5  }
0x38: {  	s28 =	simm.s32 $0x100;
	[smem:s25] =	sst s26;
	s29 =	spop (v2sf);
	(v2sf) =	vpush v7, $0x5  }
0x39: {  	s30 =	simm.s32 $0x1;
	[smem:s28] =	sst s29;
	s31 =	spop (v2sf);
	(v2sf) =	vpush v6, $0x6  }
0x3a: {  	s19 =	simm.s32 $0x81;
	[smem:s30] =	sst s31;
	s20 =	spop (v2sf);
	(v2sf) =	vpush v8, $0x6  }
0x3b: {  	s21 =	simm.s32 $0x101;
	[smem:s19] =	sst s20;
	s22 =	spop (v2sf);
	(v2sf) =	vpush v7, $0x6  }
0x3c: {  	s23 =	simm.s32 $0x2;
	[smem:s21] =	sst s22;
	s24 =	spop (v2sf);
	(v2sf) =	vpush v6, $0x7  }
0x3d: {  	s25 =	simm.s32 $0x82;
	[smem:s23] =	sst s24;
	s26 =	spop (v2sf);
	(v2sf) =	vpush v8, $0x7  }
0x3e: {  	s28 =	simm.s32 $0x102;
	[smem:s25] =	sst s26;
	s29 =	spop (v2sf);
	(v2sf) =	vpush v7, $0x7  }
0x3f: {  	s30 =	simm.s32 $0x3;
	[smem:s28] =	sst s29;
	s31 =	spop (v2sf);
	(v2sf) =	vpush v6, $0x8  }
0x40: {  	s19 =	simm.s32 $0x83;
	[smem:s30] =	sst s31;
	s20 =	spop (v2sf);
	(v2sf) =	vpush v8, $0x8  }
0x41: {  	s21 =	simm.s32 $0x103;
	[smem:s19] =	sst s20;
	s22 =	spop (v2sf);
	(v2sf) =	vpush v7, $0x8  }
0x42: {  	s23 =	simm.s32 $0x4;
	[smem:s21] =	sst s22;
	s24 =	spop (v2sf);
	(v2sf) =	vpush v6, $0x9  }
0x43: {  	s25 =	simm.s32 $0x84;
	[smem:s23] =	sst s24;
	s26 =	spop (v2sf);
	(v2sf) =	vpush v8, $0x9  }
0x44: {  	s28 =	simm.s32 $0x104;
	[smem:s25] =	sst s26;
	s29 =	spop (v2sf);
	(v2sf) =	vpush v7, $0x9  }
0x45: {  	s30 =	simm.s32 $0x5;
	[smem:s28] =	sst s29;
	s31 =	spop (v2sf);
	(v2sf) =	vpush v6, $0xA  }
0x46: {  	s19 =	simm.s32 $0x85;
	[smem:s30] =	sst s31;
	s20 =	spop (v2sf);
	(v2sf) =	vpush v8, $0xA  }
0x47: {  	s21 =	simm.s32 $0x105;
	[smem:s19] =	sst s20;
	s22 =	spop (v2sf);
	(v2sf) =	vpush v7, $0xA  }
0x48: {  	s23 =	simm.s32 $0x6;
	[smem:s21] =	sst s22;
	s24 =	spop (v2sf);
	(v2sf) =	vpush v6, $0xB  }
0x49: {  	s25 =	simm.s32 $0x86;
	[smem:s23] =	sst s24;
	s26 =	spop (v2sf);
	(v2sf) =	vpush v8, $0xB  }
0x4a: {  	s28 =	simm.s32 $0x106;
	[smem:s25] =	sst s26;
	s29 =	spop (v2sf);
	(v2sf) =	vpush v7, $0xB  }
0x4b: {  	s30 =	simm.s32 $0x7;
	[smem:s28] =	sst s29;
	s31 =	spop (v2sf);
	(v2sf) =	vpush v6, $0xC  }
0x4c: {  	s19 =	simm.s32 $0x87;
	[smem:s30] =	sst s31;
	s20 =	spop (v2sf);
	(v2sf) =	vpush v8, $0xC  }
0x4d: {  	s21 =	simm.s32 $0x107;
	[smem:s19] =	sst s20;
	s22 =	spop (v2sf);
	(v2sf) =	vpush v7, $0xC  }
0x4e: {  	s23 =	simm.s32 $0x8;
	[smem:s21] =	sst s22;
	s24 =	spop (v2sf);
	(v2sf) =	vpush v6, $0xD  }
0x4f: {  	s25 =	simm.s32 $0x88;
	[smem:s23] =	sst s24;
	s26 =	spop (v2sf);
	(v2sf) =	vpush v8, $0xD  }
0x50: {  	s19 =	simm.s32 $0x108;
	[smem:s25] =	sst s26;
	s28 =	spop (v2sf);
	(v2sf) =	vpush v7, $0xD  }
0x51: {  	s16 =	simm.s32 $0x10;
	[smem:s19] =	sst s28;
	s29 =	spop (v2sf);
	(v2sf) =	vpush v6, $0xE  }
0x52: {  	s30 =	simm.s32 $0x89;
	[smem:s17] =	sst s29;
	s31 =	spop (v2sf);
	(v2sf) =	vpush v8, $0xE  }
0x53: {  	v4 =	vld.idx.msk [tilespmem:v1+s16+$0x0 ss:$0x1], $0xffff;
	s19 =	simm.s32 $0x109;
	[smem:s30] =	sst s31;
	s20 =	spop (v2sf);
	(v2sf) =	vpush v7, $0xE  }
0x54: {  	v5 =	vld.idx.msk [tilespmem:v2+s16+$0x0 ss:$0x1], $0xffff;
	s21 =	simm.s32 $0xA;
	[smem:s19] =	sst s20;
	s22 =	spop (v2sf);
	(v2sf) =	vpush v6, $0xF  }
0x55: {  	s23 =	simm.s32 $0x8A;
	v6 =	vld.idx.msk [tilespmem:v3+s16+$0x0 ss:$0x1], $0xffff;
	[smem:s21] =	sst s22;
	s24 =	spop (v2sf);
	(v2sf) =	vpush v8, $0xF  }
0x56: {  	s25 =	simm.s32 $0x10A;
	[smem:s23] =	sst s24;
	s26 =	spop (v2sf);
	(v2sf) =	vpush v7, $0xF  }
0x57: {  	s28 =	simm.s32 $0xB;
	[smem:s25] =	sst s26;
	s29 =	spop (v2sf)  }
0x58: {  	s30 =	simm.s32 $0x8B;
	(v2sf) =	vpush v4, $0x0;
	[smem:s28] =	sst s29;
	s31 =	spop (v2sf)  }
0x59: {  	s19 =	simm.s32 $0x10B;
	(v2sf) =	vpush v5, $0x0;
	[smem:s30] =	sst s31;
	s20 =	spop (v2sf)  }
0x5a: {  	s21 =	simm.s32 $0xC;
	(v2sf) =	vpush v6, $0x0;
	[smem:s19] =	sst s20;
	s22 =	spop (v2sf)  }
0x5b: {  	s23 =	simm.s32 $0x8C;
	(v2sf) =	vpush v4, $0x1;
	[smem:s21] =	sst s22;
	s24 =	spop (v2sf)  }
0x5c: {  	s25 =	simm.s32 $0x10C;
	(v2sf) =	vpush v5, $0x1;
	[smem:s23] =	sst s24;
	s26 =	spop (v2sf)  }
0x5d: {  	s28 =	simm.s32 $0xD;
	(v2sf) =	vpush v6, $0x1;
	[smem:s25] =	sst s26;
	s29 =	spop (v2sf)  }
0x5e: {  	s30 =	simm.s32 $0x8D;
	(v2sf) =	vpush v4, $0x2;
	[smem:s28] =	sst s29;
	s31 =	spop (v2sf)  }
0x5f: {  	s19 =	simm.s32 $0x10D;
	(v2sf) =	vpush v5, $0x2;
	[smem:s30] =	sst s31;
	s20 =	spop (v2sf)  }
0x60: {  	s21 =	simm.s32 $0xE;
	(v2sf) =	vpush v6, $0x2;
	[smem:s19] =	sst s20;
	s22 =	spop (v2sf)  }
0x61: {  	s23 =	simm.s32 $0x8E;
	(v2sf) =	vpush v4, $0x3;
	[smem:s21] =	sst s22;
	s24 =	spop (v2sf)  }
0x62: {  	s25 =	simm.s32 $0x10E;
	(v2sf) =	vpush v5, $0x3;
	[smem:s23] =	sst s24;
	s26 =	spop (v2sf)  }
0x63: {  	s28 =	simm.s32 $0xF;
	(v2sf) =	vpush v6, $0x3;
	[smem:s25] =	sst s26;
	s29 =	spop (v2sf)  }
0x64: {  	s30 =	simm.s32 $0x8F;
	(v2sf) =	vpush v4, $0x4;
	[smem:s28] =	sst s29;
	s31 =	spop (v2sf)  }
0x65: {  	s17 =	simm.s32 $0x10F;
	(v2sf) =	vpush v5, $0x4;
	[smem:s30] =	sst s31;
	s18 =	spop (v2sf)  }
.LBB2_2:
0x66: {  	p0 =	sne.s32 s15, $0xC0;
	[smem:s17] =	sst s18  }
0x67: {  	(v2sf) =	vpush v6, $0x4;
	s19 =	smov.u32 s15;
	s15 =	sadd.s32 $0x40, s15;
	s17 =	smov.u32 s16  }
0x68: {  	s18 =	sadd.s32 $0x9, s17;
	s16 =	spop (v2sf);
	(v2sf) =	vpush v4, $0x5  }
0x69: {  	[smem:s17] =	sst s16;
	s16 =	sadd.s32 $0x80, s17;
	s20 =	spop (v2sf);
	(v2sf) =	vpush v5, $0x5  }
0x6a: {  	[smem:s16] =	sst s20;
	s16 =	sadd.s32 $0x100, s17;
	s20 =	spop (v2sf);
	(v2sf) =	vpush v6, $0x5  }
0x6b: {  	[smem:s16] =	sst s20;
	s16 =	sadd.s32 $0x1, s17;
	s20 =	spop (v2sf);
	(v2sf) =	vpush v4, $0x6  }
0x6c: {  	[smem:s16] =	sst s20;
	s16 =	sadd.s32 $0x81, s17;
	s20 =	spop (v2sf);
	(v2sf) =	vpush v5, $0x6  }
0x6d: {  	[smem:s16] =	sst s20;
	s16 =	sadd.s32 $0x101, s17;
	s20 =	spop (v2sf);
	(v2sf) =	vpush v6, $0x6  }
0x6e: {  	[smem:s16] =	sst s20;
	s16 =	sadd.s32 $0x2, s17;
	s20 =	spop (v2sf);
	(v2sf) =	vpush v4, $0x7  }
0x6f: {  	[smem:s16] =	sst s20;
	s16 =	sadd.s32 $0x82, s17;
	s20 =	spop (v2sf);
	(v2sf) =	vpush v5, $0x7  }
0x70: {  	[smem:s16] =	sst s20;
	s16 =	sadd.s32 $0x102, s17;
	s20 =	spop (v2sf);
	(v2sf) =	vpush v6, $0x7  }
0x71: {  	[smem:s16] =	sst s20;
	s16 =	sadd.s32 $0x3, s17;
	s20 =	spop (v2sf);
	(v2sf) =	vpush v4, $0x8  }
0x72: {  	[smem:s16] =	sst s20;
	s16 =	sadd.s32 $0x83, s17;
	s20 =	spop (v2sf);
	(v2sf) =	vpush v5, $0x8  }
0x73: {  	[smem:s16] =	sst s20;
	s16 =	sadd.s32 $0x103, s17;
	s20 =	spop (v2sf);
	(v2sf) =	vpush v6, $0x8  }
0x74: {  	[smem:s16] =	sst s20;
	s16 =	sadd.s32 $0x4, s17;
	s20 =	spop (v2sf);
	(v2sf) =	vpush v4, $0x9  }
0x75: {  	[smem:s16] =	sst s20;
	s16 =	sadd.s32 $0x84, s17;
	s20 =	spop (v2sf);
	(v2sf) =	vpush v5, $0x9  }
0x76: {  	[smem:s16] =	sst s20;
	s16 =	sadd.s32 $0x104, s17;
	s20 =	spop (v2sf);
	(v2sf) =	vpush v6, $0x9  }
0x77: {  	[smem:s16] =	sst s20;
	s16 =	sadd.s32 $0x5, s17;
	s20 =	spop (v2sf);
	(v2sf) =	vpush v4, $0xA  }
0x78: {  	[smem:s16] =	sst s20;
	s16 =	sadd.s32 $0x85, s17;
	s20 =	spop (v2sf);
	(v2sf) =	vpush v5, $0xA  }
0x79: {  	[smem:s16] =	sst s20;
	s16 =	sadd.s32 $0x105, s17;
	s20 =	spop (v2sf);
	(v2sf) =	vpush v6, $0xA  }
0x7a: {  	[smem:s16] =	sst s20;
	s16 =	sadd.s32 $0x6, s17;
	s20 =	spop (v2sf);
	(v2sf) =	vpush v4, $0xB  }
0x7b: {  	[smem:s16] =	sst s20;
	s16 =	sadd.s32 $0x86, s17;
	s20 =	spop (v2sf);
	(v2sf) =	vpush v5, $0xB  }
0x7c: {  	[smem:s16] =	sst s20;
	s16 =	sadd.s32 $0x106, s17;
	s20 =	spop (v2sf);
	(v2sf) =	vpush v6, $0xB  }
0x7d: {  	[smem:s16] =	sst s20;
	s16 =	sadd.s32 $0x7, s17;
	s20 =	spop (v2sf);
	(v2sf) =	vpush v4, $0xC  }
0x7e: {  	[smem:s16] =	sst s20;
	s16 =	sadd.s32 $0x87, s17;
	s20 =	spop (v2sf);
	(v2sf) =	vpush v5, $0xC  }
0x7f: {  	[smem:s16] =	sst s20;
	s16 =	sadd.s32 $0x107, s17;
	s20 =	spop (v2sf);
	(v2sf) =	vpush v6, $0xC  }
0x80: {  	[smem:s16] =	sst s20;
	s16 =	sadd.s32 $0x8, s17;
	s20 =	spop (v2sf);
	(v2sf) =	vpush v4, $0xD  }
0x81: {  	[smem:s16] =	sst s20;
	s16 =	sadd.s32 $0x88, s17;
	s20 =	spop (v2sf);
	(v2sf) =	vpush v5, $0xD  }
0x82: {  	s21 =	sadd.s32 $0x108, s17;
	[smem:s16] =	sst s20;
	s20 =	spop (v2sf);
	(v2sf) =	vpush v6, $0xD  }
0x83: {  	s16 =	sshra.s32 s19, $0x2;
	[smem:s21] =	sst s20;
	s19 =	spop (v2sf);
	(v2sf) =	vpush v4, $0xE  }
0x84: {  	v7 =	vld.idx.msk [tilespmem:v1+s16+$0x0 ss:$0x1], $0xffff;
	[smem:s18] =	sst s19;
	s18 =	sadd.s32 $0x89, s17;
	s19 =	spop (v2sf);
	(v2sf) =	vpush v5, $0xE  }
0x85: {  	v8 =	vld.idx.msk [tilespmem:v2+s16+$0x0 ss:$0x1], $0xffff;
	[smem:s18] =	sst s19;
	s18 =	sadd.s32 $0x109, s17;
	s19 =	spop (v2sf);
	(v2sf) =	vpush v6, $0xE  }
0x86: {  	v9 =	vld.idx.msk [tilespmem:v3+s16+$0x0 ss:$0x1], $0xffff;
	[smem:s18] =	sst s19;
	s18 =	sadd.s32 $0xA, s17;
	s19 =	spop (v2sf);
	(v2sf) =	vpush v4, $0xF  }
0x87: {  	[smem:s18] =	sst s19;
	s18 =	sadd.s32 $0x8A, s17;
	s19 =	spop (v2sf);
	(v2sf) =	vpush v5, $0xF  }
0x88: {  	[smem:s18] =	sst s19;
	s18 =	sadd.s32 $0x10A, s17;
	s19 =	spop (v2sf);
	(v2sf) =	vpush v6, $0xF  }
0x89: {  	[smem:s18] =	sst s19;
	s18 =	sadd.s32 $0xB, s17;
	s19 =	spop (v2sf)  }
0x8a: {  	v4 =	vmov v7;
	(v2sf) =	vpush v7, $0x0;
	[smem:s18] =	sst s19;
	s18 =	sadd.s32 $0x8B, s17;
	s19 =	spop (v2sf)  }
0x8b: {  	v5 =	vmov v8;
	(v2sf) =	vpush v8, $0x0;
	[smem:s18] =	sst s19;
	s18 =	sadd.s32 $0x10B, s17;
	s19 =	spop (v2sf)  }
0x8c: {  	v6 =	vmov v9;
	(v2sf) =	vpush v9, $0x0;
	[smem:s18] =	sst s19;
	s18 =	sadd.s32 $0xC, s17;
	s19 =	spop (v2sf)  }
0x8d: {  	(v2sf) =	vpush v4, $0x1;
	[smem:s18] =	sst s19;
	s18 =	sadd.s32 $0x8C, s17;
	s19 =	spop (v2sf)  }
0x8e: {  	(v2sf) =	vpush v5, $0x1;
	[smem:s18] =	sst s19;
	s18 =	sadd.s32 $0x10C, s17;
	s19 =	spop (v2sf)  }
0x8f: {  	(v2sf) =	vpush v6, $0x1;
	[smem:s18] =	sst s19;
	s18 =	sadd.s32 $0xD, s17;
	s19 =	spop (v2sf)  }
0x90: {  	(v2sf) =	vpush v4, $0x2;
	[smem:s18] =	sst s19;
	s18 =	sadd.s32 $0x8D, s17;
	s19 =	spop (v2sf)  }
0x91: {  	(v2sf) =	vpush v5, $0x2;
	[smem:s18] =	sst s19;
	s18 =	sadd.s32 $0x10D, s17;
	s19 =	spop (v2sf)  }
0x92: {  	(v2sf) =	vpush v6, $0x2;
	[smem:s18] =	sst s19;
	s18 =	sadd.s32 $0xE, s17;
	s19 =	spop (v2sf)  }
0x93: {  	[smem:s18] =	sst s19  }
.Ltmp2:
0x94: {  	(v2sf) =	vpush v4, $0x3;
	s18 =	sadd.s32 $0x8E, s17;
	s19 =	spop (v2sf);
	(pc) =	sbr.rel @p0 .LBB2_2-.Ltmp2, $4  }
0x95: {  	(v2sf) =	vpush v5, $0x3;
	[smem:s18] =	sst s19;
	s18 =	sadd.s32 $0x10E, s17;
	s19 =	spop (v2sf)  }
0x96: {  	s20 =	sadd.s32 $0xF, s17;
	(v2sf) =	vpush v6, $0x3;
	[smem:s18] =	sst s19;
	s18 =	spop (v2sf)  }
0x97: {  	s19 =	sadd.s32 $0x8F, s17;
	(v2sf) =	vpush v4, $0x4;
	[smem:s20] =	sst s18;
	s18 =	spop (v2sf)  }
0x98: {  	s17 =	sadd.s32 $0x10F, s17;
	(v2sf) =	vpush v5, $0x4;
	[smem:s19] =	sst s18;
	s18 =	spop (v2sf)  }
0x99: {  	(v2sf) =	vpush v6, $0x4  }
0x9a: {  	[smem:s17] =	sst s18;
	s15 =	spop (v2sf);
	(v2sf) =	vpush v4, $0x5  }
0x9b: {  	s19 =	sadd.s32 $0x80, s16;
	[smem:s16] =	sst s15;
	s20 =	spop (v2sf);
	(v2sf) =	vpush v5, $0x5  }
0x9c: {  	s21 =	sadd.s32 $0x100, s16;
	[smem:s19] =	sst s20;
	s22 =	spop (v2sf);
	(v2sf) =	vpush v6, $0x5  }
0x9d: {  	s23 =	sadd.s32 $0x1, s16;
	[smem:s21] =	sst s22;
	s24 =	spop (v2sf);
	(v2sf) =	vpush v4, $0x6  }
0x9e: {  	s25 =	sadd.s32 $0x81, s16;
	[smem:s23] =	sst s24;
	s26 =	spop (v2sf);
	(v2sf) =	vpush v5, $0x6  }
0x9f: {  	s28 =	sadd.s32 $0x101, s16;
	[smem:s25] =	sst s26;
	s29 =	spop (v2sf);
	(v2sf) =	vpush v6, $0x6  }
0xa0: {  	s30 =	sadd.s32 $0x2, s16;
	[smem:s28] =	sst s29;
	s31 =	spop (v2sf);
	(v2sf) =	vpush v4, $0x7  }
0xa1: {  	s17 =	sadd.s32 $0x82, s16;
	[smem:s30] =	sst s31;
	s18 =	spop (v2sf);
	(v2sf) =	vpush v5, $0x7  }
0xa2: {  	s19 =	sadd.s32 $0x102, s16;
	[smem:s17] =	sst s18;
	s20 =	spop (v2sf);
	(v2sf) =	vpush v6, $0x7  }
0xa3: {  	s21 =	sadd.s32 $0x3, s16;
	[smem:s19] =	sst s20;
	s22 =	spop (v2sf);
	(v2sf) =	vpush v4, $0x8  }
0xa4: {  	s23 =	sadd.s32 $0x83, s16;
	[smem:s21] =	sst s22;
	s24 =	spop (v2sf);
	(v2sf) =	vpush v5, $0x8  }
0xa5: {  	s25 =	sadd.s32 $0x103, s16;
	[smem:s23] =	sst s24;
	s26 =	spop (v2sf);
	(v2sf) =	vpush v6, $0x8  }
0xa6: {  	s28 =	sadd.s32 $0x4, s16;
	[smem:s25] =	sst s26;
	s29 =	spop (v2sf);
	(v2sf) =	vpush v4, $0x9  }
0xa7: {  	s30 =	sadd.s32 $0x84, s16;
	[smem:s28] =	sst s29;
	s31 =	spop (v2sf);
	(v2sf) =	vpush v5, $0x9  }
0xa8: {  	s17 =	sadd.s32 $0x104, s16;
	[smem:s30] =	sst s31;
	s18 =	spop (v2sf);
	(v2sf) =	vpush v6, $0x9  }
0xa9: {  	s19 =	sadd.s32 $0x5, s16;
	[smem:s17] =	sst s18;
	s20 =	spop (v2sf);
	(v2sf) =	vpush v4, $0xA  }
0xaa: {  	s21 =	sadd.s32 $0x85, s16;
	[smem:s19] =	sst s20;
	s22 =	spop (v2sf);
	(v2sf) =	vpush v5, $0xA  }
0xab: {  	s23 =	sadd.s32 $0x105, s16;
	[smem:s21] =	sst s22;
	s24 =	spop (v2sf);
	(v2sf) =	vpush v6, $0xA  }
0xac: {  	s25 =	sadd.s32 $0x6, s16;
	[smem:s23] =	sst s24;
	s26 =	spop (v2sf);
	(v2sf) =	vpush v4, $0xB  }
0xad: {  	s28 =	sadd.s32 $0x86, s16;
	[smem:s25] =	sst s26;
	s29 =	spop (v2sf);
	(v2sf) =	vpush v5, $0xB  }
0xae: {  	s30 =	sadd.s32 $0x106, s16;
	[smem:s28] =	sst s29;
	s31 =	spop (v2sf);
	(v2sf) =	vpush v6, $0xB  }
0xaf: {  	s18 =	sadd.s32 $0x7, s16;
	[smem:s30] =	sst s31;
	s19 =	spop (v2sf);
	(v2sf) =	vpush v4, $0xC  }
0xb0: {  	s20 =	sadd.s32 $0x87, s16;
	[smem:s18] =	sst s19;
	s21 =	spop (v2sf);
	(v2sf) =	vpush v5, $0xC  }
0xb1: {  	s22 =	sadd.s32 $0x107, s16;
	[smem:s20] =	sst s21;
	s23 =	spop (v2sf);
	(v2sf) =	vpush v6, $0xC  }
0xb2: {  	s24 =	sadd.s32 $0x8, s16;
	[smem:s22] =	sst s23;
	s25 =	spop (v2sf);
	(v2sf) =	vpush v4, $0xD  }
0xb3: {  	s26 =	sadd.s32 $0x88, s16;
	[smem:s24] =	sst s25;
	s28 =	spop (v2sf);
	(v2sf) =	vpush v5, $0xD  }
0xb4: {  	s29 =	sadd.s32 $0x108, s16;
	[smem:s26] =	sst s28;
	s30 =	spop (v2sf);
	(v2sf) =	vpush v6, $0xD  }
0xb5: {  	s31 =	sadd.s32 $0x9, s16;
	[smem:s29] =	sst s30;
	s18 =	spop (v2sf);
	(v2sf) =	vpush v4, $0xE  }
0xb6: {  	s19 =	sadd.s32 $0x89, s16;
	[smem:s31] =	sst s18;
	s20 =	spop (v2sf);
	(v2sf) =	vpush v5, $0xE  }
0xb7: {  	s21 =	sadd.s32 $0x109, s16;
	[smem:s19] =	sst s20;
	s22 =	spop (v2sf)  }
0xb8: {  	s23 =	sadd.s32 $0xA, s16;
	(v2sf) =	vpush v6, $0xE;
	[smem:s21] =	sst s22;
	s24 =	spop (v2sf)  }
0xb9: {  	s25 =	sadd.s32 $0x8A, s16;
	(v2sf) =	vpush v4, $0xF;
	[smem:s23] =	sst s24;
	s26 =	spop (v2sf)  }
0xba: {  	s28 =	sadd.s32 $0x10A, s16;
	(v2sf) =	vpush v5, $0xF;
	[smem:s25] =	sst s26;
	s29 =	spop (v2sf)  }
0xbb: {  	s30 =	sadd.s32 $0xB, s16;
	(v2sf) =	vpush v6, $0xF;
	[smem:s28] =	sst s29;
	s31 =	spop (v2sf)  }
0xbc: {  	s17 =	sadd.s32 $0x8B, s16;
	[smem:s30] =	sst s31;
	s18 =	spop (v2sf)  }
0xbd: {  	s19 =	sadd.s32 $0x10B, s16;
	[smem:s17] =	sst s18;
	s20 =	spop (v2sf)  }
0xbe: {  	s21 =	sadd.s32 $0xC, s16;
	[smem:s19] =	sst s20;
	s22 =	spop (v2sf)  }
0xbf: {  	s23 =	sadd.s32 $0x8C, s16;
	[smem:s21] =	sst s22;
	s24 =	spop (v2sf)  }
0xc0: {  	s25 =	sadd.s32 $0x10C, s16;
	[smem:s23] =	sst s24;
	s26 =	spop (v2sf)  }
0xc1: {  	s28 =	sadd.s32 $0xD, s16;
	[smem:s25] =	sst s26;
	s29 =	spop (v2sf)  }
0xc2: {  	s30 =	sadd.s32 $0x8D, s16;
	[smem:s28] =	sst s29;
	s31 =	spop (v2sf)  }
0xc3: {  	s17 =	sadd.s32 $0x10D, s16;
	[smem:s30] =	sst s31;
	s18 =	spop (v2sf)  }
0xc4: {  	s19 =	sadd.s32 $0xE, s16;
	[smem:s17] =	sst s18;
	s20 =	spop (v2sf)  }
0xc5: {  	s21 =	sadd.s32 $0x8E, s16;
	[smem:s19] =	sst s20;
	s22 =	spop (v2sf)  }
0xc6: {  	[smem:s21] =	sst s22  }
.Ltmp3:
0xc7: {  	s23 =	sadd.s32 $0x10E, s16;
	s24 =	spop (v2sf);
	(pc) =	sbr.rel .LBB2_4-.Ltmp3, $4  }
0xc8: {  	s25 =	sadd.s32 $0xF, s16;
	[smem:s23] =	sst s24;
	s26 =	spop (v2sf)  }
0xc9: {  	s28 =	sadd.s32 $0x8F, s16;
	[smem:s25] =	sst s26;
	s29 =	spop (v2sf)  }
0xca: {  	s30 =	sadd.s32 $0x10F, s16;
	[smem:s28] =	sst s29;
	s31 =	spop (v2sf)  }
0xcb: {  	s15 =	simm.s32 $0x0;
	[smem:s30] =	sst s31  }
.LBB2_8:
0xcc: {  	v4 =	vand.u32 $0x7FF, v10  }
0xcd: {  	v4 =	vshll.u32 v4, $0x4  }
0xce: {  	v4 =	vadd.s32 $0x1800, v4  }
0xcf: {  	(v2sf) =	vpush v4, $0x1  }
0xd0: {  	(v2sf) =	vpush v4, $0x0;
	_ =	sdelay $0x2  }
0xd1: {  	(v2sf) =	vpush v4, $0x3  }
0xd2: {  	(v2sf) =	vpush v4, $0x2;
	_ =	sdelay $0x2  }
0xd3: {  	(v2sf) =	vpush v4, $0x5  }
0xd4: {  	(v2sf) =	vpush v4, $0x4;
	_ =	sdelay $0x2  }
0xd5: {  	(v2sf) =	vpush v4, $0x7  }
0xd6: {  	(v2sf) =	vpush v4, $0x6;
	_ =	sdelay $0x1  }
0xd7: {  	s16 =	spop (v2sf)  }
0xd8: {  	(v2sf) =	vpush v4, $0x9;
	s17 =	spop (v2sf)  }
0xd9: {  	(v2sf) =	vpush v4, $0x8;
	v5 =	vld [tilespmem:s17+$0x0];
	_ =	sdelay $0x1  }
0xda: {  	v6 =	vld [tilespmem:s16+$0x0];
	s30 =	spop (v2sf)  }
0xdb: {  	(v2sf) =	vpush v4, $0xB;
	s31 =	spop (v2sf)  }
0xdc: {  	(v2sf) =	vpush v4, $0xA;
	v7 =	vld [tilespmem:s31+$0x0]  }
0xdd: {  	v5 =	vadd.f32 $0.0e+00, v5  }
0xde: {  	v8 =	vld [tilespmem:s30+$0x0];
	s18 =	spop (v2sf)  }
0xdf: {  	(v2sf) =	vpush v4, $0xD;
	s19 =	spop (v2sf);
	v5 =	vadd.f32 v6, v5  }
0xe0: {  	(v2sf) =	vpush v4, $0xC;
	v56 =	vld [tilespmem:s19+$0x0]  }
0xe1: {  	v5 =	vadd.f32 v7, v5  }
0xe2: {  	v57 =	vld [tilespmem:s18+$0x0];
	s20 =	spop (v2sf)  }
0xe3: {  	(v2sf) =	vpush v4, $0xF;
	s21 =	spop (v2sf);
	v5 =	vadd.f32 v8, v5  }
0xe4: {  	(v2sf) =	vpush v4, $0xE;
	v4 =	vld [tilespmem:s21+$0x0]  }
0xe5: {  	v5 =	vadd.f32 v56, v5  }
0xe6: {  	v58 =	vld [tilespmem:s20+$0x0];
	s22 =	spop (v2sf)  }
0xe7: {  	s23 =	spop (v2sf);
	v5 =	vadd.f32 v57, v5  }
0xe8: {  	v59 =	vld [tilespmem:s23+$0x0]  }
0xe9: {  	v4 =	vadd.f32 v4, v5  }
0xea: {  	s24 =	spop (v2sf);
	v5 =	vld [tilespmem:s22+$0x0]  }
0xeb: {  	s25 =	spop (v2sf);
	v4 =	vadd.f32 v58, v4  }
0xec: {  	v60 =	vld [tilespmem:s25+$0x0]  }
0xed: {  	v4 =	vadd.f32 v59, v4  }
0xee: {  	v61 =	vld [tilespmem:s24+$0x0];
	s26 =	spop (v2sf)  }
0xef: {  	s28 =	spop (v2sf);
	v4 =	vadd.f32 v5, v4  }
0xf0: {  	v5 =	vld [tilespmem:s28+$0x0]  }
0xf1: {  	v4 =	vadd.f32 v60, v4  }
0xf2: {  	v62 =	vld [tilespmem:s26+$0x0];
	s29 =	spop (v2sf)  }
0xf3: {  	s30 =	spop (v2sf);
	v4 =	vadd.f32 v61, v4  }
0xf4: {  	v63 =	vld [tilespmem:s30+$0x0]  }
0xf5: {  	v4 =	vadd.f32 v5, v4  }
0xf6: {  	v5 =	vld [tilespmem:s29+$0x0]  }
0xf7: {  	v4 =	vadd.f32 v62, v4;
	_ =	sdelay $0x1  }
0xf8: {  	s31 =	sshll.u32 s15, $0x4;
	s15 =	sadd.s32 $0x1, s15;
	v4 =	vadd.f32 v63, v4  }
0xf9: {  	p0 =	sne.s32 s15, $0x40  }
.Ltmp4:
0xfa: {  	v4 =	vadd.f32 v5, v4;
	(pc) =	sbr.rel @!p0 .LBB2_9-.Ltmp4, $4  }
0xfb: {  	_ = 	snop  }
0xfc: {  	v4 =	vmul.f32 $6.250000000e-02, v4  }
0xfd: {  	s16 =	sand.u32 $0x3FFFFFF0, s31  }
0xfe: {  	[tilespmem:s16+$0x9800] =	vst v4  }
.LBB2_4:
0xff: {  	s16 =	sld [smem:s15+$0x0]  }
.Ltmp5:
0x100: {  	s18 =	sld [smem:s15+$0x80];
	(pc) =	sbr.rel .LBB2_5-.Ltmp5, $3  }
0x101: {  	s19 =	sld [smem:s15+$0x100];
	_ =	sdelay $0x1  }
0x102: {  	s20 =	simm.s32 $0x7FFFFFFF;
	s17 =	simm.s32 $0x40;
	v10 =	vimm.s32 $0x7FFFFFFF;
	s21 =	simm.s32 $0x7FFFFFFF  }
0x103: {  	v4 =	vmov s16;
	s16 =	simm.s32 $0x70;
	v5 =	vmov s18;
	v6 =	vmov s19;
	s18 =	simm.s32 $0x840;
	s19 =	simm.s32 $0x1040  }
.LBB2_7:
0x104: {  	s16 =	sadd.s32 $0x80, s16  }
0x105: {  	p0 =	sne.s32 s16, $0x870  }
.Ltmp6:
0x106: {  	_ = 	snop;
	(pc) =	sbr.rel @!p0 .LBB2_8-.Ltmp6, $2  }
0x107: {  	_ =	sdelay $0x2  }
0x108: {  	s17 =	sadd.s32 $0x80, s17;
	s18 =	sadd.s32 $0x80, s18;
	s19 =	sadd.s32 $0x80, s19  }
.LBB2_5:
0x109: {  	v7 =	vld [tilespmem:s17+$0xFFFFFFC0]  }
0x10a: {  	v8 =	vld [tilespmem:s18+$0xFFFFFFC0]  }
0x10b: {  	v9 =	vld [tilespmem:s17+$0xFFFFFFD0]  }
0x10c: {  	v11 =	vld [tilespmem:s18+$0xFFFFFFD0];
	_ =	sdelay $0x2  }
0x10d: {  	v12 =	vld [tilespmem:s19+$0xFFFFFFC0]  }
0x10e: {  	v13 =	vld [tilespmem:s17+$0xFFFFFFE0];
	v7 =	vmul.f32 v7, v4;
	v8 =	vmul.f32 v8, v5  }
0x10f: {  	v14 =	vld [tilespmem:s17+$0xFFFFFFF0];
	v9 =	vmul.f32 v9, v4;
	v11 =	vmul.f32 v11, v5  }
0x110: {  	v7 =	vadd.f32 v8, v7;
	v8 =	vld [tilespmem:s19+$0xFFFFFFD0]  }
0x111: {  	v9 =	vadd.f32 v11, v9;
	v11 =	vld [tilespmem:s18+$0xFFFFFFE0];
	_ =	sdelay $0x1  }
0x112: {  	v15 =	vld [tilespmem:s18+$0xFFFFFFF0];
	v12 =	vadd.f32 v12, v6;
	v7 =	vadd.f32 v7, v7  }
0x113: {  	v17 =	vld [tilespmem:s17+$0x0];
	v9 =	vadd.f32 v9, v9  }
0x114: {  	v19 =	vld [tilespmem:s18+$0x10];
	v13 =	vmul.f32 v13, v4;
	v7 =	vsub.f32 v12, v7;
	v8 =	vadd.f32 v8, v6  }
0x115: {  	v14 =	vmul.f32 v14, v4;
	v12 =	vld [tilespmem:s19+$0xFFFFFFE0];
	v11 =	vmul.f32 v11, v5  }
0x116: {  	v61 =	vld [tilespmem:s18+$0x30];
	vm0 =	vlt.s32 v7, $0x0;
	v16 =	vxor.u32 $0x7FFFF800, v7;
	v8 =	vsub.f32 v8, v9  }
0x117: {  	v18 =	vld [tilespmem:s18+$0x0];
	v20 =	vmul.f32 v15, v5;
	v7 =	vsel vm0, v16, v7;
	v11 =	vadd.f32 v11, v13  }
0x118: {  	s22 =	sadd.s32 $0xFFFFFF90, s16;
	v9 =	vld [tilespmem:s19+$0xFFFFFFF0];
	v7 =	vand.u32 $0xFFFFF800, v7;
	vm7 =	vlt.s32 v8, $0x0;
	v16 =	vxor.u32 $0x7FFFF800, v8  }
0x119: {  	v58 =	vmul.f32 v19, v5;
	v7 =	vor.u32 s22, v7;
	v8 =	vsel vm7, v16, v8;
	v16 =	vld [tilespmem:s17+$0x10]  }
0x11a: {  	s24 =	sadd.s32 $0xFFFFFFA0, s16;
	v12 =	vadd.f32 v12, v6;
	v11 =	vadd.f32 v11, v11;
	v8 =	vand.u32 $0xFFFFF800, v8  }
0x11b: {  	v62 =	vmul.f32 v61, v5;
	v15 =	vor.u32 v0, v7;
	v7 =	vor.u32 s24, v8  }
0x11c: {  	v8 =	vadd.f32 v20, v14;
	v13 =	vor.u32 v0, v7;
	v7 =	vsub.f32 v12, v11;
	v11 =	vld [tilespmem:s19+$0x0]  }
0x11d: {  	v9 =	vadd.f32 v9, v6;
	v14 =	vmul.f32 v18, v5;
	v12 =	vmul.f32 v17, v4;
	v17 =	vld [tilespmem:s19+$0x10]  }
0x11e: {  	v8 =	vadd.f32 v8, v8;
	vm8 =	vlt.s32 v15, v13;
	v16 =	vmul.f32 v16, v4  }
0x11f: {  	vm1 =	vlt.s32 v7, $0x0;
	v12 =	vadd.f32 v14, v12;
	v14 =	vxor.u32 $0x7FFFF800, v7  }
0x120: {  	v59 =	vsel vm8, v15, v13;
	v8 =	vsub.f32 v9, v8;
	v9 =	vadd.f32 v58, v16  }
0x121: {  	v7 =	vsel vm1, v14, v7;
	v12 =	vadd.f32 v12, v12;
	v16 =	vld [tilespmem:s17+$0x20];
	v11 =	vadd.f32 v11, v6  }
0x122: {  	v7 =	vand.u32 $0xFFFFF800, v7;
	v14 =	vadd.f32 v17, v6;
	v17 =	vld [tilespmem:s18+$0x20];
	v9 =	vadd.f32 v9, v9  }
0x123: {  	s25 =	sadd.s32 $0xFFFFFFB0, s16;
	vm9 =	vlt.s32 v8, $0x0;
	v11 =	vsub.f32 v11, v12;
	v12 =	vxor.u32 $0x7FFFF800, v8  }
0x124: {  	v60 =	vld [tilespmem:s17+$0x30];
	v7 =	vor.u32 s25, v7;
	v9 =	vsub.f32 v14, v9;
	v8 =	vsel vm9, v12, v8  }
0x125: {  	v14 =	vor.u32 v0, v7;
	vm10 =	vlt.s32 v11, $0x0;
	v12 =	vxor.u32 $0x7FFFF800, v11  }
0x126: {  	v16 =	vmul.f32 v16, v4;
	v8 =	vand.u32 $0xFFFFF800, v8;
	v7 =	vsel vm10, v12, v11  }
0x127: {  	s26 =	sadd.s32 $0xFFFFFFC0, s16;
	vm11 =	vlt.s32 v9, $0x0;
	v11 =	vld [tilespmem:s19+$0x20];
	v12 =	vxor.u32 $0x7FFFF800, v9;
	v17 =	vmul.f32 v17, v5  }
0x128: {  	vm12 =	vlt.s32 v59, v14;
	v8 =	vor.u32 s26, v8;
	v9 =	vsel vm11, v12, v9  }
0x129: {  	v12 =	vor.u32 v0, v8;
	v8 =	vmul.f32 v60, v4;
	v16 =	vadd.f32 v17, v16;
	v17 =	vld [tilespmem:s19+$0x30]  }
0x12a: {  	v18 =	vsel vm12, v59, v14  }
0x12b: {  	s28 =	sadd.s32 $0xFFFFFFD0, s16;
	v7 =	vand.u32 $0xFFFFF800, v7;
	vm0 =	vlt.s32 v18, v12;
	v8 =	vadd.f32 v62, v8  }
0x12c: {  	v7 =	vor.u32 s28, v7;
	v16 =	vadd.f32 v16, v16;
	v63 =	vadd.f32 v11, v6  }
0x12d: {  	v9 =	vand.u32 $0xFFFFF800, v9;
	v18 =	vsel vm0, v18, v12;
	v8 =	vadd.f32 v8, v8  }
0x12e: {  	s29 =	sadd.s32 $0xFFFFFFE0, s16;
	v11 =	vor.u32 v0, v7;
	v7 =	vsub.f32 v63, v16;
	v16 =	vadd.f32 v17, v6  }
0x12f: {  	v9 =	vor.u32 s29, v9;
	vm0 =	vlt.s32 v18, v11  }
0x130: {  	vm13 =	vlt.s32 v7, $0x0;
	v8 =	vsub.f32 v16, v8;
	v16 =	vxor.u32 $0x7FFFF800, v7  }
0x131: {  	v9 =	vor.u32 v0, v9;
	v17 =	vsel vm0, v18, v11;
	v7 =	vsel vm13, v16, v7  }
0x132: {  	s30 =	sadd.s32 $0xFFFFFFF0, s16;
	v7 =	vand.u32 $0xFFFFF800, v7;
	vm14 =	vlt.s32 v8, $0x0;
	v16 =	vxor.u32 $0x7FFFF800, v8  }
0x133: {  	vm15 =	vlt.s32 v17, v9;
	v16 =	vsel vm14, v16, v8;
	v7 =	vor.u32 s30, v7  }
0x134: {  	v17 =	vsel vm15, v17, v9;
	v8 =	vor.u32 v0, v7;
	v7 =	vand.u32 $0xFFFFF800, v16  }
0x135: {  	vm0 =	vlt.s32 v17, v8;
	v7 =	vor.u32 s16, v7  }
0x136: {  	v16 =	vsel vm0, v17, v8;
	v7 =	vor.u32 v0, v7  }
0x137: {  	vm0 =	vlt.s32 v16, v7  }
0x138: {  	v16 =	vsel vm0, v16, v7  }
0x139: {  	v16 =	vxor.u32 $0x80000000, v16  }
0x13a: {  	(xrf0) =	vmin.scan.msk.u32 $0xffff, v16;
	_ =	sdelay $0x5  }
0x13b: {  	v16, _, _ =	vpop (xrf0)  }
0x13c: {  	(v2sf) =	vpush v16, $0xF;
	_ =	sdelay $0xe  }
0x13d: {  	s31 =	spop (v2sf)  }
0x13e: {  	s22 =	sxor.u32 $0x80000000, s31  }
0x13f: {  	p0 =	sge.s32 s22, s21  }
.Ltmp7:
0x140: {  	_ = 	snop;
	(pc) =	sbr.rel @p0 .LBB2_7-.Ltmp7, $1  }
0x141: {  	_ =	sdelay $0x3  }
0x142: {  	v16 =	vxor.u32 $0x80000000, v15  }
0x143: {  	(xrf0) =	vmin.scan.msk.u32 $0xffff, v16;
	_ =	sdelay $0x5  }
0x144: {  	v17, _, _ =	vpop (xrf0)  }
0x145: {  	(v2sf) =	vpush v17, $0xF;
	_ =	sdelay $0xe  }
0x146: {  	s22 =	spop (v2sf)  }
0x147: {  	s22 =	sxor.u32 $0x80000000, s22  }
0x148: {  	p1 =	sge.s32 s22, s21  }
0x149: {  	(xrf1) =	vsort.dscd.msk.u32 @!p1 $0xffff, v16, v15;
	_ =	sdelay $0xd  }
0x14a: {  	v15, _, _ =	vpop @!p1 (xrf1)  }
0x14b: {  	v15 =	vxor.u32 @!p1 $0x80000000, v15  }
0x14c: {  	vm0 =	vlt.s32 @!p1 v10, v15  }
0x14d: {  	v15 =	vsel @!p1 vm0, v10, v15  }
0x14e: {  	v16 =	vlaneseq.u32 @!p1;
	v15 =	vxor.u32 @!p1 $0x80000000, v15  }
0x14f: {  	(xrf1) =	vsort.ascd.msk.u32 @!p1 $0xffff, v15, v16;
	_ =	sdelay $0xd  }
0x150: {  	v15, _, _ =	vpop @!p1 (xrf1)  }
0x151: {  	v15 =	vxor.u32 @!p1 $0x80000000, v15  }
0x152: {  	(v2sf) =	vpush @!p1 v15, $0x0;
	_ =	sdelay $0xe  }
0x153: {  	s22 =	spop @!p1 (v2sf)  }
0x154: {  	p0 =	slt.s32 @!p1 s20, s22  }
0x155: {  	s23 =	smov.u32 s20;
	p0 =	por !p0, p1  }
0x156: {  	s23 =	smov.u32 @p0 s22;
	p0 =	sgt.s32 @!p1 s20, s22  }
0x157: {  	p0 =	por !p0, p1  }
0x158: {  	vm0 =	veq.s32 @!p1 v16, $0x0;
	s23 =	smov.u32 @p1 s20;
	s20 =	smov.u32 @p0 s22  }
0x159: {  	v15 =	vsel @!p1 vm0, s20, v15  }
0x15a: {  	v15 =	vxor.u32 @!p1 $0x80000000, v15  }
0x15b: {  	(xrf1) =	vsort.ascd.msk.u32 @!p1 $0xffff, v15, v16;
	_ =	sdelay $0x8  }
0x15c: {  	v15 =	vxor.u32 $0x80000000, v13  }
0x15d: {  	(xrf0) =	vmin.scan.msk.u32 $0xffff, v15;
	_ =	sdelay $0x3  }
0x15e: {  	v16, _, _ =	vpop @!p1 (xrf1)  }
0x15f: {  	v16 =	vxor.u32 @!p1 $0x80000000, v16  }
0x160: {  	v58, _, _ =	vpop (xrf0);
	(v2sf) =	vpush @!p1 v16, $0xF  }
0x161: {  	(v2sf) =	vpush v58, $0xF;
	_ =	sdelay $0xd  }
0x162: {  	s20 =	spop @!p1 (v2sf)  }
0x163: {  	s26 =	spop (v2sf)  }
0x164: {  	s20 =	smov.u32 @p1 s21;
	s28 =	sxor.u32 $0x80000000, s26  }
0x165: {  	p0 =	sge.s32 s28, s20  }
0x166: {  	(xrf1) =	vsort.dscd.msk.u32 @!p0 $0xffff, v15, v13;
	_ =	sdelay $0xd  }
0x167: {  	v13, _, _ =	vpop @!p0 (xrf1)  }
0x168: {  	v10 =	vpsel p1, v10, v16;
	v13 =	vxor.u32 @!p0 $0x80000000, v13  }
0x169: {  	vm0 =	vlt.s32 @!p0 v10, v13  }
0x16a: {  	v13 =	vsel @!p0 vm0, v10, v13  }
0x16b: {  	v15 =	vlaneseq.u32 @!p0;
	v13 =	vxor.u32 @!p0 $0x80000000, v13  }
0x16c: {  	(xrf1) =	vsort.ascd.msk.u32 @!p0 $0xffff, v13, v15;
	_ =	sdelay $0xd  }
0x16d: {  	v13, _, _ =	vpop @!p0 (xrf1)  }
0x16e: {  	v13 =	vxor.u32 @!p0 $0x80000000, v13  }
0x16f: {  	(v2sf) =	vpush @!p0 v13, $0x0;
	_ =	sdelay $0xe  }
0x170: {  	s21 =	spop @!p0 (v2sf)  }
0x171: {  	p1 =	slt.s32 @!p0 s23, s21  }
0x172: {  	s22 =	smov.u32 s23;
	p1 =	por !p1, p0  }
0x173: {  	s22 =	smov.u32 @p1 s21;
	p1 =	sgt.s32 @!p0 s23, s21  }
0x174: {  	p1 =	por !p1, p0  }
0x175: {  	vm0 =	veq.s32 @!p0 v15, $0x0;
	s22 =	smov.u32 @p0 s23;
	s23 =	smov.u32 @p1 s21  }
0x176: {  	v13 =	vsel @!p0 vm0, s23, v13  }
0x177: {  	v13 =	vxor.u32 @!p0 $0x80000000, v13  }
0x178: {  	(xrf1) =	vsort.ascd.msk.u32 @!p0 $0xffff, v13, v15;
	_ =	sdelay $0x8  }
0x179: {  	v13 =	vxor.u32 $0x80000000, v14  }
0x17a: {  	(xrf0) =	vmin.scan.msk.u32 $0xffff, v13;
	_ =	sdelay $0x3  }
0x17b: {  	v15, _, _ =	vpop @!p0 (xrf1)  }
0x17c: {  	v15 =	vxor.u32 @!p0 $0x80000000, v15  }
0x17d: {  	v59, _, _ =	vpop (xrf0);
	(v2sf) =	vpush @!p0 v15, $0xF  }
0x17e: {  	(v2sf) =	vpush v59, $0xF;
	_ =	sdelay $0xd  }
0x17f: {  	s21 =	spop @!p0 (v2sf)  }
0x180: {  	s29 =	spop (v2sf)  }
0x181: {  	s21 =	smov.u32 @p0 s20;
	s30 =	sxor.u32 $0x80000000, s29  }
0x182: {  	p1 =	sge.s32 s30, s21  }
0x183: {  	(xrf1) =	vsort.dscd.msk.u32 @!p1 $0xffff, v13, v14;
	_ =	sdelay $0xd  }
0x184: {  	v13, _, _ =	vpop @!p1 (xrf1)  }
0x185: {  	v10 =	vpsel p0, v10, v15;
	v13 =	vxor.u32 @!p1 $0x80000000, v13  }
0x186: {  	vm0 =	vlt.s32 @!p1 v10, v13  }
0x187: {  	v13 =	vsel @!p1 vm0, v10, v13  }
0x188: {  	v14 =	vlaneseq.u32 @!p1;
	v13 =	vxor.u32 @!p1 $0x80000000, v13  }
0x189: {  	(xrf1) =	vsort.ascd.msk.u32 @!p1 $0xffff, v13, v14;
	_ =	sdelay $0xd  }
0x18a: {  	v13, _, _ =	vpop @!p1 (xrf1)  }
0x18b: {  	v13 =	vxor.u32 @!p1 $0x80000000, v13  }
0x18c: {  	(v2sf) =	vpush @!p1 v13, $0x0;
	_ =	sdelay $0xe  }
0x18d: {  	s20 =	spop @!p1 (v2sf)  }
0x18e: {  	p0 =	slt.s32 @!p1 s22, s20  }
0x18f: {  	s23 =	smov.u32 s22;
	p0 =	por !p0, p1  }
0x190: {  	s23 =	smov.u32 @p0 s20;
	p0 =	sgt.s32 @!p1 s22, s20  }
0x191: {  	p0 =	por !p0, p1  }
0x192: {  	vm0 =	veq.s32 @!p1 v14, $0x0;
	s23 =	smov.u32 @p1 s22;
	s22 =	smov.u32 @p0 s20  }
0x193: {  	v13 =	vsel @!p1 vm0, s22, v13  }
0x194: {  	v13 =	vxor.u32 @!p1 $0x80000000, v13  }
0x195: {  	(xrf1) =	vsort.ascd.msk.u32 @!p1 $0xffff, v13, v14;
	_ =	sdelay $0x8  }
0x196: {  	v13 =	vxor.u32 $0x80000000, v12  }
0x197: {  	(xrf0) =	vmin.scan.msk.u32 $0xffff, v13;
	_ =	sdelay $0x3  }
0x198: {  	v14, _, _ =	vpop @!p1 (xrf1)  }
0x199: {  	v14 =	vxor.u32 @!p1 $0x80000000, v14  }
0x19a: {  	v60, _, _ =	vpop (xrf0);
	(v2sf) =	vpush @!p1 v14, $0xF  }
0x19b: {  	(v2sf) =	vpush v60, $0xF;
	_ =	sdelay $0xd  }
0x19c: {  	s20 =	spop @!p1 (v2sf)  }
0x19d: {  	s31 =	spop (v2sf)  }
0x19e: {  	s20 =	smov.u32 @p1 s21;
	s22 =	sxor.u32 $0x80000000, s31  }
0x19f: {  	p0 =	sge.s32 s22, s20  }
0x1a0: {  	(xrf1) =	vsort.dscd.msk.u32 @!p0 $0xffff, v13, v12;
	_ =	sdelay $0xd  }
0x1a1: {  	v12, _, _ =	vpop @!p0 (xrf1)  }
0x1a2: {  	v10 =	vpsel p1, v10, v14;
	v12 =	vxor.u32 @!p0 $0x80000000, v12  }
0x1a3: {  	vm0 =	vlt.s32 @!p0 v10, v12  }
0x1a4: {  	v12 =	vsel @!p0 vm0, v10, v12  }
0x1a5: {  	v13 =	vlaneseq.u32 @!p0;
	v12 =	vxor.u32 @!p0 $0x80000000, v12  }
0x1a6: {  	(xrf1) =	vsort.ascd.msk.u32 @!p0 $0xffff, v12, v13;
	_ =	sdelay $0xd  }
0x1a7: {  	v12, _, _ =	vpop @!p0 (xrf1)  }
0x1a8: {  	v12 =	vxor.u32 @!p0 $0x80000000, v12  }
0x1a9: {  	(v2sf) =	vpush @!p0 v12, $0x0;
	_ =	sdelay $0xe  }
0x1aa: {  	s21 =	spop @!p0 (v2sf)  }
0x1ab: {  	p1 =	slt.s32 @!p0 s23, s21  }
0x1ac: {  	s22 =	smov.u32 s23;
	p1 =	por !p1, p0  }
0x1ad: {  	s22 =	smov.u32 @p1 s21;
	p1 =	sgt.s32 @!p0 s23, s21  }
0x1ae: {  	p1 =	por !p1, p0  }
0x1af: {  	vm0 =	veq.s32 @!p0 v13, $0x0;
	s22 =	smov.u32 @p0 s23;
	s23 =	smov.u32 @p1 s21  }
0x1b0: {  	v12 =	vsel @!p0 vm0, s23, v12  }
0x1b1: {  	v12 =	vxor.u32 @!p0 $0x80000000, v12  }
0x1b2: {  	(xrf1) =	vsort.ascd.msk.u32 @!p0 $0xffff, v12, v13;
	_ =	sdelay $0x8  }
0x1b3: {  	v12 =	vxor.u32 $0x80000000, v11  }
0x1b4: {  	(xrf0) =	vmin.scan.msk.u32 $0xffff, v12;
	_ =	sdelay $0x3  }
0x1b5: {  	v13, _, _ =	vpop @!p0 (xrf1)  }
0x1b6: {  	v13 =	vxor.u32 @!p0 $0x80000000, v13  }
0x1b7: {  	v61, _, _ =	vpop (xrf0);
	(v2sf) =	vpush @!p0 v13, $0xF  }
0x1b8: {  	(v2sf) =	vpush v61, $0xF;
	_ =	sdelay $0xd  }
0x1b9: {  	s21 =	spop @!p0 (v2sf)  }
0x1ba: {  	s24 =	spop (v2sf)  }
0x1bb: {  	s21 =	smov.u32 @p0 s20;
	s25 =	sxor.u32 $0x80000000, s24  }
0x1bc: {  	p1 =	sge.s32 s25, s21  }
0x1bd: {  	(xrf1) =	vsort.dscd.msk.u32 @!p1 $0xffff, v12, v11;
	_ =	sdelay $0xd  }
0x1be: {  	v11, _, _ =	vpop @!p1 (xrf1)  }
0x1bf: {  	v10 =	vpsel p0, v10, v13;
	v11 =	vxor.u32 @!p1 $0x80000000, v11  }
0x1c0: {  	vm0 =	vlt.s32 @!p1 v10, v11  }
0x1c1: {  	v11 =	vsel @!p1 vm0, v10, v11  }
0x1c2: {  	v12 =	vlaneseq.u32 @!p1;
	v11 =	vxor.u32 @!p1 $0x80000000, v11  }
0x1c3: {  	(xrf1) =	vsort.ascd.msk.u32 @!p1 $0xffff, v11, v12;
	_ =	sdelay $0xd  }
0x1c4: {  	v11, _, _ =	vpop @!p1 (xrf1)  }
0x1c5: {  	v11 =	vxor.u32 @!p1 $0x80000000, v11  }
0x1c6: {  	(v2sf) =	vpush @!p1 v11, $0x0;
	_ =	sdelay $0xe  }
0x1c7: {  	s20 =	spop @!p1 (v2sf)  }
0x1c8: {  	p0 =	slt.s32 @!p1 s22, s20  }
0x1c9: {  	s23 =	smov.u32 s22;
	p0 =	por !p0, p1  }
0x1ca: {  	s23 =	smov.u32 @p0 s20;
	p0 =	sgt.s32 @!p1 s22, s20  }
0x1cb: {  	p0 =	por !p0, p1  }
0x1cc: {  	vm0 =	veq.s32 @!p1 v12, $0x0;
	s23 =	smov.u32 @p1 s22;
	s22 =	smov.u32 @p0 s20  }
0x1cd: {  	v11 =	vsel @!p1 vm0, s22, v11  }
0x1ce: {  	v11 =	vxor.u32 @!p1 $0x80000000, v11  }
0x1cf: {  	(xrf1) =	vsort.ascd.msk.u32 @!p1 $0xffff, v11, v12;
	_ =	sdelay $0x8  }
0x1d0: {  	v11 =	vxor.u32 $0x80000000, v9  }
0x1d1: {  	(xrf0) =	vmin.scan.msk.u32 $0xffff, v11;
	_ =	sdelay $0x3  }
0x1d2: {  	v12, _, _ =	vpop @!p1 (xrf1)  }
0x1d3: {  	v12 =	vxor.u32 @!p1 $0x80000000, v12  }
0x1d4: {  	v62, _, _ =	vpop (xrf0);
	(v2sf) =	vpush @!p1 v12, $0xF  }
0x1d5: {  	(v2sf) =	vpush v62, $0xF;
	_ =	sdelay $0xd  }
0x1d6: {  	s20 =	spop @!p1 (v2sf)  }
0x1d7: {  	s26 =	spop (v2sf)  }
0x1d8: {  	s20 =	smov.u32 @p1 s21;
	s28 =	sxor.u32 $0x80000000, s26  }
0x1d9: {  	p0 =	sge.s32 s28, s20  }
0x1da: {  	(xrf1) =	vsort.dscd.msk.u32 @!p0 $0xffff, v11, v9;
	_ =	sdelay $0xd  }
0x1db: {  	v9, _, _ =	vpop @!p0 (xrf1)  }
0x1dc: {  	v10 =	vpsel p1, v10, v12;
	v9 =	vxor.u32 @!p0 $0x80000000, v9  }
0x1dd: {  	vm0 =	vlt.s32 @!p0 v10, v9  }
0x1de: {  	v9 =	vsel @!p0 vm0, v10, v9  }
0x1df: {  	v11 =	vlaneseq.u32 @!p0;
	v9 =	vxor.u32 @!p0 $0x80000000, v9  }
0x1e0: {  	(xrf1) =	vsort.ascd.msk.u32 @!p0 $0xffff, v9, v11;
	_ =	sdelay $0xd  }
0x1e1: {  	v9, _, _ =	vpop @!p0 (xrf1)  }
0x1e2: {  	v9 =	vxor.u32 @!p0 $0x80000000, v9  }
0x1e3: {  	(v2sf) =	vpush @!p0 v9, $0x0;
	_ =	sdelay $0xe  }
0x1e4: {  	s21 =	spop @!p0 (v2sf)  }
0x1e5: {  	p1 =	slt.s32 @!p0 s23, s21  }
0x1e6: {  	s22 =	smov.u32 s23;
	p1 =	por !p1, p0  }
0x1e7: {  	s22 =	smov.u32 @p1 s21;
	p1 =	sgt.s32 @!p0 s23, s21  }
0x1e8: {  	p1 =	por !p1, p0  }
0x1e9: {  	vm0 =	veq.s32 @!p0 v11, $0x0;
	s22 =	smov.u32 @p0 s23;
	s23 =	smov.u32 @p1 s21  }
0x1ea: {  	v9 =	vsel @!p0 vm0, s23, v9  }
0x1eb: {  	v9 =	vxor.u32 @!p0 $0x80000000, v9  }
0x1ec: {  	(xrf1) =	vsort.ascd.msk.u32 @!p0 $0xffff, v9, v11;
	_ =	sdelay $0x8  }
0x1ed: {  	v9 =	vxor.u32 $0x80000000, v8  }
0x1ee: {  	(xrf0) =	vmin.scan.msk.u32 $0xffff, v9;
	_ =	sdelay $0x3  }
0x1ef: {  	v11, _, _ =	vpop @!p0 (xrf1)  }
0x1f0: {  	v11 =	vxor.u32 @!p0 $0x80000000, v11  }
0x1f1: {  	v63, _, _ =	vpop (xrf0);
	(v2sf) =	vpush @!p0 v11, $0xF  }
0x1f2: {  	(v2sf) =	vpush v63, $0xF;
	_ =	sdelay $0xd  }
0x1f3: {  	s21 =	spop @!p0 (v2sf)  }
0x1f4: {  	s29 =	spop (v2sf)  }
0x1f5: {  	s21 =	smov.u32 @p0 s20;
	s30 =	sxor.u32 $0x80000000, s29  }
0x1f6: {  	p1 =	sge.s32 s30, s21  }
0x1f7: {  	(xrf1) =	vsort.dscd.msk.u32 @!p1 $0xffff, v9, v8;
	_ =	sdelay $0xd  }
0x1f8: {  	v8, _, _ =	vpop @!p1 (xrf1)  }
0x1f9: {  	v9 =	vpsel p0, v10, v11;
	v8 =	vxor.u32 @!p1 $0x80000000, v8  }
0x1fa: {  	vm0 =	vlt.s32 @!p1 v9, v8  }
0x1fb: {  	v8 =	vsel @!p1 vm0, v9, v8  }
0x1fc: {  	v10 =	vlaneseq.u32 @!p1;
	v8 =	vxor.u32 @!p1 $0x80000000, v8  }
0x1fd: {  	(xrf1) =	vsort.ascd.msk.u32 @!p1 $0xffff, v8, v10;
	_ =	sdelay $0xd  }
0x1fe: {  	v8, _, _ =	vpop @!p1 (xrf1)  }
0x1ff: {  	v8 =	vxor.u32 @!p1 $0x80000000, v8  }
0x200: {  	(v2sf) =	vpush @!p1 v8, $0x0;
	_ =	sdelay $0xe  }
0x201: {  	s20 =	spop @!p1 (v2sf)  }
0x202: {  	p0 =	slt.s32 @!p1 s22, s20  }
0x203: {  	s23 =	smov.u32 s22;
	p0 =	por !p0, p1  }
0x204: {  	s23 =	smov.u32 @p0 s20;
	p0 =	sgt.s32 @!p1 s22, s20  }
0x205: {  	p0 =	por !p0, p1  }
0x206: {  	vm0 =	veq.s32 @!p1 v10, $0x0;
	s23 =	smov.u32 @p1 s22;
	s22 =	smov.u32 @p0 s20  }
0x207: {  	v8 =	vsel @!p1 vm0, s22, v8  }
0x208: {  	v8 =	vxor.u32 @!p1 $0x80000000, v8  }
0x209: {  	(xrf1) =	vsort.ascd.msk.u32 @!p1 $0xffff, v8, v10;
	_ =	sdelay $0x8  }
0x20a: {  	v8 =	vxor.u32 $0x80000000, v7  }
0x20b: {  	(xrf0) =	vmin.scan.msk.u32 $0xffff, v8;
	_ =	sdelay $0x3  }
0x20c: {  	v10, _, _ =	vpop @!p1 (xrf1)  }
0x20d: {  	v10 =	vxor.u32 @!p1 $0x80000000, v10  }
0x20e: {  	v11, _, _ =	vpop (xrf0);
	(v2sf) =	vpush @!p1 v10, $0xF  }
0x20f: {  	(v2sf) =	vpush v11, $0xF;
	_ =	sdelay $0xd  }
0x210: {  	s22 =	spop @!p1 (v2sf)  }
0x211: {  	s31 =	spop (v2sf)  }
0x212: {  	s22 =	smov.u32 @p1 s21;
	s20 =	sxor.u32 $0x80000000, s31  }
0x213: {  	p0 =	sge.s32 s20, s22  }
0x214: {  	(xrf1) =	vsort.dscd.msk.u32 @!p0 $0xffff, v8, v7;
	_ =	sdelay $0xd  }
0x215: {  	v7, _, _ =	vpop @!p0 (xrf1)  }
0x216: {  	v8 =	vpsel p1, v9, v10;
	v7 =	vxor.u32 @!p0 $0x80000000, v7  }
0x217: {  	vm0 =	vlt.s32 @!p0 v8, v7  }
0x218: {  	v7 =	vsel @!p0 vm0, v8, v7  }
0x219: {  	v9 =	vlaneseq.u32 @!p0;
	v7 =	vxor.u32 @!p0 $0x80000000, v7  }
0x21a: {  	(xrf1) =	vsort.ascd.msk.u32 @!p0 $0xffff, v7, v9;
	_ =	sdelay $0xd  }
0x21b: {  	v7, _, _ =	vpop @!p0 (xrf1)  }
0x21c: {  	v7 =	vxor.u32 @!p0 $0x80000000, v7  }
0x21d: {  	(v2sf) =	vpush @!p0 v7, $0x0;
	_ =	sdelay $0xe  }
0x21e: {  	s21 =	spop @!p0 (v2sf)  }
0x21f: {  	p1 =	slt.s32 @!p0 s23, s21  }
0x220: {  	s20 =	smov.u32 s23;
	p1 =	por !p1, p0  }
0x221: {  	s20 =	smov.u32 @p1 s21;
	p1 =	sgt.s32 @!p0 s23, s21  }
0x222: {  	p1 =	por !p1, p0  }
0x223: {  	vm0 =	veq.s32 @!p0 v9, $0x0;
	s20 =	smov.u32 @p0 s23;
	s23 =	smov.u32 @p1 s21  }
0x224: {  	v7 =	vsel @!p0 vm0, s23, v7  }
0x225: {  	v7 =	vxor.u32 @!p0 $0x80000000, v7  }
0x226: {  	(xrf1) =	vsort.ascd.msk.u32 @!p0 $0xffff, v7, v9;
	_ =	sdelay $0xd  }
0x227: {  	v7, _, _ =	vpop @!p0 (xrf1)  }
0x228: {  	v7 =	vxor.u32 @!p0 $0x80000000, v7  }
0x229: {  	(v2sf) =	vpush @!p0 v7, $0xF;
	_ =	sdelay $0xb  }
.Ltmp8:
0x22a: {  	_ = 	snop;
	(pc) =	sbr.rel .LBB2_7-.Ltmp8, $3  }
0x22b: {  	_ =	sdelay $0x1  }
0x22c: {  	s21 =	spop @!p0 (v2sf)  }
0x22d: {  	v10 =	vpsel p0, v8, v7;
	s21 =	smov.u32 @p0 s22  }
.LBB2_10:
0x22e: {  	_ =	sfence.sel $0x180000  }
0x22f: {  	[bflag:$0x0] =	sbarrier.arrive $0xFFFF  }
0x230: {  	p0 =	sne.s32 s2, $0x0;
	_ =	strace $0x90000047  }
0x231: {  	s0 =	sadd.s32 @!p0 $0x100000, s0;
	[bflag:$0x2] =	sbarrier.arrive $0xFFFF  }
0x232: {  	[sflag:s0] =	ssyncadd.tile.s32 @!p0 $0x1;
	_ =	shalt  }
.Lfunc_end2:
_tile_overlayer_lowered:
.L_overlay_start_2:
0x233: {  	(tag) =	ssettag $0x2  }
0x234: {  	s0 =	rddreg [dreg:$0x0];
	s2 =	stileid.u32  }
0x235: {  	s1 =	rddreg [dreg:$0x1];
	p0 =	sne.s32 s2, $0x0  }
0x236: {  	s3 =	rddreg [dreg:$0x2];
	[bflag:$0x3] =	sbarrier.arrive $0xFFFF;
	s2 =	simm.s32 @!p0 $0x1C01  }
0x237: {  	[timem:s3], [sflag:s2] =	dma.local @!p0 [hbm:s0], s1  }
0x238: {  	s0 =	simm.s32 @!p0 $0x1  }
0x239: {  	_ =	swait.ge @!p0 [sflag:s0], s1  }
0x23a: {  	s1 =	ssub.s32 @!p0 $0x0, s1;
	[sflag:s0] =	ssyncset.done @!p0 $0x0  }
0x23b: {  	[sflag:s0] =	ssyncadd.s32 @!p0 s1  }
0x23c: {  	[bflag:$0x3] =	sbarrier.arrive $0xFFFF  }
0x23d: {  	_ =	shalt  }

</sc_bundles>
